<compile_context>
chip_gen: v7x
topology: tpu7x:2x2x1
jax: 0.10.2.dev20260603
libtpu: 0.0.44.dev20260713+nightly
codegen_flags: <defaults>
</compile_context>

<pallas_src>
import functools

import jax
import jax.numpy as jnp
from jax import lax
from jax.experimental import pallas as pl
from jax.experimental.pallas import tpu as pltpu
from jax.experimental.pallas import tpu_sc as plsc

N_VOTERS = 64
BATCH = 1048576
LANES = 16
NUM_WORKERS = 32

SC_COLS = 622592
TC_COLS = BATCH - SC_COLS
CHUNK = 512
NSL = CHUNK // LANES
BPW = max(SC_COLS // NUM_WORKERS, CHUNK)
NCH = BPW // CHUNK
TC_BLK = 8192

_MESH = plsc.VectorSubcoreMesh(core_axis_name="c", subcore_axis_name="s")


@functools.partial(
    pl.kernel,
    out_type=jax.ShapeDtypeStruct((max(SC_COLS, 1),), jnp.int32),
    mesh=_MESH,
    scratch_types=[
        pltpu.VMEM((N_VOTERS, LANES), jnp.float32),
        pltpu.VMEM((N_VOTERS, CHUNK), jnp.int32),
        pltpu.VMEM((N_VOTERS, CHUNK), jnp.int32),
        pltpu.VMEM((CHUNK,), jnp.int32),
        pltpu.VMEM((CHUNK,), jnp.int32),
        pltpu.SemaphoreType.DMA,
        pltpu.SemaphoreType.DMA,
        pltpu.SemaphoreType.DMA,
        pltpu.SemaphoreType.DMA,
    ],
)
def _vote_sc(votes_hbm, wb_hbm, out_hbm, wb_v, buf0, buf1, out_v0, out_v1,
             sem0, sem1, osem0, osem1):
    wid = lax.axis_index("s") * 2 + lax.axis_index("c")
    base = wid * BPW

    pltpu.sync_copy(wb_hbm, wb_v)

    def _wsum(v, s):
        return s + wb_v[v]
    sumw = lax.fori_loop(0, N_VOTERS, _wsum,
                         jnp.zeros((LANES,), jnp.float32))

    def _start(ch, buf, sem):
        pltpu.async_copy(
            votes_hbm.at[:, pl.ds(base + ch * CHUNK, CHUNK)], buf, sem)

    def _wait(buf, sem):
        pltpu.make_async_copy(
            votes_hbm.at[:, pl.ds(base, CHUNK)], buf, sem).wait()

    def _owait(ch, out_v, osem):
        pltpu.make_async_copy(
            out_v, out_hbm.at[pl.ds(base + ch * CHUNK, CHUNK)], osem).wait()

    def _compute(ch, buf, out_v, osem):
        def _vstep(v, accs):
            w = wb_v[v]
            return tuple(
                accs[sl] + buf[v, pl.ds(sl * LANES, LANES)]
                .astype(jnp.float32) * w
                for sl in range(NSL))
        zero = jnp.zeros((LANES,), jnp.float32)
        accs = lax.fori_loop(0, N_VOTERS, _vstep, (zero,) * NSL)

        @pl.when(ch >= 2)
        def _():
            _owait(ch, out_v, osem)

        for sl in range(NSL):
            c1 = accs[sl]
            u1 = c1.astype(jnp.int32)
            u0 = (sumw - c1).astype(jnp.int32)
            out_v[pl.ds(sl * LANES, LANES)] = (
                jnp.right_shift(u0 - u1, 31) & 1)
        pltpu.async_copy(
            out_v, out_hbm.at[pl.ds(base + ch * CHUNK, CHUNK)], osem)

    _start(0, buf0, sem0)

    def _outer(g2, carry):
        for b, (buf, sem, nbuf, nsem, out_v, osem) in enumerate(
                ((buf0, sem0, buf1, sem1, out_v0, osem0),
                 (buf1, sem1, buf0, sem0, out_v1, osem1))):
            ch = 2 * g2 + b

            @pl.when(ch + 1 < NCH)
            def _():
                _start(ch + 1, nbuf, nsem)

            _wait(buf, sem)
            _compute(ch, buf, out_v, osem)
        return carry

    lax.fori_loop(0, NCH // 2, _outer, 0)
    _owait(NCH - 2, out_v0, osem0)
    _owait(NCH - 1, out_v1, osem1)


def _vote_tc_body(w_ref, x_ref, o_ref):
    x = x_ref[...].astype(jnp.float32)
    w = w_ref[...]
    c1 = jnp.sum(x * w, axis=0)
    sumw = jnp.sum(w)
    u1 = c1.astype(jnp.int32)
    u0 = (sumw - c1).astype(jnp.int32)
    o_ref[...] = (u1 > u0).astype(jnp.int32)


def _vote_tc(votes, w2):
    grid = (TC_COLS // TC_BLK,)
    off = SC_COLS // TC_BLK
    return pl.pallas_call(
        _vote_tc_body,
        grid=grid,
        in_specs=[
            pl.BlockSpec((N_VOTERS, 1), lambda j: (0, 0)),
            pl.BlockSpec((N_VOTERS, TC_BLK), lambda j: (0, j + off)),
        ],
        out_specs=pl.BlockSpec((TC_BLK,), lambda j: (j,)),
        out_shape=jax.ShapeDtypeStruct((TC_COLS,), jnp.int32),
    )(w2, votes)


def kernel(inputs, vote_weights):
    w = vote_weights.astype(jnp.float32)
    parts = []
    if SC_COLS > 0:
        wb = jnp.broadcast_to(w[:, None], (N_VOTERS, LANES))
        parts.append(_vote_sc(inputs, wb))
    if TC_COLS > 0:
        parts.append(_vote_tc(inputs, w[:, None]))
    if len(parts) == 1:
        return parts[0]
    return jnp.concatenate(parts)

# --- scband reference (transcript-rebuilt; emitter-appended) ---
"""Pipeline reference for scband-hard-binary-vote-43430709297532 (READ-ONLY COPY).

The authoritative reference and input builder live on the scoring server;
editing this copy changes nothing except your own understanding.
"""

import jax, jax.numpy as jnp
import numpy as np

N_VOTERS = 64
BATCH = 1048576


def setup_inputs(seed: int = 0) -> dict:
    key = jax.random.key(seed)
    # votes in {0,1}: [n_voters, batch]
    votes = jax.random.randint(key, (N_VOTERS, BATCH), 0, 2, dtype=jnp.int32)
    # learned parameter: vote_weights initialized to ones(n)/n (default keras build path)
    vote_weights = jnp.ones((N_VOTERS,), dtype=jnp.float32) / N_VOTERS
    return {"inputs": votes, "vote_weights": vote_weights}


def reference(inputs, vote_weights):
    # inputs: int32 [V, B]. keras call: transpose -> [B, V], then per-row
    # weighted bincount(minlength=2) with vote_weights, cast uint8, argmax over bins.
    zT = jnp.transpose(inputs)  # [B, V]
    B = zT.shape[0]
    rows = jnp.broadcast_to(jnp.arange(B)[:, None], zT.shape)
    wb = jnp.broadcast_to(vote_weights[None, :], zT.shape).astype(jnp.float32)
    # weighted bincount per sample via scatter-add (SparseCore-friendly)
    counts = jnp.zeros((B, 2), dtype=jnp.float32).at[rows, zT].add(wb)
    counts_u8 = counts.astype(jnp.uint8)  # faithful to ops.cast(..., 'uint8')
    return jnp.argmax(counts_u8, axis=1)

if __name__ == "__main__":
    import jax
    _d = setup_inputs()
    print(jax.jit(kernel)(*tuple(_d.values())))

</pallas_src>

<mosaic_0001>
#map = affine_map<(d0, d1) -> (0, 0)>
#map1 = affine_map<(d0, d1) -> (0)>
module attributes {stable_mosaic.version = 14 : i64} {
  func.func @_vote_sc(%arg0: i32, %arg1: i32, %arg2: memref<64x1048576xi32, #tpu.memory_space<hbm>>, %arg3: memref<64x16xf32, #tpu.memory_space<hbm>>, %arg4: memref<622592xi32, #tpu.memory_space<hbm>>, %arg5: memref<64x16xf32, #tpu.memory_space<vmem>>, %arg6: memref<64x512xi32, #tpu.memory_space<vmem>>, %arg7: memref<64x512xi32, #tpu.memory_space<vmem>>, %arg8: memref<512xi32, #tpu.memory_space<vmem>>, %arg9: memref<512xi32, #tpu.memory_space<vmem>>, %arg10: memref<!tpu.dma_semaphore, #tpu.memory_space<semaphore_mem>>, %arg11: memref<!tpu.dma_semaphore, #tpu.memory_space<semaphore_mem>>, %arg12: memref<!tpu.dma_semaphore, #tpu.memory_space<semaphore_mem>>, %arg13: memref<!tpu.dma_semaphore, #tpu.memory_space<semaphore_mem>>) attributes {dimension_semantics = [#tpu.dimension_semantics<core_parallel>, #tpu.dimension_semantics<subcore_parallel>], iteration_bounds = array<i64: 2, 16>, scalar_prefetch = 0 : i64, scratch_operands = 9 : i64, tpu.core_type = #tpu.core_type<sc_vector_subcore>, window_params = [{transform_indices = #map}, {transform_indices = #map}, {transform_indices = #map1}]} {
    %mul3A = arith.constant 2 : i32
    %mul3A_0 = arith.muli %arg1, %mul3A : i32
    %add3A = arith.addi %mul3A_0, %arg0 : i32
    %mul3A_1 = arith.constant 19456 : i32
    %mul3A_2 = arith.muli %add3A, %mul3A_1 : i32
    "tpu.region"() ({
      %run_scoped3A = tpu.sem_alloc : memref<!tpu.dma_semaphore, #tpu.memory_space<semaphore_mem>>
      tpu.enqueue_dma source(%arg3 : memref<64x16xf32, #tpu.memory_space<hbm>>) target(%arg5 : memref<64x16xf32, #tpu.memory_space<vmem>>) target_semaphore(%run_scoped3A : memref<!tpu.dma_semaphore, #tpu.memory_space<semaphore_mem>>)
      tpu.wait_dma2 semaphore(%run_scoped3A : memref<!tpu.dma_semaphore, #tpu.memory_space<semaphore_mem>>) src(%arg3 : memref<64x16xf32, #tpu.memory_space<hbm>>) dst(%arg5 : memref<64x16xf32, #tpu.memory_space<vmem>>)
      tpu.yield
    }) : () -> ()
    %broadcast_in_dim3A = arith.constant 0.000000e+00 : f32
    %broadcast_in_dim3A_3 = vector.broadcast %broadcast_in_dim3A : f32 to vector<16xf32>
    %scan3A = arith.constant 0 : i32
    %scan3A_4 = arith.constant 64 : i32
    %scan3A_5 = arith.addi %scan3A, %scan3A_4 : i32
    %scan3A_6 = arith.constant 1 : i32
    %scan3A_7 = scf.for %scan3A_27 = %scan3A to %scan3A_5 step %scan3A_6 iter_args(%scan3A_28 = %broadcast_in_dim3A_3) -> (vector<16xf32>)  : i32 {
      %get3A = arith.index_cast %scan3A_27 : i32 to index
      %get3A_29 = arith.constant 0 : index
      %get3A_30 = tpu.vector_load %arg5[%get3A, %get3A_29] {strides = array<i32>} : memref<64x16xf32, #tpu.memory_space<vmem>>, vector<1x16xf32>,
      %get3A_31 = vector.shape_cast %get3A_30 : vector<1x16xf32> to vector<16xf32>
      %add3A_32 = arith.addf %scan3A_28, %get3A_31 : vector<16xf32>
      scf.yield %add3A_32 : vector<16xf32>
    }
    %scan3A_8 = arith.constant 64 : i32
    %add3A_9 = arith.constant 0 : i32
    %add3A_10 = arith.addi %mul3A_2, %add3A_9 : i32
    %dma_start3A = arith.constant 0 : i32
    %dma_start3A_11 = tpu.memref_slice %arg2[%dma_start3A, %add3A_10] : memref<64x1048576xi32, #tpu.memory_space<hbm>> -> memref<64x512xi32, #tpu.memory_space<hbm>>
    %dma_start3A_12 = arith.constant 0 : i32
    %dma_start3A_13 = tpu.memref_slice %arg2[%dma_start3A_12, %add3A_10] : memref<64x1048576xi32, #tpu.memory_space<hbm>> -> memref<64x512xi32, #tpu.memory_space<hbm>>
    tpu.enqueue_dma source(%dma_start3A_13 : memref<64x512xi32, #tpu.memory_space<hbm>>) target(%arg6 : memref<64x512xi32, #tpu.memory_space<vmem>>) target_semaphore(%arg10 : memref<!tpu.dma_semaphore, #tpu.memory_space<semaphore_mem>>)
    %scan3A_14 = arith.constant 0 : i32
    %scan3A_15 = arith.constant 0 : i32
    %scan3A_16 = arith.constant 19 : i32
    %scan3A_17 = arith.addi %scan3A_15, %scan3A_16 : i32
    %scan3A_18 = arith.constant 1 : i32
    scf.for %scan3A_27 = %scan3A_15 to %scan3A_17 step %scan3A_18  : i32 {
      %mul3A_28 = arith.constant 2 : i32
      %mul3A_29 = arith.muli %mul3A_28, %scan3A_27 : i32
      %add3A_30 = arith.constant 0 : i32
      %add3A_31 = arith.addi %mul3A_29, %add3A_30 : i32
      %add3A_32 = arith.constant 1 : i32
      %add3A_33 = arith.addi %add3A_31, %add3A_32 : i32
      %lt3A = arith.constant 38 : i32
      %lt3A_34 = arith.cmpi slt, %add3A_33, %lt3A : i32
      %convert_element_type3A = arith.extui %lt3A_34 : i1 to i32
      %cond3A = arith.constant 0 : i32
      %cond3A_35 = arith.cmpi ne, %convert_element_type3A, %cond3A : i32
      scf.if %cond3A_35 {
        %add3A_982 = arith.constant 1 : i32
        %add3A_983 = arith.addi %add3A_31, %add3A_982 : i32
        %mul3A_984 = arith.constant 512 : i32
        %mul3A_985 = arith.muli %add3A_983, %mul3A_984 : i32
        %add3A_986 = arith.addi %mul3A_2, %mul3A_985 : i32
        %dma_start3A_987 = arith.constant 0 : i32
        %dma_start3A_988 = tpu.memref_slice %arg2[%dma_start3A_987, %add3A_986] : memref<64x1048576xi32, #tpu.memory_space<hbm>> -> memref<64x512xi32, #tpu.memory_space<hbm>>
        %dma_start3A_989 = arith.constant 0 : i32
        %dma_start3A_990 = tpu.memref_slice %arg2[%dma_start3A_989, %add3A_986] : memref<64x1048576xi32, #tpu.memory_space<hbm>> -> memref<64x512xi32, #tpu.memory_space<hbm>>
        tpu.enqueue_dma source(%dma_start3A_990 : memref<64x512xi32, #tpu.memory_space<hbm>>) target(%arg7 : memref<64x512xi32, #tpu.memory_space<vmem>>) target_semaphore(%arg11 : memref<!tpu.dma_semaphore, #tpu.memory_space<semaphore_mem>>)
      } else {
      }
      %dma_wait3A_36 = arith.constant 0 : i32
      %dma_wait3A_37 = tpu.memref_slice %arg2[%dma_wait3A_36, %mul3A_2] : memref<64x1048576xi32, #tpu.memory_space<hbm>> -> memref<64x512xi32, #tpu.memory_space<hbm>>
      %dma_wait3A_38 = arith.constant 0 : i32
      %dma_wait3A_39 = tpu.memref_slice %arg2[%dma_wait3A_38, %mul3A_2] : memref<64x1048576xi32, #tpu.memory_space<hbm>> -> memref<64x512xi32, #tpu.memory_space<hbm>>
      tpu.wait_dma2 semaphore(%arg10 : memref<!tpu.dma_semaphore, #tpu.memory_space<semaphore_mem>>) src(%dma_wait3A_39 : memref<64x512xi32, #tpu.memory_space<hbm>>) dst(%arg6 : memref<64x512xi32, #tpu.memory_space<vmem>>)
      %broadcast_in_dim3A_40 = arith.constant 0.000000e+00 : f32
      %broadcast_in_dim3A_41 = vector.broadcast %broadcast_in_dim3A_40 : f32 to vector<16xf32>
      %scan3A_42 = arith.constant 0 : i32
      %scan3A_43 = arith.constant 64 : i32
      %scan3A_44 = arith.addi %scan3A_42, %scan3A_43 : i32
      %scan3A_45 = arith.constant 1 : i32
      %scan3A_46:32 = scf.for %scan3A_982 = %scan3A_42 to %scan3A_44 step %scan3A_45 iter_args(%scan3A_983 = %broadcast_in_dim3A_41, %scan3A_984 = %broadcast_in_dim3A_41, %scan3A_985 = %broadcast_in_dim3A_41, %scan3A_986 = %broadcast_in_dim3A_41, %scan3A_987 = %broadcast_in_dim3A_41, %scan3A_988 = %broadcast_in_dim3A_41, %scan3A_989 = %broadcast_in_dim3A_41, %scan3A_990 = %broadcast_in_dim3A_41, %scan3A_991 = %broadcast_in_dim3A_41, %scan3A_992 = %broadcast_in_dim3A_41, %scan3A_993 = %broadcast_in_dim3A_41, %scan3A_994 = %broadcast_in_dim3A_41, %scan3A_995 = %broadcast_in_dim3A_41, %scan3A_996 = %broadcast_in_dim3A_41, %scan3A_997 = %broadcast_in_dim3A_41, %scan3A_998 = %broadcast_in_dim3A_41, %scan3A_999 = %broadcast_in_dim3A_41, %scan3A_1000 = %broadcast_in_dim3A_41, %scan3A_1001 = %broadcast_in_dim3A_41, %scan3A_1002 = %broadcast_in_dim3A_41, %scan3A_1003 = %broadcast_in_dim3A_41, %scan3A_1004 = %broadcast_in_dim3A_41, %scan3A_1005 = %broadcast_in_dim3A_41, %scan3A_1006 = %broadcast_in_dim3A_41, %scan3A_1007 = %broadcast_in_dim3A_41, %scan3A_1008 = %broadcast_in_dim3A_41, %scan3A_1009 = %broadcast_in_dim3A_41, %scan3A_1010 = %broadcast_in_dim3A_41, %scan3A_1011 = %broadcast_in_dim3A_41, %scan3A_1012 = %broadcast_in_dim3A_41, %scan3A_1013 = %broadcast_in_dim3A_41, %scan3A_1014 = %broadcast_in_dim3A_41) -> (vector<16xf32>, vector<16xf32>, vector<16xf32>, vector<16xf32>, vector<16xf32>, vector<16xf32>, vector<16xf32>, vector<16xf32>, vector<16xf32>, vector<16xf32>, vector<16xf32>, vector<16xf32>, vector<16xf32>, vector<16xf32>, vector<16xf32>, vector<16xf32>, vector<16xf32>, vector<16xf32>, vector<16xf32>, vector<16xf32>, vector<16xf32>, vector<16xf32>, vector<16xf32>, vector<16xf32>, vector<16xf32>, vector<16xf32>, vector<16xf32>, vector<16xf32>, vector<16xf32>, vector<16xf32>, vector<16xf32>, vector<16xf32>)  : i32 {
        %get3A = arith.index_cast %scan3A_982 : i32 to index
        %get3A_1015 = arith.constant 0 : index
        %get3A_1016 = tpu.vector_load %arg5[%get3A, %get3A_1015] {strides = array<i32>} : memref<64x16xf32, #tpu.memory_space<vmem>>, vector<1x16xf32>,
        %get3A_1017 = vector.shape_cast %get3A_1016 : vector<1x16xf32> to vector<16xf32>
        %get3A_1018 = arith.index_cast %scan3A_982 : i32 to index
        %get3A_1019 = arith.constant 0 : index
        %get3A_1020 = tpu.vector_load %arg6[%get3A_1018, %get3A_1019] {strides = array<i32>} : memref<64x512xi32, #tpu.memory_space<vmem>>, vector<1x16xi32>,
        %get3A_1021 = vector.shape_cast %get3A_1020 : vector<1x16xi32> to vector<16xi32>
        %convert_element_type3A_1022 = arith.sitofp %get3A_1021 : vector<16xi32> to vector<16xf32>
        %mul3A_1023 = arith.mulf %convert_element_type3A_1022, %get3A_1017 : vector<16xf32>
        %add3A_1024 = arith.addf %scan3A_983, %mul3A_1023 : vector<16xf32>
        %get3A_1025 = arith.index_cast %scan3A_982 : i32 to index
        %get3A_1026 = arith.constant 16 : index
        %get3A_1027 = tpu.vector_load %arg6[%get3A_1025, %get3A_1026] {strides = array<i32>} : memref<64x512xi32, #tpu.memory_space<vmem>>, vector<1x16xi32>,
        %get3A_1028 = vector.shape_cast %get3A_1027 : vector<1x16xi32> to vector<16xi32>
        %convert_element_type3A_1029 = arith.sitofp %get3A_1028 : vector<16xi32> to vector<16xf32>
        %mul3A_1030 = arith.mulf %convert_element_type3A_1029, %get3A_1017 : vector<16xf32>
        %add3A_1031 = arith.addf %scan3A_984, %mul3A_1030 : vector<16xf32>
        %get3A_1032 = arith.index_cast %scan3A_982 : i32 to index
        %get3A_1033 = arith.constant 32 : index
        %get3A_1034 = tpu.vector_load %arg6[%get3A_1032, %get3A_1033] {strides = array<i32>} : memref<64x512xi32, #tpu.memory_space<vmem>>, vector<1x16xi32>,
        %get3A_1035 = vector.shape_cast %get3A_1034 : vector<1x16xi32> to vector<16xi32>
        %convert_element_type3A_1036 = arith.sitofp %get3A_1035 : vector<16xi32> to vector<16xf32>
        %mul3A_1037 = arith.mulf %convert_element_type3A_1036, %get3A_1017 : vector<16xf32>
        %add3A_1038 = arith.addf %scan3A_985, %mul3A_1037 : vector<16xf32>
        %get3A_1039 = arith.index_cast %scan3A_982 : i32 to index
        %get3A_1040 = arith.constant 48 : index
        %get3A_1041 = tpu.vector_load %arg6[%get3A_1039, %get3A_1040] {strides = array<i32>} : memref<64x512xi32, #tpu.memory_space<vmem>>, vector<1x16xi32>,
        %get3A_1042 = vector.shape_cast %get3A_1041 : vector<1x16xi32> to vector<16xi32>
        %convert_element_type3A_1043 = arith.sitofp %get3A_1042 : vector<16xi32> to vector<16xf32>
        %mul3A_1044 = arith.mulf %convert_element_type3A_1043, %get3A_1017 : vector<16xf32>
        %add3A_1045 = arith.addf %scan3A_986, %mul3A_1044 : vector<16xf32>
        %get3A_1046 = arith.index_cast %scan3A_982 : i32 to index
        %get3A_1047 = arith.constant 64 : index
        %get3A_1048 = tpu.vector_load %arg6[%get3A_1046, %get3A_1047] {strides = array<i32>} : memref<64x512xi32, #tpu.memory_space<vmem>>, vector<1x16xi32>,
        %get3A_1049 = vector.shape_cast %get3A_1048 : vector<1x16xi32> to vector<16xi32>
        %convert_element_type3A_1050 = arith.sitofp %get3A_1049 : vector<16xi32> to vector<16xf32>
        %mul3A_1051 = arith.mulf %convert_element_type3A_1050, %get3A_1017 : vector<16xf32>
        %add3A_1052 = arith.addf %scan3A_987, %mul3A_1051 : vector<16xf32>
        %get3A_1053 = arith.index_cast %scan3A_982 : i32 to index
        %get3A_1054 = arith.constant 80 : index
        %get3A_1055 = tpu.vector_load %arg6[%get3A_1053, %get3A_1054] {strides = array<i32>} : memref<64x512xi32, #tpu.memory_space<vmem>>, vector<1x16xi32>,
        %get3A_1056 = vector.shape_cast %get3A_1055 : vector<1x16xi32> to vector<16xi32>
        %convert_element_type3A_1057 = arith.sitofp %get3A_1056 : vector<16xi32> to vector<16xf32>
        %mul3A_1058 = arith.mulf %convert_element_type3A_1057, %get3A_1017 : vector<16xf32>
        %add3A_1059 = arith.addf %scan3A_988, %mul3A_1058 : vector<16xf32>
        %get3A_1060 = arith.index_cast %scan3A_982 : i32 to index
        %get3A_1061 = arith.constant 96 : index
        %get3A_1062 = tpu.vector_load %arg6[%get3A_1060, %get3A_1061] {strides = array<i32>} : memref<64x512xi32, #tpu.memory_space<vmem>>, vector<1x16xi32>,
        %get3A_1063 = vector.shape_cast %get3A_1062 : vector<1x16xi32> to vector<16xi32>
        %convert_element_type3A_1064 = arith.sitofp %get3A_1063 : vector<16xi32> to vector<16xf32>
        %mul3A_1065 = arith.mulf %convert_element_type3A_1064, %get3A_1017 : vector<16xf32>
        %add3A_1066 = arith.addf %scan3A_989, %mul3A_1065 : vector<16xf32>
        %get3A_1067 = arith.index_cast %scan3A_982 : i32 to index
        %get3A_1068 = arith.constant 112 : index
        %get3A_1069 = tpu.vector_load %arg6[%get3A_1067, %get3A_1068] {strides = array<i32>} : memref<64x512xi32, #tpu.memory_space<vmem>>, vector<1x16xi32>,
        %get3A_1070 = vector.shape_cast %get3A_1069 : vector<1x16xi32> to vector<16xi32>
        %convert_element_type3A_1071 = arith.sitofp %get3A_1070 : vector<16xi32> to vector<16xf32>
        %mul3A_1072 = arith.mulf %convert_element_type3A_1071, %get3A_1017 : vector<16xf32>
        %add3A_1073 = arith.addf %scan3A_990, %mul3A_1072 : vector<16xf32>
        %get3A_1074 = arith.index_cast %scan3A_982 : i32 to index
        %get3A_1075 = arith.constant 128 : index
        %get3A_1076 = tpu.vector_load %arg6[%get3A_1074, %get3A_1075] {strides = array<i32>} : memref<64x512xi32, #tpu.memory_space<vmem>>, vector<1x16xi32>,
        %get3A_1077 = vector.shape_cast %get3A_1076 : vector<1x16xi32> to vector<16xi32>
        %convert_element_type3A_1078 = arith.sitofp %get3A_1077 : vector<16xi32> to vector<16xf32>
        %mul3A_1079 = arith.mulf %convert_element_type3A_1078, %get3A_1017 : vector<16xf32>
        %add3A_1080 = arith.addf %scan3A_991, %mul3A_1079 : vector<16xf32>
        %get3A_1081 = arith.index_cast %scan3A_982 : i32 to index
        %get3A_1082 = arith.constant 144 : index
        %get3A_1083 = tpu.vector_load %arg6[%get3A_1081, %get3A_1082] {strides = array<i32>} : memref<64x512xi32, #tpu.memory_space<vmem>>, vector<1x16xi32>,
        %get3A_1084 = vector.shape_cast %get3A_1083 : vector<1x16xi32> to vector<16xi32>
        %convert_element_type3A_1085 = arith.sitofp %get3A_1084 : vector<16xi32> to vector<16xf32>
        %mul3A_1086 = arith.mulf %convert_element_type3A_1085, %get3A_1017 : vector<16xf32>
        %add3A_1087 = arith.addf %scan3A_992, %mul3A_1086 : vector<16xf32>
        %get3A_1088 = arith.index_cast %scan3A_982 : i32 to index
        %get3A_1089 = arith.constant 160 : index
        %get3A_1090 = tpu.vector_load %arg6[%get3A_1088, %get3A_1089] {strides = array<i32>} : memref<64x512xi32, #tpu.memory_space<vmem>>, vector<1x16xi32>,
        %get3A_1091 = vector.shape_cast %get3A_1090 : vector<1x16xi32> to vector<16xi32>
        %convert_element_type3A_1092 = arith.sitofp %get3A_1091 : vector<16xi32> to vector<16xf32>
        %mul3A_1093 = arith.mulf %convert_element_type3A_1092, %get3A_1017 : vector<16xf32>
        %add3A_1094 = arith.addf %scan3A_993, %mul3A_1093 : vector<16xf32>
        %get3A_1095 = arith.index_cast %scan3A_982 : i32 to index
        %get3A_1096 = arith.constant 176 : index
        %get3A_1097 = tpu.vector_load %arg6[%get3A_1095, %get3A_1096] {strides = array<i32>} : memref<64x512xi32, #tpu.memory_space<vmem>>, vector<1x16xi32>,
        %get3A_1098 = vector.shape_cast %get3A_1097 : vector<1x16xi32> to vector<16xi32>
        %convert_element_type3A_1099 = arith.sitofp %get3A_1098 : vector<16xi32> to vector<16xf32>
        %mul3A_1100 = arith.mulf %convert_element_type3A_1099, %get3A_1017 : vector<16xf32>
        %add3A_1101 = arith.addf %scan3A_994, %mul3A_1100 : vector<16xf32>
        %get3A_1102 = arith.index_cast %scan3A_982 : i32 to index
        %get3A_1103 = arith.constant 192 : index
        %get3A_1104 = tpu.vector_load %arg6[%get3A_1102, %get3A_1103] {strides = array<i32>} : memref<64x512xi32, #tpu.memory_space<vmem>>, vector<1x16xi32>,
        %get3A_1105 = vector.shape_cast %get3A_1104 : vector<1x16xi32> to vector<16xi32>
        %convert_element_type3A_1106 = arith.sitofp %get3A_1105 : vector<16xi32> to vector<16xf32>
        %mul3A_1107 = arith.mulf %convert_element_type3A_1106, %get3A_1017 : vector<16xf32>
        %add3A_1108 = arith.addf %scan3A_995, %mul3A_1107 : vector<16xf32>
        %get3A_1109 = arith.index_cast %scan3A_982 : i32 to index
        %get3A_1110 = arith.constant 208 : index
        %get3A_1111 = tpu.vector_load %arg6[%get3A_1109, %get3A_1110] {strides = array<i32>} : memref<64x512xi32, #tpu.memory_space<vmem>>, vector<1x16xi32>,
        %get3A_1112 = vector.shape_cast %get3A_1111 : vector<1x16xi32> to vector<16xi32>
        %convert_element_type3A_1113 = arith.sitofp %get3A_1112 : vector<16xi32> to vector<16xf32>
        %mul3A_1114 = arith.mulf %convert_element_type3A_1113, %get3A_1017 : vector<16xf32>
        %add3A_1115 = arith.addf %scan3A_996, %mul3A_1114 : vector<16xf32>
        %get3A_1116 = arith.index_cast %scan3A_982 : i32 to index
        %get3A_1117 = arith.constant 224 : index
        %get3A_1118 = tpu.vector_load %arg6[%get3A_1116, %get3A_1117] {strides = array<i32>} : memref<64x512xi32, #tpu.memory_space<vmem>>, vector<1x16xi32>,
        %get3A_1119 = vector.shape_cast %get3A_1118 : vector<1x16xi32> to vector<16xi32>
        %convert_element_type3A_1120 = arith.sitofp %get3A_1119 : vector<16xi32> to vector<16xf32>
        %mul3A_1121 = arith.mulf %convert_element_type3A_1120, %get3A_1017 : vector<16xf32>
        %add3A_1122 = arith.addf %scan3A_997, %mul3A_1121 : vector<16xf32>
        %get3A_1123 = arith.index_cast %scan3A_982 : i32 to index
        %get3A_1124 = arith.constant 240 : index
        %get3A_1125 = tpu.vector_load %arg6[%get3A_1123, %get3A_1124] {strides = array<i32>} : memref<64x512xi32, #tpu.memory_space<vmem>>, vector<1x16xi32>,
        %get3A_1126 = vector.shape_cast %get3A_1125 : vector<1x16xi32> to vector<16xi32>
        %convert_element_type3A_1127 = arith.sitofp %get3A_1126 : vector<16xi32> to vector<16xf32>
        %mul3A_1128 = arith.mulf %convert_element_type3A_1127, %get3A_1017 : vector<16xf32>
        %add3A_1129 = arith.addf %scan3A_998, %mul3A_1128 : vector<16xf32>
        %get3A_1130 = arith.index_cast %scan3A_982 : i32 to index
        %get3A_1131 = arith.constant 256 : index
        %get3A_1132 = tpu.vector_load %arg6[%get3A_1130, %get3A_1131] {strides = array<i32>} : memref<64x512xi32, #tpu.memory_space<vmem>>, vector<1x16xi32>,
        %get3A_1133 = vector.shape_cast %get3A_1132 : vector<1x16xi32> to vector<16xi32>
        %convert_element_type3A_1134 = arith.sitofp %get3A_1133 : vector<16xi32> to vector<16xf32>
        %mul3A_1135 = arith.mulf %convert_element_type3A_1134, %get3A_1017 : vector<16xf32>
        %add3A_1136 = arith.addf %scan3A_999, %mul3A_1135 : vector<16xf32>
        %get3A_1137 = arith.index_cast %scan3A_982 : i32 to index
        %get3A_1138 = arith.constant 272 : index
        %get3A_1139 = tpu.vector_load %arg6[%get3A_1137, %get3A_1138] {strides = array<i32>} : memref<64x512xi32, #tpu.memory_space<vmem>>, vector<1x16xi32>,
        %get3A_1140 = vector.shape_cast %get3A_1139 : vector<1x16xi32> to vector<16xi32>
        %convert_element_type3A_1141 = arith.sitofp %get3A_1140 : vector<16xi32> to vector<16xf32>
        %mul3A_1142 = arith.mulf %convert_element_type3A_1141, %get3A_1017 : vector<16xf32>
        %add3A_1143 = arith.addf %scan3A_1000, %mul3A_1142 : vector<16xf32>
        %get3A_1144 = arith.index_cast %scan3A_982 : i32 to index
        %get3A_1145 = arith.constant 288 : index
        %get3A_1146 = tpu.vector_load %arg6[%get3A_1144, %get3A_1145] {strides = array<i32>} : memref<64x512xi32, #tpu.memory_space<vmem>>, vector<1x16xi32>,
        %get3A_1147 = vector.shape_cast %get3A_1146 : vector<1x16xi32> to vector<16xi32>
        %convert_element_type3A_1148 = arith.sitofp %get3A_1147 : vector<16xi32> to vector<16xf32>
        %mul3A_1149 = arith.mulf %convert_element_type3A_1148, %get3A_1017 : vector<16xf32>
        %add3A_1150 = arith.addf %scan3A_1001, %mul3A_1149 : vector<16xf32>
        %get3A_1151 = arith.index_cast %scan3A_982 : i32 to index
        %get3A_1152 = arith.constant 304 : index
        %get3A_1153 = tpu.vector_load %arg6[%get3A_1151, %get3A_1152] {strides = array<i32>} : memref<64x512xi32, #tpu.memory_space<vmem>>, vector<1x16xi32>,
        %get3A_1154 = vector.shape_cast %get3A_1153 : vector<1x16xi32> to vector<16xi32>
        %convert_element_type3A_1155 = arith.sitofp %get3A_1154 : vector<16xi32> to vector<16xf32>
        %mul3A_1156 = arith.mulf %convert_element_type3A_1155, %get3A_1017 : vector<16xf32>
        %add3A_1157 = arith.addf %scan3A_1002, %mul3A_1156 : vector<16xf32>
        %get3A_1158 = arith.index_cast %scan3A_982 : i32 to index
        %get3A_1159 = arith.constant 320 : index
        %get3A_1160 = tpu.vector_load %arg6[%get3A_1158, %get3A_1159] {strides = array<i32>} : memref<64x512xi32, #tpu.memory_space<vmem>>, vector<1x16xi32>,
        %get3A_1161 = vector.shape_cast %get3A_1160 : vector<1x16xi32> to vector<16xi32>
        %convert_element_type3A_1162 = arith.sitofp %get3A_1161 : vector<16xi32> to vector<16xf32>
        %mul3A_1163 = arith.mulf %convert_element_type3A_1162, %get3A_1017 : vector<16xf32>
        %add3A_1164 = arith.addf %scan3A_1003, %mul3A_1163 : vector<16xf32>
        %get3A_1165 = arith.index_cast %scan3A_982 : i32 to index
        %get3A_1166 = arith.constant 336 : index
        %get3A_1167 = tpu.vector_load %arg6[%get3A_1165, %get3A_1166] {strides = array<i32>} : memref<64x512xi32, #tpu.memory_space<vmem>>, vector<1x16xi32>,
        %get3A_1168 = vector.shape_cast %get3A_1167 : vector<1x16xi32> to vector<16xi32>
        %convert_element_type3A_1169 = arith.sitofp %get3A_1168 : vector<16xi32> to vector<16xf32>
        %mul3A_1170 = arith.mulf %convert_element_type3A_1169, %get3A_1017 : vector<16xf32>
        %add3A_1171 = arith.addf %scan3A_1004, %mul3A_1170 : vector<16xf32>
        %get3A_1172 = arith.index_cast %scan3A_982 : i32 to index
        %get3A_1173 = arith.constant 352 : index
        %get3A_1174 = tpu.vector_load %arg6[%get3A_1172, %get3A_1173] {strides = array<i32>} : memref<64x512xi32, #tpu.memory_space<vmem>>, vector<1x16xi32>,
        %get3A_1175 = vector.shape_cast %get3A_1174 : vector<1x16xi32> to vector<16xi32>
        %convert_element_type3A_1176 = arith.sitofp %get3A_1175 : vector<16xi32> to vector<16xf32>
        %mul3A_1177 = arith.mulf %convert_element_type3A_1176, %get3A_1017 : vector<16xf32>
        %add3A_1178 = arith.addf %scan3A_1005, %mul3A_1177 : vector<16xf32>
        %get3A_1179 = arith.index_cast %scan3A_982 : i32 to index
        %get3A_1180 = arith.constant 368 : index
        %get3A_1181 = tpu.vector_load %arg6[%get3A_1179, %get3A_1180] {strides = array<i32>} : memref<64x512xi32, #tpu.memory_space<vmem>>, vector<1x16xi32>,
        %get3A_1182 = vector.shape_cast %get3A_1181 : vector<1x16xi32> to vector<16xi32>
        %convert_element_type3A_1183 = arith.sitofp %get3A_1182 : vector<16xi32> to vector<16xf32>
        %mul3A_1184 = arith.mulf %convert_element_type3A_1183, %get3A_1017 : vector<16xf32>
        %add3A_1185 = arith.addf %scan3A_1006, %mul3A_1184 : vector<16xf32>
        %get3A_1186 = arith.index_cast %scan3A_982 : i32 to index
        %get3A_1187 = arith.constant 384 : index
        %get3A_1188 = tpu.vector_load %arg6[%get3A_1186, %get3A_1187] {strides = array<i32>} : memref<64x512xi32, #tpu.memory_space<vmem>>, vector<1x16xi32>,
        %get3A_1189 = vector.shape_cast %get3A_1188 : vector<1x16xi32> to vector<16xi32>
        %convert_element_type3A_1190 = arith.sitofp %get3A_1189 : vector<16xi32> to vector<16xf32>
        %mul3A_1191 = arith.mulf %convert_element_type3A_1190, %get3A_1017 : vector<16xf32>
        %add3A_1192 = arith.addf %scan3A_1007, %mul3A_1191 : vector<16xf32>
        %get3A_1193 = arith.index_cast %scan3A_982 : i32 to index
        %get3A_1194 = arith.constant 400 : index
        %get3A_1195 = tpu.vector_load %arg6[%get3A_1193, %get3A_1194] {strides = array<i32>} : memref<64x512xi32, #tpu.memory_space<vmem>>, vector<1x16xi32>,
        %get3A_1196 = vector.shape_cast %get3A_1195 : vector<1x16xi32> to vector<16xi32>
        %convert_element_type3A_1197 = arith.sitofp %get3A_1196 : vector<16xi32> to vector<16xf32>
        %mul3A_1198 = arith.mulf %convert_element_type3A_1197, %get3A_1017 : vector<16xf32>
        %add3A_1199 = arith.addf %scan3A_1008, %mul3A_1198 : vector<16xf32>
        %get3A_1200 = arith.index_cast %scan3A_982 : i32 to index
        %get3A_1201 = arith.constant 416 : index
        %get3A_1202 = tpu.vector_load %arg6[%get3A_1200, %get3A_1201] {strides = array<i32>} : memref<64x512xi32, #tpu.memory_space<vmem>>, vector<1x16xi32>,
        %get3A_1203 = vector.shape_cast %get3A_1202 : vector<1x16xi32> to vector<16xi32>
        %convert_element_type3A_1204 = arith.sitofp %get3A_1203 : vector<16xi32> to vector<16xf32>
        %mul3A_1205 = arith.mulf %convert_element_type3A_1204, %get3A_1017 : vector<16xf32>
        %add3A_1206 = arith.addf %scan3A_1009, %mul3A_1205 : vector<16xf32>
        %get3A_1207 = arith.index_cast %scan3A_982 : i32 to index
        %get3A_1208 = arith.constant 432 : index
        %get3A_1209 = tpu.vector_load %arg6[%get3A_1207, %get3A_1208] {strides = array<i32>} : memref<64x512xi32, #tpu.memory_space<vmem>>, vector<1x16xi32>,
        %get3A_1210 = vector.shape_cast %get3A_1209 : vector<1x16xi32> to vector<16xi32>
        %convert_element_type3A_1211 = arith.sitofp %get3A_1210 : vector<16xi32> to vector<16xf32>
        %mul3A_1212 = arith.mulf %convert_element_type3A_1211, %get3A_1017 : vector<16xf32>
        %add3A_1213 = arith.addf %scan3A_1010, %mul3A_1212 : vector<16xf32>
        %get3A_1214 = arith.index_cast %scan3A_982 : i32 to index
        %get3A_1215 = arith.constant 448 : index
        %get3A_1216 = tpu.vector_load %arg6[%get3A_1214, %get3A_1215] {strides = array<i32>} : memref<64x512xi32, #tpu.memory_space<vmem>>, vector<1x16xi32>,
        %get3A_1217 = vector.shape_cast %get3A_1216 : vector<1x16xi32> to vector<16xi32>
        %convert_element_type3A_1218 = arith.sitofp %get3A_1217 : vector<16xi32> to vector<16xf32>
        %mul3A_1219 = arith.mulf %convert_element_type3A_1218, %get3A_1017 : vector<16xf32>
        %add3A_1220 = arith.addf %scan3A_1011, %mul3A_1219 : vector<16xf32>
        %get3A_1221 = arith.index_cast %scan3A_982 : i32 to index
        %get3A_1222 = arith.constant 464 : index
        %get3A_1223 = tpu.vector_load %arg6[%get3A_1221, %get3A_1222] {strides = array<i32>} : memref<64x512xi32, #tpu.memory_space<vmem>>, vector<1x16xi32>,
        %get3A_1224 = vector.shape_cast %get3A_1223 : vector<1x16xi32> to vector<16xi32>
        %convert_element_type3A_1225 = arith.sitofp %get3A_1224 : vector<16xi32> to vector<16xf32>
        %mul3A_1226 = arith.mulf %convert_element_type3A_1225, %get3A_1017 : vector<16xf32>
        %add3A_1227 = arith.addf %scan3A_1012, %mul3A_1226 : vector<16xf32>
        %get3A_1228 = arith.index_cast %scan3A_982 : i32 to index
        %get3A_1229 = arith.constant 480 : index
        %get3A_1230 = tpu.vector_load %arg6[%get3A_1228, %get3A_1229] {strides = array<i32>} : memref<64x512xi32, #tpu.memory_space<vmem>>, vector<1x16xi32>,
        %get3A_1231 = vector.shape_cast %get3A_1230 : vector<1x16xi32> to vector<16xi32>
        %convert_element_type3A_1232 = arith.sitofp %get3A_1231 : vector<16xi32> to vector<16xf32>
        %mul3A_1233 = arith.mulf %convert_element_type3A_1232, %get3A_1017 : vector<16xf32>
        %add3A_1234 = arith.addf %scan3A_1013, %mul3A_1233 : vector<16xf32>
        %get3A_1235 = arith.index_cast %scan3A_982 : i32 to index
        %get3A_1236 = arith.constant 496 : index
        %get3A_1237 = tpu.vector_load %arg6[%get3A_1235, %get3A_1236] {strides = array<i32>} : memref<64x512xi32, #tpu.memory_space<vmem>>, vector<1x16xi32>,
        %get3A_1238 = vector.shape_cast %get3A_1237 : vector<1x16xi32> to vector<16xi32>
        %convert_element_type3A_1239 = arith.sitofp %get3A_1238 : vector<16xi32> to vector<16xf32>
        %mul3A_1240 = arith.mulf %convert_element_type3A_1239, %get3A_1017 : vector<16xf32>
        %add3A_1241 = arith.addf %scan3A_1014, %mul3A_1240 : vector<16xf32>
        scf.yield %add3A_1024, %add3A_1031, %add3A_1038, %add3A_1045, %add3A_1052, %add3A_1059, %add3A_1066, %add3A_1073, %add3A_1080, %add3A_1087, %add3A_1094, %add3A_1101, %add3A_1108, %add3A_1115, %add3A_1122, %add3A_1129, %add3A_1136, %add3A_1143, %add3A_1150, %add3A_1157, %add3A_1164, %add3A_1171, %add3A_1178, %add3A_1185, %add3A_1192, %add3A_1199, %add3A_1206, %add3A_1213, %add3A_1220, %add3A_1227, %add3A_1234, %add3A_1241 : vector<16xf32>, vector<16xf32>, vector<16xf32>, vector<16xf32>, vector<16xf32>, vector<16xf32>, vector<16xf32>, vector<16xf32>, vector<16xf32>, vector<16xf32>, vector<16xf32>, vector<16xf32>, vector<16xf32>, vector<16xf32>, vector<16xf32>, vector<16xf32>, vector<16xf32>, vector<16xf32>, vector<16xf32>, vector<16xf32>, vector<16xf32>, vector<16xf32>, vector<16xf32>, vector<16xf32>, vector<16xf32>, vector<16xf32>, vector<16xf32>, vector<16xf32>, vector<16xf32>, vector<16xf32>, vector<16xf32>, vector<16xf32>
      }
      %scan3A_47 = arith.constant 64 : i32
      %ge3A = arith.constant 2 : i32
      %ge3A_48 = arith.cmpi sge, %add3A_31, %ge3A : i32
      %convert_element_type3A_49 = arith.extui %ge3A_48 : i1 to i32
      %cond3A_50 = arith.constant 0 : i32
      %cond3A_51 = arith.cmpi ne, %convert_element_type3A_49, %cond3A_50 : i32
      scf.if %cond3A_51 {
        %mul3A_982 = arith.constant 512 : i32
        %mul3A_983 = arith.muli %add3A_31, %mul3A_982 : i32
        %add3A_984 = arith.addi %mul3A_2, %mul3A_983 : i32
        %dma_wait3A_985 = tpu.memref_slice %arg4[%add3A_984] : memref<622592xi32, #tpu.memory_space<hbm>> -> memref<512xi32, #tpu.memory_space<hbm>>
        %dma_wait3A_986 = tpu.memref_slice %arg4[%add3A_984] : memref<622592xi32, #tpu.memory_space<hbm>> -> memref<512xi32, #tpu.memory_space<hbm>>
        tpu.wait_dma2 semaphore(%arg12 : memref<!tpu.dma_semaphore, #tpu.memory_space<semaphore_mem>>) src(%arg8 : memref<512xi32, #tpu.memory_space<vmem>>) dst(%dma_wait3A_986 : memref<512xi32, #tpu.memory_space<hbm>>)
      } else {
      }
      %convert_element_type3A_52 = arith.fptosi %scan3A_46#0 : vector<16xf32> to vector<16xi32>
      %sub3A = arith.subf %scan3A_7, %scan3A_46#0 : vector<16xf32>
      %convert_element_type3A_53 = arith.fptosi %sub3A : vector<16xf32> to vector<16xi32>
      %sub3A_54 = arith.subi %convert_element_type3A_53, %convert_element_type3A_52 : vector<16xi32>
      %shift_right_arithmetic3A = arith.constant 31 : i32
      %shift_right_arithmetic3A_55 = vector.broadcast %shift_right_arithmetic3A : i32 to vector<16xi32>
      %shift_right_arithmetic3A_56 = arith.shrsi %sub3A_54, %shift_right_arithmetic3A_55 : vector<16xi32>
      %and3A = arith.constant 1 : i32
      %and3A_57 = vector.broadcast %and3A : i32 to vector<16xi32>
      %and3A_58 = arith.andi %shift_right_arithmetic3A_56, %and3A_57 : vector<16xi32>
      %swap3A = arith.constant 0 : index
      %swap3A_59 = tpu.vector_load %arg8[%swap3A] {strides = array<i32>} : memref<512xi32, #tpu.memory_space<vmem>>, vector<16xi32>,
      %swap3A_60 = vector.shape_cast %swap3A_59 : vector<16xi32> to vector<16xi32>
      %swap3A_61 = vector.shape_cast %and3A_58 : vector<16xi32> to vector<16xi32>
      tpu.vector_store %arg8[%swap3A], %swap3A_61 {strides = array<i32>} : memref<512xi32, #tpu.memory_space<vmem>>, vector<16xi32>,
      %convert_element_type3A_62 = arith.fptosi %scan3A_46#1 : vector<16xf32> to vector<16xi32>
      %sub3A_63 = arith.subf %scan3A_7, %scan3A_46#1 : vector<16xf32>
      %convert_element_type3A_64 = arith.fptosi %sub3A_63 : vector<16xf32> to vector<16xi32>
      %sub3A_65 = arith.subi %convert_element_type3A_64, %convert_element_type3A_62 : vector<16xi32>
      %shift_right_arithmetic3A_66 = arith.constant 31 : i32
      %shift_right_arithmetic3A_67 = vector.broadcast %shift_right_arithmetic3A_66 : i32 to vector<16xi32>
      %shift_right_arithmetic3A_68 = arith.shrsi %sub3A_65, %shift_right_arithmetic3A_67 : vector<16xi32>
      %and3A_69 = arith.constant 1 : i32
      %and3A_70 = vector.broadcast %and3A_69 : i32 to vector<16xi32>
      %and3A_71 = arith.andi %shift_right_arithmetic3A_68, %and3A_70 : vector<16xi32>
      %swap3A_72 = arith.constant 16 : index
      %swap3A_73 = tpu.vector_load %arg8[%swap3A_72] {strides = array<i32>} : memref<512xi32, #tpu.memory_space<vmem>>, vector<16xi32>,
      %swap3A_74 = vector.shape_cast %swap3A_73 : vector<16xi32> to vector<16xi32>
      %swap3A_75 = vector.shape_cast %and3A_71 : vector<16xi32> to vector<16xi32>
      tpu.vector_store %arg8[%swap3A_72], %swap3A_75 {strides = array<i32>} : memref<512xi32, #tpu.memory_space<vmem>>, vector<16xi32>,
      %convert_element_type3A_76 = arith.fptosi %scan3A_46#2 : vector<16xf32> to vector<16xi32>
      %sub3A_77 = arith.subf %scan3A_7, %scan3A_46#2 : vector<16xf32>
      %convert_element_type3A_78 = arith.fptosi %sub3A_77 : vector<16xf32> to vector<16xi32>
      %sub3A_79 = arith.subi %convert_element_type3A_78, %convert_element_type3A_76 : vector<16xi32>
      %shift_right_arithmetic3A_80 = arith.constant 31 : i32
      %shift_right_arithmetic3A_81 = vector.broadcast %shift_right_arithmetic3A_80 : i32 to vector<16xi32>
      %shift_right_arithmetic3A_82 = arith.shrsi %sub3A_79, %shift_right_arithmetic3A_81 : vector<16xi32>
      %and3A_83 = arith.constant 1 : i32
      %and3A_84 = vector.broadcast %and3A_83 : i32 to vector<16xi32>
      %and3A_85 = arith.andi %shift_right_arithmetic3A_82, %and3A_84 : vector<16xi32>
      %swap3A_86 = arith.constant 32 : index
      %swap3A_87 = tpu.vector_load %arg8[%swap3A_86] {strides = array<i32>} : memref<512xi32, #tpu.memory_space<vmem>>, vector<16xi32>,
      %swap3A_88 = vector.shape_cast %swap3A_87 : vector<16xi32> to vector<16xi32>
      %swap3A_89 = vector.shape_cast %and3A_85 : vector<16xi32> to vector<16xi32>
      tpu.vector_store %arg8[%swap3A_86], %swap3A_89 {strides = array<i32>} : memref<512xi32, #tpu.memory_space<vmem>>, vector<16xi32>,
      %convert_element_type3A_90 = arith.fptosi %scan3A_46#3 : vector<16xf32> to vector<16xi32>
      %sub3A_91 = arith.subf %scan3A_7, %scan3A_46#3 : vector<16xf32>
      %convert_element_type3A_92 = arith.fptosi %sub3A_91 : vector<16xf32> to vector<16xi32>
      %sub3A_93 = arith.subi %convert_element_type3A_92, %convert_element_type3A_90 : vector<16xi32>
      %shift_right_arithmetic3A_94 = arith.constant 31 : i32
      %shift_right_arithmetic3A_95 = vector.broadcast %shift_right_arithmetic3A_94 : i32 to vector<16xi32>
      %shift_right_arithmetic3A_96 = arith.shrsi %sub3A_93, %shift_right_arithmetic3A_95 : vector<16xi32>
      %and3A_97 = arith.constant 1 : i32
      %and3A_98 = vector.broadcast %and3A_97 : i32 to vector<16xi32>
      %and3A_99 = arith.andi %shift_right_arithmetic3A_96, %and3A_98 : vector<16xi32>
      %swap3A_100 = arith.constant 48 : index
      %swap3A_101 = tpu.vector_load %arg8[%swap3A_100] {strides = array<i32>} : memref<512xi32, #tpu.memory_space<vmem>>, vector<16xi32>,
      %swap3A_102 = vector.shape_cast %swap3A_101 : vector<16xi32> to vector<16xi32>
      %swap3A_103 = vector.shape_cast %and3A_99 : vector<16xi32> to vector<16xi32>
      tpu.vector_store %arg8[%swap3A_100], %swap3A_103 {strides = array<i32>} : memref<512xi32, #tpu.memory_space<vmem>>, vector<16xi32>,
      %convert_element_type3A_104 = arith.fptosi %scan3A_46#4 : vector<16xf32> to vector<16xi32>
      %sub3A_105 = arith.subf %scan3A_7, %scan3A_46#4 : vector<16xf32>
      %convert_element_type3A_106 = arith.fptosi %sub3A_105 : vector<16xf32> to vector<16xi32>
      %sub3A_107 = arith.subi %convert_element_type3A_106, %convert_element_type3A_104 : vector<16xi32>
      %shift_right_arithmetic3A_108 = arith.constant 31 : i32
      %shift_right_arithmetic3A_109 = vector.broadcast %shift_right_arithmetic3A_108 : i32 to vector<16xi32>
      %shift_right_arithmetic3A_110 = arith.shrsi %sub3A_107, %shift_right_arithmetic3A_109 : vector<16xi32>
      %and3A_111 = arith.constant 1 : i32
      %and3A_112 = vector.broadcast %and3A_111 : i32 to vector<16xi32>
      %and3A_113 = arith.andi %shift_right_arithmetic3A_110, %and3A_112 : vector<16xi32>
      %swap3A_114 = arith.constant 64 : index
      %swap3A_115 = tpu.vector_load %arg8[%swap3A_114] {strides = array<i32>} : memref<512xi32, #tpu.memory_space<vmem>>, vector<16xi32>,
      %swap3A_116 = vector.shape_cast %swap3A_115 : vector<16xi32> to vector<16xi32>
      %swap3A_117 = vector.shape_cast %and3A_113 : vector<16xi32> to vector<16xi32>
      tpu.vector_store %arg8[%swap3A_114], %swap3A_117 {strides = array<i32>} : memref<512xi32, #tpu.memory_space<vmem>>, vector<16xi32>,
      %convert_element_type3A_118 = arith.fptosi %scan3A_46#5 : vector<16xf32> to vector<16xi32>
      %sub3A_119 = arith.subf %scan3A_7, %scan3A_46#5 : vector<16xf32>
      %convert_element_type3A_120 = arith.fptosi %sub3A_119 : vector<16xf32> to vector<16xi32>
      %sub3A_121 = arith.subi %convert_element_type3A_120, %convert_element_type3A_118 : vector<16xi32>
      %shift_right_arithmetic3A_122 = arith.constant 31 : i32
      %shift_right_arithmetic3A_123 = vector.broadcast %shift_right_arithmetic3A_122 : i32 to vector<16xi32>
      %shift_right_arithmetic3A_124 = arith.shrsi %sub3A_121, %shift_right_arithmetic3A_123 : vector<16xi32>
      %and3A_125 = arith.constant 1 : i32
      %and3A_126 = vector.broadcast %and3A_125 : i32 to vector<16xi32>
      %and3A_127 = arith.andi %shift_right_arithmetic3A_124, %and3A_126 : vector<16xi32>
      %swap3A_128 = arith.constant 80 : index
      %swap3A_129 = tpu.vector_load %arg8[%swap3A_128] {strides = array<i32>} : memref<512xi32, #tpu.memory_space<vmem>>, vector<16xi32>,
      %swap3A_130 = vector.shape_cast %swap3A_129 : vector<16xi32> to vector<16xi32>
      %swap3A_131 = vector.shape_cast %and3A_127 : vector<16xi32> to vector<16xi32>
      tpu.vector_store %arg8[%swap3A_128], %swap3A_131 {strides = array<i32>} : memref<512xi32, #tpu.memory_space<vmem>>, vector<16xi32>,
      %convert_element_type3A_132 = arith.fptosi %scan3A_46#6 : vector<16xf32> to vector<16xi32>
      %sub3A_133 = arith.subf %scan3A_7, %scan3A_46#6 : vector<16xf32>
      %convert_element_type3A_134 = arith.fptosi %sub3A_133 : vector<16xf32> to vector<16xi32>
      %sub3A_135 = arith.subi %convert_element_type3A_134, %convert_element_type3A_132 : vector<16xi32>
      %shift_right_arithmetic3A_136 = arith.constant 31 : i32
      %shift_right_arithmetic3A_137 = vector.broadcast %shift_right_arithmetic3A_136 : i32 to vector<16xi32>
      %shift_right_arithmetic3A_138 = arith.shrsi %sub3A_135, %shift_right_arithmetic3A_137 : vector<16xi32>
      %and3A_139 = arith.constant 1 : i32
      %and3A_140 = vector.broadcast %and3A_139 : i32 to vector<16xi32>
      %and3A_141 = arith.andi %shift_right_arithmetic3A_138, %and3A_140 : vector<16xi32>
      %swap3A_142 = arith.constant 96 : index
      %swap3A_143 = tpu.vector_load %arg8[%swap3A_142] {strides = array<i32>} : memref<512xi32, #tpu.memory_space<vmem>>, vector<16xi32>,
      %swap3A_144 = vector.shape_cast %swap3A_143 : vector<16xi32> to vector<16xi32>
      %swap3A_145 = vector.shape_cast %and3A_141 : vector<16xi32> to vector<16xi32>
      tpu.vector_store %arg8[%swap3A_142], %swap3A_145 {strides = array<i32>} : memref<512xi32, #tpu.memory_space<vmem>>, vector<16xi32>,
      %convert_element_type3A_146 = arith.fptosi %scan3A_46#7 : vector<16xf32> to vector<16xi32>
      %sub3A_147 = arith.subf %scan3A_7, %scan3A_46#7 : vector<16xf32>
      %convert_element_type3A_148 = arith.fptosi %sub3A_147 : vector<16xf32> to vector<16xi32>
      %sub3A_149 = arith.subi %convert_element_type3A_148, %convert_element_type3A_146 : vector<16xi32>
      %shift_right_arithmetic3A_150 = arith.constant 31 : i32
      %shift_right_arithmetic3A_151 = vector.broadcast %shift_right_arithmetic3A_150 : i32 to vector<16xi32>
      %shift_right_arithmetic3A_152 = arith.shrsi %sub3A_149, %shift_right_arithmetic3A_151 : vector<16xi32>
      %and3A_153 = arith.constant 1 : i32
      %and3A_154 = vector.broadcast %and3A_153 : i32 to vector<16xi32>
      %and3A_155 = arith.andi %shift_right_arithmetic3A_152, %and3A_154 : vector<16xi32>
      %swap3A_156 = arith.constant 112 : index
      %swap3A_157 = tpu.vector_load %arg8[%swap3A_156] {strides = array<i32>} : memref<512xi32, #tpu.memory_space<vmem>>, vector<16xi32>,
      %swap3A_158 = vector.shape_cast %swap3A_157 : vector<16xi32> to vector<16xi32>
      %swap3A_159 = vector.shape_cast %and3A_155 : vector<16xi32> to vector<16xi32>
      tpu.vector_store %arg8[%swap3A_156], %swap3A_159 {strides = array<i32>} : memref<512xi32, #tpu.memory_space<vmem>>, vector<16xi32>,
      %convert_element_type3A_160 = arith.fptosi %scan3A_46#8 : vector<16xf32> to vector<16xi32>
      %sub3A_161 = arith.subf %scan3A_7, %scan3A_46#8 : vector<16xf32>
      %convert_element_type3A_162 = arith.fptosi %sub3A_161 : vector<16xf32> to vector<16xi32>
      %sub3A_163 = arith.subi %convert_element_type3A_162, %convert_element_type3A_160 : vector<16xi32>
      %shift_right_arithmetic3A_164 = arith.constant 31 : i32
      %shift_right_arithmetic3A_165 = vector.broadcast %shift_right_arithmetic3A_164 : i32 to vector<16xi32>
      %shift_right_arithmetic3A_166 = arith.shrsi %sub3A_163, %shift_right_arithmetic3A_165 : vector<16xi32>
      %and3A_167 = arith.constant 1 : i32
      %and3A_168 = vector.broadcast %and3A_167 : i32 to vector<16xi32>
      %and3A_169 = arith.andi %shift_right_arithmetic3A_166, %and3A_168 : vector<16xi32>
      %swap3A_170 = arith.constant 128 : index
      %swap3A_171 = tpu.vector_load %arg8[%swap3A_170] {strides = array<i32>} : memref<512xi32, #tpu.memory_space<vmem>>, vector<16xi32>,
      %swap3A_172 = vector.shape_cast %swap3A_171 : vector<16xi32> to vector<16xi32>
      %swap3A_173 = vector.shape_cast %and3A_169 : vector<16xi32> to vector<16xi32>
      tpu.vector_store %arg8[%swap3A_170], %swap3A_173 {strides = array<i32>} : memref<512xi32, #tpu.memory_space<vmem>>, vector<16xi32>,
      %convert_element_type3A_174 = arith.fptosi %scan3A_46#9 : vector<16xf32> to vector<16xi32>
      %sub3A_175 = arith.subf %scan3A_7, %scan3A_46#9 : vector<16xf32>
      %convert_element_type3A_176 = arith.fptosi %sub3A_175 : vector<16xf32> to vector<16xi32>
      %sub3A_177 = arith.subi %convert_element_type3A_176, %convert_element_type3A_174 : vector<16xi32>
      %shift_right_arithmetic3A_178 = arith.constant 31 : i32
      %shift_right_arithmetic3A_179 = vector.broadcast %shift_right_arithmetic3A_178 : i32 to vector<16xi32>
      %shift_right_arithmetic3A_180 = arith.shrsi %sub3A_177, %shift_right_arithmetic3A_179 : vector<16xi32>
      %and3A_181 = arith.constant 1 : i32
      %and3A_182 = vector.broadcast %and3A_181 : i32 to vector<16xi32>
      %and3A_183 = arith.andi %shift_right_arithmetic3A_180, %and3A_182 : vector<16xi32>
      %swap3A_184 = arith.constant 144 : index
      %swap3A_185 = tpu.vector_load %arg8[%swap3A_184] {strides = array<i32>} : memref<512xi32, #tpu.memory_space<vmem>>, vector<16xi32>,
      %swap3A_186 = vector.shape_cast %swap3A_185 : vector<16xi32> to vector<16xi32>
      %swap3A_187 = vector.shape_cast %and3A_183 : vector<16xi32> to vector<16xi32>
      tpu.vector_store %arg8[%swap3A_184], %swap3A_187 {strides = array<i32>} : memref<512xi32, #tpu.memory_space<vmem>>, vector<16xi32>,
      %convert_element_type3A_188 = arith.fptosi %scan3A_46#10 : vector<16xf32> to vector<16xi32>
      %sub3A_189 = arith.subf %scan3A_7, %scan3A_46#10 : vector<16xf32>
      %convert_element_type3A_190 = arith.fptosi %sub3A_189 : vector<16xf32> to vector<16xi32>
      %sub3A_191 = arith.subi %convert_element_type3A_190, %convert_element_type3A_188 : vector<16xi32>
      %shift_right_arithmetic3A_192 = arith.constant 31 : i32
      %shift_right_arithmetic3A_193 = vector.broadcast %shift_right_arithmetic3A_192 : i32 to vector<16xi32>
      %shift_right_arithmetic3A_194 = arith.shrsi %sub3A_191, %shift_right_arithmetic3A_193 : vector<16xi32>
      %and3A_195 = arith.constant 1 : i32
      %and3A_196 = vector.broadcast %and3A_195 : i32 to vector<16xi32>
      %and3A_197 = arith.andi %shift_right_arithmetic3A_194, %and3A_196 : vector<16xi32>
      %swap3A_198 = arith.constant 160 : index
      %swap3A_199 = tpu.vector_load %arg8[%swap3A_198] {strides = array<i32>} : memref<512xi32, #tpu.memory_space<vmem>>, vector<16xi32>,
      %swap3A_200 = vector.shape_cast %swap3A_199 : vector<16xi32> to vector<16xi32>
      %swap3A_201 = vector.shape_cast %and3A_197 : vector<16xi32> to vector<16xi32>
      tpu.vector_store %arg8[%swap3A_198], %swap3A_201 {strides = array<i32>} : memref<512xi32, #tpu.memory_space<vmem>>, vector<16xi32>,
      %convert_element_type3A_202 = arith.fptosi %scan3A_46#11 : vector<16xf32> to vector<16xi32>
      %sub3A_203 = arith.subf %scan3A_7, %scan3A_46#11 : vector<16xf32>
      %convert_element_type3A_204 = arith.fptosi %sub3A_203 : vector<16xf32> to vector<16xi32>
      %sub3A_205 = arith.subi %convert_element_type3A_204, %convert_element_type3A_202 : vector<16xi32>
      %shift_right_arithmetic3A_206 = arith.constant 31 : i32
      %shift_right_arithmetic3A_207 = vector.broadcast %shift_right_arithmetic3A_206 : i32 to vector<16xi32>
      %shift_right_arithmetic3A_208 = arith.shrsi %sub3A_205, %shift_right_arithmetic3A_207 : vector<16xi32>
      %and3A_209 = arith.constant 1 : i32
      %and3A_210 = vector.broadcast %and3A_209 : i32 to vector<16xi32>
      %and3A_211 = arith.andi %shift_right_arithmetic3A_208, %and3A_210 : vector<16xi32>
      %swap3A_212 = arith.constant 176 : index
      %swap3A_213 = tpu.vector_load %arg8[%swap3A_212] {strides = array<i32>} : memref<512xi32, #tpu.memory_space<vmem>>, vector<16xi32>,
      %swap3A_214 = vector.shape_cast %swap3A_213 : vector<16xi32> to vector<16xi32>
      %swap3A_215 = vector.shape_cast %and3A_211 : vector<16xi32> to vector<16xi32>
      tpu.vector_store %arg8[%swap3A_212], %swap3A_215 {strides = array<i32>} : memref<512xi32, #tpu.memory_space<vmem>>, vector<16xi32>,
      %convert_element_type3A_216 = arith.fptosi %scan3A_46#12 : vector<16xf32> to vector<16xi32>
      %sub3A_217 = arith.subf %scan3A_7, %scan3A_46#12 : vector<16xf32>
      %convert_element_type3A_218 = arith.fptosi %sub3A_217 : vector<16xf32> to vector<16xi32>
      %sub3A_219 = arith.subi %convert_element_type3A_218, %convert_element_type3A_216 : vector<16xi32>
      %shift_right_arithmetic3A_220 = arith.constant 31 : i32
      %shift_right_arithmetic3A_221 = vector.broadcast %shift_right_arithmetic3A_220 : i32 to vector<16xi32>
      %shift_right_arithmetic3A_222 = arith.shrsi %sub3A_219, %shift_right_arithmetic3A_221 : vector<16xi32>
      %and3A_223 = arith.constant 1 : i32
      %and3A_224 = vector.broadcast %and3A_223 : i32 to vector<16xi32>
      %and3A_225 = arith.andi %shift_right_arithmetic3A_222, %and3A_224 : vector<16xi32>
      %swap3A_226 = arith.constant 192 : index
      %swap3A_227 = tpu.vector_load %arg8[%swap3A_226] {strides = array<i32>} : memref<512xi32, #tpu.memory_space<vmem>>, vector<16xi32>,
      %swap3A_228 = vector.shape_cast %swap3A_227 : vector<16xi32> to vector<16xi32>
      %swap3A_229 = vector.shape_cast %and3A_225 : vector<16xi32> to vector<16xi32>
      tpu.vector_store %arg8[%swap3A_226], %swap3A_229 {strides = array<i32>} : memref<512xi32, #tpu.memory_space<vmem>>, vector<16xi32>,
      %convert_element_type3A_230 = arith.fptosi %scan3A_46#13 : vector<16xf32> to vector<16xi32>
      %sub3A_231 = arith.subf %scan3A_7, %scan3A_46#13 : vector<16xf32>
      %convert_element_type3A_232 = arith.fptosi %sub3A_231 : vector<16xf32> to vector<16xi32>
      %sub3A_233 = arith.subi %convert_element_type3A_232, %convert_element_type3A_230 : vector<16xi32>
      %shift_right_arithmetic3A_234 = arith.constant 31 : i32
      %shift_right_arithmetic3A_235 = vector.broadcast %shift_right_arithmetic3A_234 : i32 to vector<16xi32>
      %shift_right_arithmetic3A_236 = arith.shrsi %sub3A_233, %shift_right_arithmetic3A_235 : vector<16xi32>
      %and3A_237 = arith.constant 1 : i32
      %and3A_238 = vector.broadcast %and3A_237 : i32 to vector<16xi32>
      %and3A_239 = arith.andi %shift_right_arithmetic3A_236, %and3A_238 : vector<16xi32>
      %swap3A_240 = arith.constant 208 : index
      %swap3A_241 = tpu.vector_load %arg8[%swap3A_240] {strides = array<i32>} : memref<512xi32, #tpu.memory_space<vmem>>, vector<16xi32>,
      %swap3A_242 = vector.shape_cast %swap3A_241 : vector<16xi32> to vector<16xi32>
      %swap3A_243 = vector.shape_cast %and3A_239 : vector<16xi32> to vector<16xi32>
      tpu.vector_store %arg8[%swap3A_240], %swap3A_243 {strides = array<i32>} : memref<512xi32, #tpu.memory_space<vmem>>, vector<16xi32>,
      %convert_element_type3A_244 = arith.fptosi %scan3A_46#14 : vector<16xf32> to vector<16xi32>
      %sub3A_245 = arith.subf %scan3A_7, %scan3A_46#14 : vector<16xf32>
      %convert_element_type3A_246 = arith.fptosi %sub3A_245 : vector<16xf32> to vector<16xi32>
      %sub3A_247 = arith.subi %convert_element_type3A_246, %convert_element_type3A_244 : vector<16xi32>
      %shift_right_arithmetic3A_248 = arith.constant 31 : i32
      %shift_right_arithmetic3A_249 = vector.broadcast %shift_right_arithmetic3A_248 : i32 to vector<16xi32>
      %shift_right_arithmetic3A_250 = arith.shrsi %sub3A_247, %shift_right_arithmetic3A_249 : vector<16xi32>
      %and3A_251 = arith.constant 1 : i32
      %and3A_252 = vector.broadcast %and3A_251 : i32 to vector<16xi32>
      %and3A_253 = arith.andi %shift_right_arithmetic3A_250, %and3A_252 : vector<16xi32>
      %swap3A_254 = arith.constant 224 : index
      %swap3A_255 = tpu.vector_load %arg8[%swap3A_254] {strides = array<i32>} : memref<512xi32, #tpu.memory_space<vmem>>, vector<16xi32>,
      %swap3A_256 = vector.shape_cast %swap3A_255 : vector<16xi32> to vector<16xi32>
      %swap3A_257 = vector.shape_cast %and3A_253 : vector<16xi32> to vector<16xi32>
      tpu.vector_store %arg8[%swap3A_254], %swap3A_257 {strides = array<i32>} : memref<512xi32, #tpu.memory_space<vmem>>, vector<16xi32>,
      %convert_element_type3A_258 = arith.fptosi %scan3A_46#15 : vector<16xf32> to vector<16xi32>
      %sub3A_259 = arith.subf %scan3A_7, %scan3A_46#15 : vector<16xf32>
      %convert_element_type3A_260 = arith.fptosi %sub3A_259 : vector<16xf32> to vector<16xi32>
      %sub3A_261 = arith.subi %convert_element_type3A_260, %convert_element_type3A_258 : vector<16xi32>
      %shift_right_arithmetic3A_262 = arith.constant 31 : i32
      %shift_right_arithmetic3A_263 = vector.broadcast %shift_right_arithmetic3A_262 : i32 to vector<16xi32>
      %shift_right_arithmetic3A_264 = arith.shrsi %sub3A_261, %shift_right_arithmetic3A_263 : vector<16xi32>
      %and3A_265 = arith.constant 1 : i32
      %and3A_266 = vector.broadcast %and3A_265 : i32 to vector<16xi32>
      %and3A_267 = arith.andi %shift_right_arithmetic3A_264, %and3A_266 : vector<16xi32>
      %swap3A_268 = arith.constant 240 : index
      %swap3A_269 = tpu.vector_load %arg8[%swap3A_268] {strides = array<i32>} : memref<512xi32, #tpu.memory_space<vmem>>, vector<16xi32>,
      %swap3A_270 = vector.shape_cast %swap3A_269 : vector<16xi32> to vector<16xi32>
      %swap3A_271 = vector.shape_cast %and3A_267 : vector<16xi32> to vector<16xi32>
      tpu.vector_store %arg8[%swap3A_268], %swap3A_271 {strides = array<i32>} : memref<512xi32, #tpu.memory_space<vmem>>, vector<16xi32>,
      %convert_element_type3A_272 = arith.fptosi %scan3A_46#16 : vector<16xf32> to vector<16xi32>
      %sub3A_273 = arith.subf %scan3A_7, %scan3A_46#16 : vector<16xf32>
      %convert_element_type3A_274 = arith.fptosi %sub3A_273 : vector<16xf32> to vector<16xi32>
      %sub3A_275 = arith.subi %convert_element_type3A_274, %convert_element_type3A_272 : vector<16xi32>
      %shift_right_arithmetic3A_276 = arith.constant 31 : i32
      %shift_right_arithmetic3A_277 = vector.broadcast %shift_right_arithmetic3A_276 : i32 to vector<16xi32>
      %shift_right_arithmetic3A_278 = arith.shrsi %sub3A_275, %shift_right_arithmetic3A_277 : vector<16xi32>
      %and3A_279 = arith.constant 1 : i32
      %and3A_280 = vector.broadcast %and3A_279 : i32 to vector<16xi32>
      %and3A_281 = arith.andi %shift_right_arithmetic3A_278, %and3A_280 : vector<16xi32>
      %swap3A_282 = arith.constant 256 : index
      %swap3A_283 = tpu.vector_load %arg8[%swap3A_282] {strides = array<i32>} : memref<512xi32, #tpu.memory_space<vmem>>, vector<16xi32>,
      %swap3A_284 = vector.shape_cast %swap3A_283 : vector<16xi32> to vector<16xi32>
      %swap3A_285 = vector.shape_cast %and3A_281 : vector<16xi32> to vector<16xi32>
      tpu.vector_store %arg8[%swap3A_282], %swap3A_285 {strides = array<i32>} : memref<512xi32, #tpu.memory_space<vmem>>, vector<16xi32>,
      %convert_element_type3A_286 = arith.fptosi %scan3A_46#17 : vector<16xf32> to vector<16xi32>
      %sub3A_287 = arith.subf %scan3A_7, %scan3A_46#17 : vector<16xf32>
      %convert_element_type3A_288 = arith.fptosi %sub3A_287 : vector<16xf32> to vector<16xi32>
      %sub3A_289 = arith.subi %convert_element_type3A_288, %convert_element_type3A_286 : vector<16xi32>
      %shift_right_arithmetic3A_290 = arith.constant 31 : i32
      %shift_right_arithmetic3A_291 = vector.broadcast %shift_right_arithmetic3A_290 : i32 to vector<16xi32>
      %shift_right_arithmetic3A_292 = arith.shrsi %sub3A_289, %shift_right_arithmetic3A_291 : vector<16xi32>
      %and3A_293 = arith.constant 1 : i32
      %and3A_294 = vector.broadcast %and3A_293 : i32 to vector<16xi32>
      %and3A_295 = arith.andi %shift_right_arithmetic3A_292, %and3A_294 : vector<16xi32>
      %swap3A_296 = arith.constant 272 : index
      %swap3A_297 = tpu.vector_load %arg8[%swap3A_296] {strides = array<i32>} : memref<512xi32, #tpu.memory_space<vmem>>, vector<16xi32>,
      %swap3A_298 = vector.shape_cast %swap3A_297 : vector<16xi32> to vector<16xi32>
      %swap3A_299 = vector.shape_cast %and3A_295 : vector<16xi32> to vector<16xi32>
      tpu.vector_store %arg8[%swap3A_296], %swap3A_299 {strides = array<i32>} : memref<512xi32, #tpu.memory_space<vmem>>, vector<16xi32>,
      %convert_element_type3A_300 = arith.fptosi %scan3A_46#18 : vector<16xf32> to vector<16xi32>
      %sub3A_301 = arith.subf %scan3A_7, %scan3A_46#18 : vector<16xf32>
      %convert_element_type3A_302 = arith.fptosi %sub3A_301 : vector<16xf32> to vector<16xi32>
      %sub3A_303 = arith.subi %convert_element_type3A_302, %convert_element_type3A_300 : vector<16xi32>
      %shift_right_arithmetic3A_304 = arith.constant 31 : i32
      %shift_right_arithmetic3A_305 = vector.broadcast %shift_right_arithmetic3A_304 : i32 to vector<16xi32>
      %shift_right_arithmetic3A_306 = arith.shrsi %sub3A_303, %shift_right_arithmetic3A_305 : vector<16xi32>
      %and3A_307 = arith.constant 1 : i32
      %and3A_308 = vector.broadcast %and3A_307 : i32 to vector<16xi32>
      %and3A_309 = arith.andi %shift_right_arithmetic3A_306, %and3A_308 : vector<16xi32>
      %swap3A_310 = arith.constant 288 : index
      %swap3A_311 = tpu.vector_load %arg8[%swap3A_310] {strides = array<i32>} : memref<512xi32, #tpu.memory_space<vmem>>, vector<16xi32>,
      %swap3A_312 = vector.shape_cast %swap3A_311 : vector<16xi32> to vector<16xi32>
      %swap3A_313 = vector.shape_cast %and3A_309 : vector<16xi32> to vector<16xi32>
      tpu.vector_store %arg8[%swap3A_310], %swap3A_313 {strides = array<i32>} : memref<512xi32, #tpu.memory_space<vmem>>, vector<16xi32>,
      %convert_element_type3A_314 = arith.fptosi %scan3A_46#19 : vector<16xf32> to vector<16xi32>
      %sub3A_315 = arith.subf %scan3A_7, %scan3A_46#19 : vector<16xf32>
      %convert_element_type3A_316 = arith.fptosi %sub3A_315 : vector<16xf32> to vector<16xi32>
      %sub3A_317 = arith.subi %convert_element_type3A_316, %convert_element_type3A_314 : vector<16xi32>
      %shift_right_arithmetic3A_318 = arith.constant 31 : i32
      %shift_right_arithmetic3A_319 = vector.broadcast %shift_right_arithmetic3A_318 : i32 to vector<16xi32>
      %shift_right_arithmetic3A_320 = arith.shrsi %sub3A_317, %shift_right_arithmetic3A_319 : vector<16xi32>
      %and3A_321 = arith.constant 1 : i32
      %and3A_322 = vector.broadcast %and3A_321 : i32 to vector<16xi32>
      %and3A_323 = arith.andi %shift_right_arithmetic3A_320, %and3A_322 : vector<16xi32>
      %swap3A_324 = arith.constant 304 : index
      %swap3A_325 = tpu.vector_load %arg8[%swap3A_324] {strides = array<i32>} : memref<512xi32, #tpu.memory_space<vmem>>, vector<16xi32>,
      %swap3A_326 = vector.shape_cast %swap3A_325 : vector<16xi32> to vector<16xi32>
      %swap3A_327 = vector.shape_cast %and3A_323 : vector<16xi32> to vector<16xi32>
      tpu.vector_store %arg8[%swap3A_324], %swap3A_327 {strides = array<i32>} : memref<512xi32, #tpu.memory_space<vmem>>, vector<16xi32>,
      %convert_element_type3A_328 = arith.fptosi %scan3A_46#20 : vector<16xf32> to vector<16xi32>
      %sub3A_329 = arith.subf %scan3A_7, %scan3A_46#20 : vector<16xf32>
      %convert_element_type3A_330 = arith.fptosi %sub3A_329 : vector<16xf32> to vector<16xi32>
      %sub3A_331 = arith.subi %convert_element_type3A_330, %convert_element_type3A_328 : vector<16xi32>
      %shift_right_arithmetic3A_332 = arith.constant 31 : i32
      %shift_right_arithmetic3A_333 = vector.broadcast %shift_right_arithmetic3A_332 : i32 to vector<16xi32>
      %shift_right_arithmetic3A_334 = arith.shrsi %sub3A_331, %shift_right_arithmetic3A_333 : vector<16xi32>
      %and3A_335 = arith.constant 1 : i32
      %and3A_336 = vector.broadcast %and3A_335 : i32 to vector<16xi32>
      %and3A_337 = arith.andi %shift_right_arithmetic3A_334, %and3A_336 : vector<16xi32>
      %swap3A_338 = arith.constant 320 : index
      %swap3A_339 = tpu.vector_load %arg8[%swap3A_338] {strides = array<i32>} : memref<512xi32, #tpu.memory_space<vmem>>, vector<16xi32>,
      %swap3A_340 = vector.shape_cast %swap3A_339 : vector<16xi32> to vector<16xi32>
      %swap3A_341 = vector.shape_cast %and3A_337 : vector<16xi32> to vector<16xi32>
      tpu.vector_store %arg8[%swap3A_338], %swap3A_341 {strides = array<i32>} : memref<512xi32, #tpu.memory_space<vmem>>, vector<16xi32>,
      %convert_element_type3A_342 = arith.fptosi %scan3A_46#21 : vector<16xf32> to vector<16xi32>
      %sub3A_343 = arith.subf %scan3A_7, %scan3A_46#21 : vector<16xf32>
      %convert_element_type3A_344 = arith.fptosi %sub3A_343 : vector<16xf32> to vector<16xi32>
      %sub3A_345 = arith.subi %convert_element_type3A_344, %convert_element_type3A_342 : vector<16xi32>
      %shift_right_arithmetic3A_346 = arith.constant 31 : i32
      %shift_right_arithmetic3A_347 = vector.broadcast %shift_right_arithmetic3A_346 : i32 to vector<16xi32>
      %shift_right_arithmetic3A_348 = arith.shrsi %sub3A_345, %shift_right_arithmetic3A_347 : vector<16xi32>
      %and3A_349 = arith.constant 1 : i32
      %and3A_350 = vector.broadcast %and3A_349 : i32 to vector<16xi32>
      %and3A_351 = arith.andi %shift_right_arithmetic3A_348, %and3A_350 : vector<16xi32>
      %swap3A_352 = arith.constant 336 : index
      %swap3A_353 = tpu.vector_load %arg8[%swap3A_352] {strides = array<i32>} : memref<512xi32, #tpu.memory_space<vmem>>, vector<16xi32>,
      %swap3A_354 = vector.shape_cast %swap3A_353 : vector<16xi32> to vector<16xi32>
      %swap3A_355 = vector.shape_cast %and3A_351 : vector<16xi32> to vector<16xi32>
      tpu.vector_store %arg8[%swap3A_352], %swap3A_355 {strides = array<i32>} : memref<512xi32, #tpu.memory_space<vmem>>, vector<16xi32>,
      %convert_element_type3A_356 = arith.fptosi %scan3A_46#22 : vector<16xf32> to vector<16xi32>
      %sub3A_357 = arith.subf %scan3A_7, %scan3A_46#22 : vector<16xf32>
      %convert_element_type3A_358 = arith.fptosi %sub3A_357 : vector<16xf32> to vector<16xi32>
      %sub3A_359 = arith.subi %convert_element_type3A_358, %convert_element_type3A_356 : vector<16xi32>
      %shift_right_arithmetic3A_360 = arith.constant 31 : i32
      %shift_right_arithmetic3A_361 = vector.broadcast %shift_right_arithmetic3A_360 : i32 to vector<16xi32>
      %shift_right_arithmetic3A_362 = arith.shrsi %sub3A_359, %shift_right_arithmetic3A_361 : vector<16xi32>
      %and3A_363 = arith.constant 1 : i32
      %and3A_364 = vector.broadcast %and3A_363 : i32 to vector<16xi32>
      %and3A_365 = arith.andi %shift_right_arithmetic3A_362, %and3A_364 : vector<16xi32>
      %swap3A_366 = arith.constant 352 : index
      %swap3A_367 = tpu.vector_load %arg8[%swap3A_366] {strides = array<i32>} : memref<512xi32, #tpu.memory_space<vmem>>, vector<16xi32>,
      %swap3A_368 = vector.shape_cast %swap3A_367 : vector<16xi32> to vector<16xi32>
      %swap3A_369 = vector.shape_cast %and3A_365 : vector<16xi32> to vector<16xi32>
      tpu.vector_store %arg8[%swap3A_366], %swap3A_369 {strides = array<i32>} : memref<512xi32, #tpu.memory_space<vmem>>, vector<16xi32>,
      %convert_element_type3A_370 = arith.fptosi %scan3A_46#23 : vector<16xf32> to vector<16xi32>
      %sub3A_371 = arith.subf %scan3A_7, %scan3A_46#23 : vector<16xf32>
      %convert_element_type3A_372 = arith.fptosi %sub3A_371 : vector<16xf32> to vector<16xi32>
      %sub3A_373 = arith.subi %convert_element_type3A_372, %convert_element_type3A_370 : vector<16xi32>
      %shift_right_arithmetic3A_374 = arith.constant 31 : i32
      %shift_right_arithmetic3A_375 = vector.broadcast %shift_right_arithmetic3A_374 : i32 to vector<16xi32>
      %shift_right_arithmetic3A_376 = arith.shrsi %sub3A_373, %shift_right_arithmetic3A_375 : vector<16xi32>
      %and3A_377 = arith.constant 1 : i32
      %and3A_378 = vector.broadcast %and3A_377 : i32 to vector<16xi32>
      %and3A_379 = arith.andi %shift_right_arithmetic3A_376, %and3A_378 : vector<16xi32>
      %swap3A_380 = arith.constant 368 : index
      %swap3A_381 = tpu.vector_load %arg8[%swap3A_380] {strides = array<i32>} : memref<512xi32, #tpu.memory_space<vmem>>, vector<16xi32>,
      %swap3A_382 = vector.shape_cast %swap3A_381 : vector<16xi32> to vector<16xi32>
      %swap3A_383 = vector.shape_cast %and3A_379 : vector<16xi32> to vector<16xi32>
      tpu.vector_store %arg8[%swap3A_380], %swap3A_383 {strides = array<i32>} : memref<512xi32, #tpu.memory_space<vmem>>, vector<16xi32>,
      %convert_element_type3A_384 = arith.fptosi %scan3A_46#24 : vector<16xf32> to vector<16xi32>
      %sub3A_385 = arith.subf %scan3A_7, %scan3A_46#24 : vector<16xf32>
      %convert_element_type3A_386 = arith.fptosi %sub3A_385 : vector<16xf32> to vector<16xi32>
      %sub3A_387 = arith.subi %convert_element_type3A_386, %convert_element_type3A_384 : vector<16xi32>
      %shift_right_arithmetic3A_388 = arith.constant 31 : i32
      %shift_right_arithmetic3A_389 = vector.broadcast %shift_right_arithmetic3A_388 : i32 to vector<16xi32>
      %shift_right_arithmetic3A_390 = arith.shrsi %sub3A_387, %shift_right_arithmetic3A_389 : vector<16xi32>
      %and3A_391 = arith.constant 1 : i32
      %and3A_392 = vector.broadcast %and3A_391 : i32 to vector<16xi32>
      %and3A_393 = arith.andi %shift_right_arithmetic3A_390, %and3A_392 : vector<16xi32>
      %swap3A_394 = arith.constant 384 : index
      %swap3A_395 = tpu.vector_load %arg8[%swap3A_394] {strides = array<i32>} : memref<512xi32, #tpu.memory_space<vmem>>, vector<16xi32>,
      %swap3A_396 = vector.shape_cast %swap3A_395 : vector<16xi32> to vector<16xi32>
      %swap3A_397 = vector.shape_cast %and3A_393 : vector<16xi32> to vector<16xi32>
      tpu.vector_store %arg8[%swap3A_394], %swap3A_397 {strides = array<i32>} : memref<512xi32, #tpu.memory_space<vmem>>, vector<16xi32>,
      %convert_element_type3A_398 = arith.fptosi %scan3A_46#25 : vector<16xf32> to vector<16xi32>
      %sub3A_399 = arith.subf %scan3A_7, %scan3A_46#25 : vector<16xf32>
      %convert_element_type3A_400 = arith.fptosi %sub3A_399 : vector<16xf32> to vector<16xi32>
      %sub3A_401 = arith.subi %convert_element_type3A_400, %convert_element_type3A_398 : vector<16xi32>
      %shift_right_arithmetic3A_402 = arith.constant 31 : i32
      %shift_right_arithmetic3A_403 = vector.broadcast %shift_right_arithmetic3A_402 : i32 to vector<16xi32>
      %shift_right_arithmetic3A_404 = arith.shrsi %sub3A_401, %shift_right_arithmetic3A_403 : vector<16xi32>
      %and3A_405 = arith.constant 1 : i32
      %and3A_406 = vector.broadcast %and3A_405 : i32 to vector<16xi32>
      %and3A_407 = arith.andi %shift_right_arithmetic3A_404, %and3A_406 : vector<16xi32>
      %swap3A_408 = arith.constant 400 : index
      %swap3A_409 = tpu.vector_load %arg8[%swap3A_408] {strides = array<i32>} : memref<512xi32, #tpu.memory_space<vmem>>, vector<16xi32>,
      %swap3A_410 = vector.shape_cast %swap3A_409 : vector<16xi32> to vector<16xi32>
      %swap3A_411 = vector.shape_cast %and3A_407 : vector<16xi32> to vector<16xi32>
      tpu.vector_store %arg8[%swap3A_408], %swap3A_411 {strides = array<i32>} : memref<512xi32, #tpu.memory_space<vmem>>, vector<16xi32>,
      %convert_element_type3A_412 = arith.fptosi %scan3A_46#26 : vector<16xf32> to vector<16xi32>
      %sub3A_413 = arith.subf %scan3A_7, %scan3A_46#26 : vector<16xf32>
      %convert_element_type3A_414 = arith.fptosi %sub3A_413 : vector<16xf32> to vector<16xi32>
      %sub3A_415 = arith.subi %convert_element_type3A_414, %convert_element_type3A_412 : vector<16xi32>
      %shift_right_arithmetic3A_416 = arith.constant 31 : i32
      %shift_right_arithmetic3A_417 = vector.broadcast %shift_right_arithmetic3A_416 : i32 to vector<16xi32>
      %shift_right_arithmetic3A_418 = arith.shrsi %sub3A_415, %shift_right_arithmetic3A_417 : vector<16xi32>
      %and3A_419 = arith.constant 1 : i32
      %and3A_420 = vector.broadcast %and3A_419 : i32 to vector<16xi32>
      %and3A_421 = arith.andi %shift_right_arithmetic3A_418, %and3A_420 : vector<16xi32>
      %swap3A_422 = arith.constant 416 : index
      %swap3A_423 = tpu.vector_load %arg8[%swap3A_422] {strides = array<i32>} : memref<512xi32, #tpu.memory_space<vmem>>, vector<16xi32>,
      %swap3A_424 = vector.shape_cast %swap3A_423 : vector<16xi32> to vector<16xi32>
      %swap3A_425 = vector.shape_cast %and3A_421 : vector<16xi32> to vector<16xi32>
      tpu.vector_store %arg8[%swap3A_422], %swap3A_425 {strides = array<i32>} : memref<512xi32, #tpu.memory_space<vmem>>, vector<16xi32>,
      %convert_element_type3A_426 = arith.fptosi %scan3A_46#27 : vector<16xf32> to vector<16xi32>
      %sub3A_427 = arith.subf %scan3A_7, %scan3A_46#27 : vector<16xf32>
      %convert_element_type3A_428 = arith.fptosi %sub3A_427 : vector<16xf32> to vector<16xi32>
      %sub3A_429 = arith.subi %convert_element_type3A_428, %convert_element_type3A_426 : vector<16xi32>
      %shift_right_arithmetic3A_430 = arith.constant 31 : i32
      %shift_right_arithmetic3A_431 = vector.broadcast %shift_right_arithmetic3A_430 : i32 to vector<16xi32>
      %shift_right_arithmetic3A_432 = arith.shrsi %sub3A_429, %shift_right_arithmetic3A_431 : vector<16xi32>
      %and3A_433 = arith.constant 1 : i32
      %and3A_434 = vector.broadcast %and3A_433 : i32 to vector<16xi32>
      %and3A_435 = arith.andi %shift_right_arithmetic3A_432, %and3A_434 : vector<16xi32>
      %swap3A_436 = arith.constant 432 : index
      %swap3A_437 = tpu.vector_load %arg8[%swap3A_436] {strides = array<i32>} : memref<512xi32, #tpu.memory_space<vmem>>, vector<16xi32>,
      %swap3A_438 = vector.shape_cast %swap3A_437 : vector<16xi32> to vector<16xi32>
      %swap3A_439 = vector.shape_cast %and3A_435 : vector<16xi32> to vector<16xi32>
      tpu.vector_store %arg8[%swap3A_436], %swap3A_439 {strides = array<i32>} : memref<512xi32, #tpu.memory_space<vmem>>, vector<16xi32>,
      %convert_element_type3A_440 = arith.fptosi %scan3A_46#28 : vector<16xf32> to vector<16xi32>
      %sub3A_441 = arith.subf %scan3A_7, %scan3A_46#28 : vector<16xf32>
      %convert_element_type3A_442 = arith.fptosi %sub3A_441 : vector<16xf32> to vector<16xi32>
      %sub3A_443 = arith.subi %convert_element_type3A_442, %convert_element_type3A_440 : vector<16xi32>
      %shift_right_arithmetic3A_444 = arith.constant 31 : i32
      %shift_right_arithmetic3A_445 = vector.broadcast %shift_right_arithmetic3A_444 : i32 to vector<16xi32>
      %shift_right_arithmetic3A_446 = arith.shrsi %sub3A_443, %shift_right_arithmetic3A_445 : vector<16xi32>
      %and3A_447 = arith.constant 1 : i32
      %and3A_448 = vector.broadcast %and3A_447 : i32 to vector<16xi32>
      %and3A_449 = arith.andi %shift_right_arithmetic3A_446, %and3A_448 : vector<16xi32>
      %swap3A_450 = arith.constant 448 : index
      %swap3A_451 = tpu.vector_load %arg8[%swap3A_450] {strides = array<i32>} : memref<512xi32, #tpu.memory_space<vmem>>, vector<16xi32>,
      %swap3A_452 = vector.shape_cast %swap3A_451 : vector<16xi32> to vector<16xi32>
      %swap3A_453 = vector.shape_cast %and3A_449 : vector<16xi32> to vector<16xi32>
      tpu.vector_store %arg8[%swap3A_450], %swap3A_453 {strides = array<i32>} : memref<512xi32, #tpu.memory_space<vmem>>, vector<16xi32>,
      %convert_element_type3A_454 = arith.fptosi %scan3A_46#29 : vector<16xf32> to vector<16xi32>
      %sub3A_455 = arith.subf %scan3A_7, %scan3A_46#29 : vector<16xf32>
      %convert_element_type3A_456 = arith.fptosi %sub3A_455 : vector<16xf32> to vector<16xi32>
      %sub3A_457 = arith.subi %convert_element_type3A_456, %convert_element_type3A_454 : vector<16xi32>
      %shift_right_arithmetic3A_458 = arith.constant 31 : i32
      %shift_right_arithmetic3A_459 = vector.broadcast %shift_right_arithmetic3A_458 : i32 to vector<16xi32>
      %shift_right_arithmetic3A_460 = arith.shrsi %sub3A_457, %shift_right_arithmetic3A_459 : vector<16xi32>
      %and3A_461 = arith.constant 1 : i32
      %and3A_462 = vector.broadcast %and3A_461 : i32 to vector<16xi32>
      %and3A_463 = arith.andi %shift_right_arithmetic3A_460, %and3A_462 : vector<16xi32>
      %swap3A_464 = arith.constant 464 : index
      %swap3A_465 = tpu.vector_load %arg8[%swap3A_464] {strides = array<i32>} : memref<512xi32, #tpu.memory_space<vmem>>, vector<16xi32>,
      %swap3A_466 = vector.shape_cast %swap3A_465 : vector<16xi32> to vector<16xi32>
      %swap3A_467 = vector.shape_cast %and3A_463 : vector<16xi32> to vector<16xi32>
      tpu.vector_store %arg8[%swap3A_464], %swap3A_467 {strides = array<i32>} : memref<512xi32, #tpu.memory_space<vmem>>, vector<16xi32>,
      %convert_element_type3A_468 = arith.fptosi %scan3A_46#30 : vector<16xf32> to vector<16xi32>
      %sub3A_469 = arith.subf %scan3A_7, %scan3A_46#30 : vector<16xf32>
      %convert_element_type3A_470 = arith.fptosi %sub3A_469 : vector<16xf32> to vector<16xi32>
      %sub3A_471 = arith.subi %convert_element_type3A_470, %convert_element_type3A_468 : vector<16xi32>
      %shift_right_arithmetic3A_472 = arith.constant 31 : i32
      %shift_right_arithmetic3A_473 = vector.broadcast %shift_right_arithmetic3A_472 : i32 to vector<16xi32>
      %shift_right_arithmetic3A_474 = arith.shrsi %sub3A_471, %shift_right_arithmetic3A_473 : vector<16xi32>
      %and3A_475 = arith.constant 1 : i32
      %and3A_476 = vector.broadcast %and3A_475 : i32 to vector<16xi32>
      %and3A_477 = arith.andi %shift_right_arithmetic3A_474, %and3A_476 : vector<16xi32>
      %swap3A_478 = arith.constant 480 : index
      %swap3A_479 = tpu.vector_load %arg8[%swap3A_478] {strides = array<i32>} : memref<512xi32, #tpu.memory_space<vmem>>, vector<16xi32>,
      %swap3A_480 = vector.shape_cast %swap3A_479 : vector<16xi32> to vector<16xi32>
      %swap3A_481 = vector.shape_cast %and3A_477 : vector<16xi32> to vector<16xi32>
      tpu.vector_store %arg8[%swap3A_478], %swap3A_481 {strides = array<i32>} : memref<512xi32, #tpu.memory_space<vmem>>, vector<16xi32>,
      %convert_element_type3A_482 = arith.fptosi %scan3A_46#31 : vector<16xf32> to vector<16xi32>
      %sub3A_483 = arith.subf %scan3A_7, %scan3A_46#31 : vector<16xf32>
      %convert_element_type3A_484 = arith.fptosi %sub3A_483 : vector<16xf32> to vector<16xi32>
      %sub3A_485 = arith.subi %convert_element_type3A_484, %convert_element_type3A_482 : vector<16xi32>
      %shift_right_arithmetic3A_486 = arith.constant 31 : i32
      %shift_right_arithmetic3A_487 = vector.broadcast %shift_right_arithmetic3A_486 : i32 to vector<16xi32>
      %shift_right_arithmetic3A_488 = arith.shrsi %sub3A_485, %shift_right_arithmetic3A_487 : vector<16xi32>
      %and3A_489 = arith.constant 1 : i32
      %and3A_490 = vector.broadcast %and3A_489 : i32 to vector<16xi32>
      %and3A_491 = arith.andi %shift_right_arithmetic3A_488, %and3A_490 : vector<16xi32>
      %swap3A_492 = arith.constant 496 : index
      %swap3A_493 = tpu.vector_load %arg8[%swap3A_492] {strides = array<i32>} : memref<512xi32, #tpu.memory_space<vmem>>, vector<16xi32>,
      %swap3A_494 = vector.shape_cast %swap3A_493 : vector<16xi32> to vector<16xi32>
      %swap3A_495 = vector.shape_cast %and3A_491 : vector<16xi32> to vector<16xi32>
      tpu.vector_store %arg8[%swap3A_492], %swap3A_495 {strides = array<i32>} : memref<512xi32, #tpu.memory_space<vmem>>, vector<16xi32>,
      %mul3A_496 = arith.constant 512 : i32
      %mul3A_497 = arith.muli %add3A_31, %mul3A_496 : i32
      %add3A_498 = arith.addi %mul3A_2, %mul3A_497 : i32
      %dma_start3A_499 = tpu.memref_slice %arg4[%add3A_498] : memref<622592xi32, #tpu.memory_space<hbm>> -> memref<512xi32, #tpu.memory_space<hbm>>
      %dma_start3A_500 = tpu.memref_slice %arg4[%add3A_498] : memref<622592xi32, #tpu.memory_space<hbm>> -> memref<512xi32, #tpu.memory_space<hbm>>
      tpu.enqueue_dma source(%arg8 : memref<512xi32, #tpu.memory_space<vmem>>) target(%dma_start3A_500 : memref<512xi32, #tpu.memory_space<hbm>>) target_semaphore(%arg12 : memref<!tpu.dma_semaphore, #tpu.memory_space<semaphore_mem>>)
      %mul3A_501 = arith.constant 2 : i32
      %mul3A_502 = arith.muli %mul3A_501, %scan3A_27 : i32
      %add3A_503 = arith.constant 1 : i32
      %add3A_504 = arith.addi %mul3A_502, %add3A_503 : i32
      %add3A_505 = arith.constant 1 : i32
      %add3A_506 = arith.addi %add3A_504, %add3A_505 : i32
      %lt3A_507 = arith.constant 38 : i32
      %lt3A_508 = arith.cmpi slt, %add3A_506, %lt3A_507 : i32
      %convert_element_type3A_509 = arith.extui %lt3A_508 : i1 to i32
      %cond3A_510 = arith.constant 0 : i32
      %cond3A_511 = arith.cmpi ne, %convert_element_type3A_509, %cond3A_510 : i32
      scf.if %cond3A_511 {
        %add3A_982 = arith.constant 1 : i32
        %add3A_983 = arith.addi %add3A_504, %add3A_982 : i32
        %mul3A_984 = arith.constant 512 : i32
        %mul3A_985 = arith.muli %add3A_983, %mul3A_984 : i32
        %add3A_986 = arith.addi %mul3A_2, %mul3A_985 : i32
        %dma_start3A_987 = arith.constant 0 : i32
        %dma_start3A_988 = tpu.memref_slice %arg2[%dma_start3A_987, %add3A_986] : memref<64x1048576xi32, #tpu.memory_space<hbm>> -> memref<64x512xi32, #tpu.memory_space<hbm>>
        %dma_start3A_989 = arith.constant 0 : i32
        %dma_start3A_990 = tpu.memref_slice %arg2[%dma_start3A_989, %add3A_986] : memref<64x1048576xi32, #tpu.memory_space<hbm>> -> memref<64x512xi32, #tpu.memory_space<hbm>>
        tpu.enqueue_dma source(%dma_start3A_990 : memref<64x512xi32, #tpu.memory_space<hbm>>) target(%arg6 : memref<64x512xi32, #tpu.memory_space<vmem>>) target_semaphore(%arg10 : memref<!tpu.dma_semaphore, #tpu.memory_space<semaphore_mem>>)
      } else {
      }
      %dma_wait3A_512 = arith.constant 0 : i32
      %dma_wait3A_513 = tpu.memref_slice %arg2[%dma_wait3A_512, %mul3A_2] : memref<64x1048576xi32, #tpu.memory_space<hbm>> -> memref<64x512xi32, #tpu.memory_space<hbm>>
      %dma_wait3A_514 = arith.constant 0 : i32
      %dma_wait3A_515 = tpu.memref_slice %arg2[%dma_wait3A_514, %mul3A_2] : memref<64x1048576xi32, #tpu.memory_space<hbm>> -> memref<64x512xi32, #tpu.memory_space<hbm>>
      tpu.wait_dma2 semaphore(%arg11 : memref<!tpu.dma_semaphore, #tpu.memory_space<semaphore_mem>>) src(%dma_wait3A_515 : memref<64x512xi32, #tpu.memory_space<hbm>>) dst(%arg7 : memref<64x512xi32, #tpu.memory_space<vmem>>)
      %broadcast_in_dim3A_516 = arith.constant 0.000000e+00 : f32
      %broadcast_in_dim3A_517 = vector.broadcast %broadcast_in_dim3A_516 : f32 to vector<16xf32>
      %scan3A_518 = arith.constant 0 : i32
      %scan3A_519 = arith.constant 64 : i32
      %scan3A_520 = arith.addi %scan3A_518, %scan3A_519 : i32
      %scan3A_521 = arith.constant 1 : i32
      %scan3A_522:32 = scf.for %scan3A_982 = %scan3A_518 to %scan3A_520 step %scan3A_521 iter_args(%scan3A_983 = %broadcast_in_dim3A_517, %scan3A_984 = %broadcast_in_dim3A_517, %scan3A_985 = %broadcast_in_dim3A_517, %scan3A_986 = %broadcast_in_dim3A_517, %scan3A_987 = %broadcast_in_dim3A_517, %scan3A_988 = %broadcast_in_dim3A_517, %scan3A_989 = %broadcast_in_dim3A_517, %scan3A_990 = %broadcast_in_dim3A_517, %scan3A_991 = %broadcast_in_dim3A_517, %scan3A_992 = %broadcast_in_dim3A_517, %scan3A_993 = %broadcast_in_dim3A_517, %scan3A_994 = %broadcast_in_dim3A_517, %scan3A_995 = %broadcast_in_dim3A_517, %scan3A_996 = %broadcast_in_dim3A_517, %scan3A_997 = %broadcast_in_dim3A_517, %scan3A_998 = %broadcast_in_dim3A_517, %scan3A_999 = %broadcast_in_dim3A_517, %scan3A_1000 = %broadcast_in_dim3A_517, %scan3A_1001 = %broadcast_in_dim3A_517, %scan3A_1002 = %broadcast_in_dim3A_517, %scan3A_1003 = %broadcast_in_dim3A_517, %scan3A_1004 = %broadcast_in_dim3A_517, %scan3A_1005 = %broadcast_in_dim3A_517, %scan3A_1006 = %broadcast_in_dim3A_517, %scan3A_1007 = %broadcast_in_dim3A_517, %scan3A_1008 = %broadcast_in_dim3A_517, %scan3A_1009 = %broadcast_in_dim3A_517, %scan3A_1010 = %broadcast_in_dim3A_517, %scan3A_1011 = %broadcast_in_dim3A_517, %scan3A_1012 = %broadcast_in_dim3A_517, %scan3A_1013 = %broadcast_in_dim3A_517, %scan3A_1014 = %broadcast_in_dim3A_517) -> (vector<16xf32>, vector<16xf32>, vector<16xf32>, vector<16xf32>, vector<16xf32>, vector<16xf32>, vector<16xf32>, vector<16xf32>, vector<16xf32>, vector<16xf32>, vector<16xf32>, vector<16xf32>, vector<16xf32>, vector<16xf32>, vector<16xf32>, vector<16xf32>, vector<16xf32>, vector<16xf32>, vector<16xf32>, vector<16xf32>, vector<16xf32>, vector<16xf32>, vector<16xf32>, vector<16xf32>, vector<16xf32>, vector<16xf32>, vector<16xf32>, vector<16xf32>, vector<16xf32>, vector<16xf32>, vector<16xf32>, vector<16xf32>)  : i32 {
        %get3A = arith.index_cast %scan3A_982 : i32 to index
        %get3A_1015 = arith.constant 0 : index
        %get3A_1016 = tpu.vector_load %arg5[%get3A, %get3A_1015] {strides = array<i32>} : memref<64x16xf32, #tpu.memory_space<vmem>>, vector<1x16xf32>,
        %get3A_1017 = vector.shape_cast %get3A_1016 : vector<1x16xf32> to vector<16xf32>
        %get3A_1018 = arith.index_cast %scan3A_982 : i32 to index
        %get3A_1019 = arith.constant 0 : index
        %get3A_1020 = tpu.vector_load %arg7[%get3A_1018, %get3A_1019] {strides = array<i32>} : memref<64x512xi32, #tpu.memory_space<vmem>>, vector<1x16xi32>,
        %get3A_1021 = vector.shape_cast %get3A_1020 : vector<1x16xi32> to vector<16xi32>
        %convert_element_type3A_1022 = arith.sitofp %get3A_1021 : vector<16xi32> to vector<16xf32>
        %mul3A_1023 = arith.mulf %convert_element_type3A_1022, %get3A_1017 : vector<16xf32>
        %add3A_1024 = arith.addf %scan3A_983, %mul3A_1023 : vector<16xf32>
        %get3A_1025 = arith.index_cast %scan3A_982 : i32 to index
        %get3A_1026 = arith.constant 16 : index
        %get3A_1027 = tpu.vector_load %arg7[%get3A_1025, %get3A_1026] {strides = array<i32>} : memref<64x512xi32, #tpu.memory_space<vmem>>, vector<1x16xi32>,
        %get3A_1028 = vector.shape_cast %get3A_1027 : vector<1x16xi32> to vector<16xi32>
        %convert_element_type3A_1029 = arith.sitofp %get3A_1028 : vector<16xi32> to vector<16xf32>
        %mul3A_1030 = arith.mulf %convert_element_type3A_1029, %get3A_1017 : vector<16xf32>
        %add3A_1031 = arith.addf %scan3A_984, %mul3A_1030 : vector<16xf32>
        %get3A_1032 = arith.index_cast %scan3A_982 : i32 to index
        %get3A_1033 = arith.constant 32 : index
        %get3A_1034 = tpu.vector_load %arg7[%get3A_1032, %get3A_1033] {strides = array<i32>} : memref<64x512xi32, #tpu.memory_space<vmem>>, vector<1x16xi32>,
        %get3A_1035 = vector.shape_cast %get3A_1034 : vector<1x16xi32> to vector<16xi32>
        %convert_element_type3A_1036 = arith.sitofp %get3A_1035 : vector<16xi32> to vector<16xf32>
        %mul3A_1037 = arith.mulf %convert_element_type3A_1036, %get3A_1017 : vector<16xf32>
        %add3A_1038 = arith.addf %scan3A_985, %mul3A_1037 : vector<16xf32>
        %get3A_1039 = arith.index_cast %scan3A_982 : i32 to index
        %get3A_1040 = arith.constant 48 : index
        %get3A_1041 = tpu.vector_load %arg7[%get3A_1039, %get3A_1040] {strides = array<i32>} : memref<64x512xi32, #tpu.memory_space<vmem>>, vector<1x16xi32>,
        %get3A_1042 = vector.shape_cast %get3A_1041 : vector<1x16xi32> to vector<16xi32>
        %convert_element_type3A_1043 = arith.sitofp %get3A_1042 : vector<16xi32> to vector<16xf32>
        %mul3A_1044 = arith.mulf %convert_element_type3A_1043, %get3A_1017 : vector<16xf32>
        %add3A_1045 = arith.addf %scan3A_986, %mul3A_1044 : vector<16xf32>
        %get3A_1046 = arith.index_cast %scan3A_982 : i32 to index
        %get3A_1047 = arith.constant 64 : index
        %get3A_1048 = tpu.vector_load %arg7[%get3A_1046, %get3A_1047] {strides = array<i32>} : memref<64x512xi32, #tpu.memory_space<vmem>>, vector<1x16xi32>,
        %get3A_1049 = vector.shape_cast %get3A_1048 : vector<1x16xi32> to vector<16xi32>
        %convert_element_type3A_1050 = arith.sitofp %get3A_1049 : vector<16xi32> to vector<16xf32>
        %mul3A_1051 = arith.mulf %convert_element_type3A_1050, %get3A_1017 : vector<16xf32>
        %add3A_1052 = arith.addf %scan3A_987, %mul3A_1051 : vector<16xf32>
        %get3A_1053 = arith.index_cast %scan3A_982 : i32 to index
        %get3A_1054 = arith.constant 80 : index
        %get3A_1055 = tpu.vector_load %arg7[%get3A_1053, %get3A_1054] {strides = array<i32>} : memref<64x512xi32, #tpu.memory_space<vmem>>, vector<1x16xi32>,
        %get3A_1056 = vector.shape_cast %get3A_1055 : vector<1x16xi32> to vector<16xi32>
        %convert_element_type3A_1057 = arith.sitofp %get3A_1056 : vector<16xi32> to vector<16xf32>
        %mul3A_1058 = arith.mulf %convert_element_type3A_1057, %get3A_1017 : vector<16xf32>
        %add3A_1059 = arith.addf %scan3A_988, %mul3A_1058 : vector<16xf32>
        %get3A_1060 = arith.index_cast %scan3A_982 : i32 to index
        %get3A_1061 = arith.constant 96 : index
        %get3A_1062 = tpu.vector_load %arg7[%get3A_1060, %get3A_1061] {strides = array<i32>} : memref<64x512xi32, #tpu.memory_space<vmem>>, vector<1x16xi32>,
        %get3A_1063 = vector.shape_cast %get3A_1062 : vector<1x16xi32> to vector<16xi32>
        %convert_element_type3A_1064 = arith.sitofp %get3A_1063 : vector<16xi32> to vector<16xf32>
        %mul3A_1065 = arith.mulf %convert_element_type3A_1064, %get3A_1017 : vector<16xf32>
        %add3A_1066 = arith.addf %scan3A_989, %mul3A_1065 : vector<16xf32>
        %get3A_1067 = arith.index_cast %scan3A_982 : i32 to index
        %get3A_1068 = arith.constant 112 : index
        %get3A_1069 = tpu.vector_load %arg7[%get3A_1067, %get3A_1068] {strides = array<i32>} : memref<64x512xi32, #tpu.memory_space<vmem>>, vector<1x16xi32>,
        %get3A_1070 = vector.shape_cast %get3A_1069 : vector<1x16xi32> to vector<16xi32>
        %convert_element_type3A_1071 = arith.sitofp %get3A_1070 : vector<16xi32> to vector<16xf32>
        %mul3A_1072 = arith.mulf %convert_element_type3A_1071, %get3A_1017 : vector<16xf32>
        %add3A_1073 = arith.addf %scan3A_990, %mul3A_1072 : vector<16xf32>
        %get3A_1074 = arith.index_cast %scan3A_982 : i32 to index
        %get3A_1075 = arith.constant 128 : index
        %get3A_1076 = tpu.vector_load %arg7[%get3A_1074, %get3A_1075] {strides = array<i32>} : memref<64x512xi32, #tpu.memory_space<vmem>>, vector<1x16xi32>,
        %get3A_1077 = vector.shape_cast %get3A_1076 : vector<1x16xi32> to vector<16xi32>
        %convert_element_type3A_1078 = arith.sitofp %get3A_1077 : vector<16xi32> to vector<16xf32>
        %mul3A_1079 = arith.mulf %convert_element_type3A_1078, %get3A_1017 : vector<16xf32>
        %add3A_1080 = arith.addf %scan3A_991, %mul3A_1079 : vector<16xf32>
        %get3A_1081 = arith.index_cast %scan3A_982 : i32 to index
        %get3A_1082 = arith.constant 144 : index
        %get3A_1083 = tpu.vector_load %arg7[%get3A_1081, %get3A_1082] {strides = array<i32>} : memref<64x512xi32, #tpu.memory_space<vmem>>, vector<1x16xi32>,
        %get3A_1084 = vector.shape_cast %get3A_1083 : vector<1x16xi32> to vector<16xi32>
        %convert_element_type3A_1085 = arith.sitofp %get3A_1084 : vector<16xi32> to vector<16xf32>
        %mul3A_1086 = arith.mulf %convert_element_type3A_1085, %get3A_1017 : vector<16xf32>
        %add3A_1087 = arith.addf %scan3A_992, %mul3A_1086 : vector<16xf32>
        %get3A_1088 = arith.index_cast %scan3A_982 : i32 to index
        %get3A_1089 = arith.constant 160 : index
        %get3A_1090 = tpu.vector_load %arg7[%get3A_1088, %get3A_1089] {strides = array<i32>} : memref<64x512xi32, #tpu.memory_space<vmem>>, vector<1x16xi32>,
        %get3A_1091 = vector.shape_cast %get3A_1090 : vector<1x16xi32> to vector<16xi32>
        %convert_element_type3A_1092 = arith.sitofp %get3A_1091 : vector<16xi32> to vector<16xf32>
        %mul3A_1093 = arith.mulf %convert_element_type3A_1092, %get3A_1017 : vector<16xf32>
        %add3A_1094 = arith.addf %scan3A_993, %mul3A_1093 : vector<16xf32>
        %get3A_1095 = arith.index_cast %scan3A_982 : i32 to index
        %get3A_1096 = arith.constant 176 : index
        %get3A_1097 = tpu.vector_load %arg7[%get3A_1095, %get3A_1096] {strides = array<i32>} : memref<64x512xi32, #tpu.memory_space<vmem>>, vector<1x16xi32>,
        %get3A_1098 = vector.shape_cast %get3A_1097 : vector<1x16xi32> to vector<16xi32>
        %convert_element_type3A_1099 = arith.sitofp %get3A_1098 : vector<16xi32> to vector<16xf32>
        %mul3A_1100 = arith.mulf %convert_element_type3A_1099, %get3A_1017 : vector<16xf32>
        %add3A_1101 = arith.addf %scan3A_994, %mul3A_1100 : vector<16xf32>
        %get3A_1102 = arith.index_cast %scan3A_982 : i32 to index
        %get3A_1103 = arith.constant 192 : index
        %get3A_1104 = tpu.vector_load %arg7[%get3A_1102, %get3A_1103] {strides = array<i32>} : memref<64x512xi32, #tpu.memory_space<vmem>>, vector<1x16xi32>,
        %get3A_1105 = vector.shape_cast %get3A_1104 : vector<1x16xi32> to vector<16xi32>
        %convert_element_type3A_1106 = arith.sitofp %get3A_1105 : vector<16xi32> to vector<16xf32>
        %mul3A_1107 = arith.mulf %convert_element_type3A_1106, %get3A_1017 : vector<16xf32>
        %add3A_1108 = arith.addf %scan3A_995, %mul3A_1107 : vector<16xf32>
        %get3A_1109 = arith.index_cast %scan3A_982 : i32 to index
        %get3A_1110 = arith.constant 208 : index
        %get3A_1111 = tpu.vector_load %arg7[%get3A_1109, %get3A_1110] {strides = array<i32>} : memref<64x512xi32, #tpu.memory_space<vmem>>, vector<1x16xi32>,
        %get3A_1112 = vector.shape_cast %get3A_1111 : vector<1x16xi32> to vector<16xi32>
        %convert_element_type3A_1113 = arith.sitofp %get3A_1112 : vector<16xi32> to vector<16xf32>
        %mul3A_1114 = arith.mulf %convert_element_type3A_1113, %get3A_1017 : vector<16xf32>
        %add3A_1115 = arith.addf %scan3A_996, %mul3A_1114 : vector<16xf32>
        %get3A_1116 = arith.index_cast %scan3A_982 : i32 to index
        %get3A_1117 = arith.constant 224 : index
        %get3A_1118 = tpu.vector_load %arg7[%get3A_1116, %get3A_1117] {strides = array<i32>} : memref<64x512xi32, #tpu.memory_space<vmem>>, vector<1x16xi32>,
        %get3A_1119 = vector.shape_cast %get3A_1118 : vector<1x16xi32> to vector<16xi32>
        %convert_element_type3A_1120 = arith.sitofp %get3A_1119 : vector<16xi32> to vector<16xf32>
        %mul3A_1121 = arith.mulf %convert_element_type3A_1120, %get3A_1017 : vector<16xf32>
        %add3A_1122 = arith.addf %scan3A_997, %mul3A_1121 : vector<16xf32>
        %get3A_1123 = arith.index_cast %scan3A_982 : i32 to index
        %get3A_1124 = arith.constant 240 : index
        %get3A_1125 = tpu.vector_load %arg7[%get3A_1123, %get3A_1124] {strides = array<i32>} : memref<64x512xi32, #tpu.memory_space<vmem>>, vector<1x16xi32>,
        %get3A_1126 = vector.shape_cast %get3A_1125 : vector<1x16xi32> to vector<16xi32>
        %convert_element_type3A_1127 = arith.sitofp %get3A_1126 : vector<16xi32> to vector<16xf32>
        %mul3A_1128 = arith.mulf %convert_element_type3A_1127, %get3A_1017 : vector<16xf32>
        %add3A_1129 = arith.addf %scan3A_998, %mul3A_1128 : vector<16xf32>
        %get3A_1130 = arith.index_cast %scan3A_982 : i32 to index
        %get3A_1131 = arith.constant 256 : index
        %get3A_1132 = tpu.vector_load %arg7[%get3A_1130, %get3A_1131] {strides = array<i32>} : memref<64x512xi32, #tpu.memory_space<vmem>>, vector<1x16xi32>,
        %get3A_1133 = vector.shape_cast %get3A_1132 : vector<1x16xi32> to vector<16xi32>
        %convert_element_type3A_1134 = arith.sitofp %get3A_1133 : vector<16xi32> to vector<16xf32>
        %mul3A_1135 = arith.mulf %convert_element_type3A_1134, %get3A_1017 : vector<16xf32>
        %add3A_1136 = arith.addf %scan3A_999, %mul3A_1135 : vector<16xf32>
        %get3A_1137 = arith.index_cast %scan3A_982 : i32 to index
        %get3A_1138 = arith.constant 272 : index
        %get3A_1139 = tpu.vector_load %arg7[%get3A_1137, %get3A_1138] {strides = array<i32>} : memref<64x512xi32, #tpu.memory_space<vmem>>, vector<1x16xi32>,
        %get3A_1140 = vector.shape_cast %get3A_1139 : vector<1x16xi32> to vector<16xi32>
        %convert_element_type3A_1141 = arith.sitofp %get3A_1140 : vector<16xi32> to vector<16xf32>
        %mul3A_1142 = arith.mulf %convert_element_type3A_1141, %get3A_1017 : vector<16xf32>
        %add3A_1143 = arith.addf %scan3A_1000, %mul3A_1142 : vector<16xf32>
        %get3A_1144 = arith.index_cast %scan3A_982 : i32 to index
        %get3A_1145 = arith.constant 288 : index
        %get3A_1146 = tpu.vector_load %arg7[%get3A_1144, %get3A_1145] {strides = array<i32>} : memref<64x512xi32, #tpu.memory_space<vmem>>, vector<1x16xi32>,
        %get3A_1147 = vector.shape_cast %get3A_1146 : vector<1x16xi32> to vector<16xi32>
        %convert_element_type3A_1148 = arith.sitofp %get3A_1147 : vector<16xi32> to vector<16xf32>
        %mul3A_1149 = arith.mulf %convert_element_type3A_1148, %get3A_1017 : vector<16xf32>
        %add3A_1150 = arith.addf %scan3A_1001, %mul3A_1149 : vector<16xf32>
        %get3A_1151 = arith.index_cast %scan3A_982 : i32 to index
        %get3A_1152 = arith.constant 304 : index
        %get3A_1153 = tpu.vector_load %arg7[%get3A_1151, %get3A_1152] {strides = array<i32>} : memref<64x512xi32, #tpu.memory_space<vmem>>, vector<1x16xi32>,
        %get3A_1154 = vector.shape_cast %get3A_1153 : vector<1x16xi32> to vector<16xi32>
        %convert_element_type3A_1155 = arith.sitofp %get3A_1154 : vector<16xi32> to vector<16xf32>
        %mul3A_1156 = arith.mulf %convert_element_type3A_1155, %get3A_1017 : vector<16xf32>
        %add3A_1157 = arith.addf %scan3A_1002, %mul3A_1156 : vector<16xf32>
        %get3A_1158 = arith.index_cast %scan3A_982 : i32 to index
        %get3A_1159 = arith.constant 320 : index
        %get3A_1160 = tpu.vector_load %arg7[%get3A_1158, %get3A_1159] {strides = array<i32>} : memref<64x512xi32, #tpu.memory_space<vmem>>, vector<1x16xi32>,
        %get3A_1161 = vector.shape_cast %get3A_1160 : vector<1x16xi32> to vector<16xi32>
        %convert_element_type3A_1162 = arith.sitofp %get3A_1161 : vector<16xi32> to vector<16xf32>
        %mul3A_1163 = arith.mulf %convert_element_type3A_1162, %get3A_1017 : vector<16xf32>
        %add3A_1164 = arith.addf %scan3A_1003, %mul3A_1163 : vector<16xf32>
        %get3A_1165 = arith.index_cast %scan3A_982 : i32 to index
        %get3A_1166 = arith.constant 336 : index
        %get3A_1167 = tpu.vector_load %arg7[%get3A_1165, %get3A_1166] {strides = array<i32>} : memref<64x512xi32, #tpu.memory_space<vmem>>, vector<1x16xi32>,
        %get3A_1168 = vector.shape_cast %get3A_1167 : vector<1x16xi32> to vector<16xi32>
        %convert_element_type3A_1169 = arith.sitofp %get3A_1168 : vector<16xi32> to vector<16xf32>
        %mul3A_1170 = arith.mulf %convert_element_type3A_1169, %get3A_1017 : vector<16xf32>
        %add3A_1171 = arith.addf %scan3A_1004, %mul3A_1170 : vector<16xf32>
        %get3A_1172 = arith.index_cast %scan3A_982 : i32 to index
        %get3A_1173 = arith.constant 352 : index
        %get3A_1174 = tpu.vector_load %arg7[%get3A_1172, %get3A_1173] {strides = array<i32>} : memref<64x512xi32, #tpu.memory_space<vmem>>, vector<1x16xi32>,
        %get3A_1175 = vector.shape_cast %get3A_1174 : vector<1x16xi32> to vector<16xi32>
        %convert_element_type3A_1176 = arith.sitofp %get3A_1175 : vector<16xi32> to vector<16xf32>
        %mul3A_1177 = arith.mulf %convert_element_type3A_1176, %get3A_1017 : vector<16xf32>
        %add3A_1178 = arith.addf %scan3A_1005, %mul3A_1177 : vector<16xf32>
        %get3A_1179 = arith.index_cast %scan3A_982 : i32 to index
        %get3A_1180 = arith.constant 368 : index
        %get3A_1181 = tpu.vector_load %arg7[%get3A_1179, %get3A_1180] {strides = array<i32>} : memref<64x512xi32, #tpu.memory_space<vmem>>, vector<1x16xi32>,
        %get3A_1182 = vector.shape_cast %get3A_1181 : vector<1x16xi32> to vector<16xi32>
        %convert_element_type3A_1183 = arith.sitofp %get3A_1182 : vector<16xi32> to vector<16xf32>
        %mul3A_1184 = arith.mulf %convert_element_type3A_1183, %get3A_1017 : vector<16xf32>
        %add3A_1185 = arith.addf %scan3A_1006, %mul3A_1184 : vector<16xf32>
        %get3A_1186 = arith.index_cast %scan3A_982 : i32 to index
        %get3A_1187 = arith.constant 384 : index
        %get3A_1188 = tpu.vector_load %arg7[%get3A_1186, %get3A_1187] {strides = array<i32>} : memref<64x512xi32, #tpu.memory_space<vmem>>, vector<1x16xi32>,
        %get3A_1189 = vector.shape_cast %get3A_1188 : vector<1x16xi32> to vector<16xi32>
        %convert_element_type3A_1190 = arith.sitofp %get3A_1189 : vector<16xi32> to vector<16xf32>
        %mul3A_1191 = arith.mulf %convert_element_type3A_1190, %get3A_1017 : vector<16xf32>
        %add3A_1192 = arith.addf %scan3A_1007, %mul3A_1191 : vector<16xf32>
        %get3A_1193 = arith.index_cast %scan3A_982 : i32 to index
        %get3A_1194 = arith.constant 400 : index
        %get3A_1195 = tpu.vector_load %arg7[%get3A_1193, %get3A_1194] {strides = array<i32>} : memref<64x512xi32, #tpu.memory_space<vmem>>, vector<1x16xi32>,
        %get3A_1196 = vector.shape_cast %get3A_1195 : vector<1x16xi32> to vector<16xi32>
        %convert_element_type3A_1197 = arith.sitofp %get3A_1196 : vector<16xi32> to vector<16xf32>
        %mul3A_1198 = arith.mulf %convert_element_type3A_1197, %get3A_1017 : vector<16xf32>
        %add3A_1199 = arith.addf %scan3A_1008, %mul3A_1198 : vector<16xf32>
        %get3A_1200 = arith.index_cast %scan3A_982 : i32 to index
        %get3A_1201 = arith.constant 416 : index
        %get3A_1202 = tpu.vector_load %arg7[%get3A_1200, %get3A_1201] {strides = array<i32>} : memref<64x512xi32, #tpu.memory_space<vmem>>, vector<1x16xi32>,
        %get3A_1203 = vector.shape_cast %get3A_1202 : vector<1x16xi32> to vector<16xi32>
        %convert_element_type3A_1204 = arith.sitofp %get3A_1203 : vector<16xi32> to vector<16xf32>
        %mul3A_1205 = arith.mulf %convert_element_type3A_1204, %get3A_1017 : vector<16xf32>
        %add3A_1206 = arith.addf %scan3A_1009, %mul3A_1205 : vector<16xf32>
        %get3A_1207 = arith.index_cast %scan3A_982 : i32 to index
        %get3A_1208 = arith.constant 432 : index
        %get3A_1209 = tpu.vector_load %arg7[%get3A_1207, %get3A_1208] {strides = array<i32>} : memref<64x512xi32, #tpu.memory_space<vmem>>, vector<1x16xi32>,
        %get3A_1210 = vector.shape_cast %get3A_1209 : vector<1x16xi32> to vector<16xi32>
        %convert_element_type3A_1211 = arith.sitofp %get3A_1210 : vector<16xi32> to vector<16xf32>
        %mul3A_1212 = arith.mulf %convert_element_type3A_1211, %get3A_1017 : vector<16xf32>
        %add3A_1213 = arith.addf %scan3A_1010, %mul3A_1212 : vector<16xf32>
        %get3A_1214 = arith.index_cast %scan3A_982 : i32 to index
        %get3A_1215 = arith.constant 448 : index
        %get3A_1216 = tpu.vector_load %arg7[%get3A_1214, %get3A_1215] {strides = array<i32>} : memref<64x512xi32, #tpu.memory_space<vmem>>, vector<1x16xi32>,
        %get3A_1217 = vector.shape_cast %get3A_1216 : vector<1x16xi32> to vector<16xi32>
        %convert_element_type3A_1218 = arith.sitofp %get3A_1217 : vector<16xi32> to vector<16xf32>
        %mul3A_1219 = arith.mulf %convert_element_type3A_1218, %get3A_1017 : vector<16xf32>
        %add3A_1220 = arith.addf %scan3A_1011, %mul3A_1219 : vector<16xf32>
        %get3A_1221 = arith.index_cast %scan3A_982 : i32 to index
        %get3A_1222 = arith.constant 464 : index
        %get3A_1223 = tpu.vector_load %arg7[%get3A_1221, %get3A_1222] {strides = array<i32>} : memref<64x512xi32, #tpu.memory_space<vmem>>, vector<1x16xi32>,
        %get3A_1224 = vector.shape_cast %get3A_1223 : vector<1x16xi32> to vector<16xi32>
        %convert_element_type3A_1225 = arith.sitofp %get3A_1224 : vector<16xi32> to vector<16xf32>
        %mul3A_1226 = arith.mulf %convert_element_type3A_1225, %get3A_1017 : vector<16xf32>
        %add3A_1227 = arith.addf %scan3A_1012, %mul3A_1226 : vector<16xf32>
        %get3A_1228 = arith.index_cast %scan3A_982 : i32 to index
        %get3A_1229 = arith.constant 480 : index
        %get3A_1230 = tpu.vector_load %arg7[%get3A_1228, %get3A_1229] {strides = array<i32>} : memref<64x512xi32, #tpu.memory_space<vmem>>, vector<1x16xi32>,
        %get3A_1231 = vector.shape_cast %get3A_1230 : vector<1x16xi32> to vector<16xi32>
        %convert_element_type3A_1232 = arith.sitofp %get3A_1231 : vector<16xi32> to vector<16xf32>
        %mul3A_1233 = arith.mulf %convert_element_type3A_1232, %get3A_1017 : vector<16xf32>
        %add3A_1234 = arith.addf %scan3A_1013, %mul3A_1233 : vector<16xf32>
        %get3A_1235 = arith.index_cast %scan3A_982 : i32 to index
        %get3A_1236 = arith.constant 496 : index
        %get3A_1237 = tpu.vector_load %arg7[%get3A_1235, %get3A_1236] {strides = array<i32>} : memref<64x512xi32, #tpu.memory_space<vmem>>, vector<1x16xi32>,
        %get3A_1238 = vector.shape_cast %get3A_1237 : vector<1x16xi32> to vector<16xi32>
        %convert_element_type3A_1239 = arith.sitofp %get3A_1238 : vector<16xi32> to vector<16xf32>
        %mul3A_1240 = arith.mulf %convert_element_type3A_1239, %get3A_1017 : vector<16xf32>
        %add3A_1241 = arith.addf %scan3A_1014, %mul3A_1240 : vector<16xf32>
        scf.yield %add3A_1024, %add3A_1031, %add3A_1038, %add3A_1045, %add3A_1052, %add3A_1059, %add3A_1066, %add3A_1073, %add3A_1080, %add3A_1087, %add3A_1094, %add3A_1101, %add3A_1108, %add3A_1115, %add3A_1122, %add3A_1129, %add3A_1136, %add3A_1143, %add3A_1150, %add3A_1157, %add3A_1164, %add3A_1171, %add3A_1178, %add3A_1185, %add3A_1192, %add3A_1199, %add3A_1206, %add3A_1213, %add3A_1220, %add3A_1227, %add3A_1234, %add3A_1241 : vector<16xf32>, vector<16xf32>, vector<16xf32>, vector<16xf32>, vector<16xf32>, vector<16xf32>, vector<16xf32>, vector<16xf32>, vector<16xf32>, vector<16xf32>, vector<16xf32>, vector<16xf32>, vector<16xf32>, vector<16xf32>, vector<16xf32>, vector<16xf32>, vector<16xf32>, vector<16xf32>, vector<16xf32>, vector<16xf32>, vector<16xf32>, vector<16xf32>, vector<16xf32>, vector<16xf32>, vector<16xf32>, vector<16xf32>, vector<16xf32>, vector<16xf32>, vector<16xf32>, vector<16xf32>, vector<16xf32>, vector<16xf32>
      }
      %scan3A_523 = arith.constant 64 : i32
      %ge3A_524 = arith.constant 2 : i32
      %ge3A_525 = arith.cmpi sge, %add3A_504, %ge3A_524 : i32
      %convert_element_type3A_526 = arith.extui %ge3A_525 : i1 to i32
      %cond3A_527 = arith.constant 0 : i32
      %cond3A_528 = arith.cmpi ne, %convert_element_type3A_526, %cond3A_527 : i32
      scf.if %cond3A_528 {
        %mul3A_982 = arith.constant 512 : i32
        %mul3A_983 = arith.muli %add3A_504, %mul3A_982 : i32
        %add3A_984 = arith.addi %mul3A_2, %mul3A_983 : i32
        %dma_wait3A_985 = tpu.memref_slice %arg4[%add3A_984] : memref<622592xi32, #tpu.memory_space<hbm>> -> memref<512xi32, #tpu.memory_space<hbm>>
        %dma_wait3A_986 = tpu.memref_slice %arg4[%add3A_984] : memref<622592xi32, #tpu.memory_space<hbm>> -> memref<512xi32, #tpu.memory_space<hbm>>
        tpu.wait_dma2 semaphore(%arg13 : memref<!tpu.dma_semaphore, #tpu.memory_space<semaphore_mem>>) src(%arg9 : memref<512xi32, #tpu.memory_space<vmem>>) dst(%dma_wait3A_986 : memref<512xi32, #tpu.memory_space<hbm>>)
      } else {
      }
      %convert_element_type3A_529 = arith.fptosi %scan3A_522#0 : vector<16xf32> to vector<16xi32>
      %sub3A_530 = arith.subf %scan3A_7, %scan3A_522#0 : vector<16xf32>
      %convert_element_type3A_531 = arith.fptosi %sub3A_530 : vector<16xf32> to vector<16xi32>
      %sub3A_532 = arith.subi %convert_element_type3A_531, %convert_element_type3A_529 : vector<16xi32>
      %shift_right_arithmetic3A_533 = arith.constant 31 : i32
      %shift_right_arithmetic3A_534 = vector.broadcast %shift_right_arithmetic3A_533 : i32 to vector<16xi32>
      %shift_right_arithmetic3A_535 = arith.shrsi %sub3A_532, %shift_right_arithmetic3A_534 : vector<16xi32>
      %and3A_536 = arith.constant 1 : i32
      %and3A_537 = vector.broadcast %and3A_536 : i32 to vector<16xi32>
      %and3A_538 = arith.andi %shift_right_arithmetic3A_535, %and3A_537 : vector<16xi32>
      %swap3A_539 = arith.constant 0 : index
      %swap3A_540 = tpu.vector_load %arg9[%swap3A_539] {strides = array<i32>} : memref<512xi32, #tpu.memory_space<vmem>>, vector<16xi32>,
      %swap3A_541 = vector.shape_cast %swap3A_540 : vector<16xi32> to vector<16xi32>
      %swap3A_542 = vector.shape_cast %and3A_538 : vector<16xi32> to vector<16xi32>
      tpu.vector_store %arg9[%swap3A_539], %swap3A_542 {strides = array<i32>} : memref<512xi32, #tpu.memory_space<vmem>>, vector<16xi32>,
      %convert_element_type3A_543 = arith.fptosi %scan3A_522#1 : vector<16xf32> to vector<16xi32>
      %sub3A_544 = arith.subf %scan3A_7, %scan3A_522#1 : vector<16xf32>
      %convert_element_type3A_545 = arith.fptosi %sub3A_544 : vector<16xf32> to vector<16xi32>
      %sub3A_546 = arith.subi %convert_element_type3A_545, %convert_element_type3A_543 : vector<16xi32>
      %shift_right_arithmetic3A_547 = arith.constant 31 : i32
      %shift_right_arithmetic3A_548 = vector.broadcast %shift_right_arithmetic3A_547 : i32 to vector<16xi32>
      %shift_right_arithmetic3A_549 = arith.shrsi %sub3A_546, %shift_right_arithmetic3A_548 : vector<16xi32>
      %and3A_550 = arith.constant 1 : i32
      %and3A_551 = vector.broadcast %and3A_550 : i32 to vector<16xi32>
      %and3A_552 = arith.andi %shift_right_arithmetic3A_549, %and3A_551 : vector<16xi32>
      %swap3A_553 = arith.constant 16 : index
      %swap3A_554 = tpu.vector_load %arg9[%swap3A_553] {strides = array<i32>} : memref<512xi32, #tpu.memory_space<vmem>>, vector<16xi32>,
      %swap3A_555 = vector.shape_cast %swap3A_554 : vector<16xi32> to vector<16xi32>
      %swap3A_556 = vector.shape_cast %and3A_552 : vector<16xi32> to vector<16xi32>
      tpu.vector_store %arg9[%swap3A_553], %swap3A_556 {strides = array<i32>} : memref<512xi32, #tpu.memory_space<vmem>>, vector<16xi32>,
      %convert_element_type3A_557 = arith.fptosi %scan3A_522#2 : vector<16xf32> to vector<16xi32>
      %sub3A_558 = arith.subf %scan3A_7, %scan3A_522#2 : vector<16xf32>
      %convert_element_type3A_559 = arith.fptosi %sub3A_558 : vector<16xf32> to vector<16xi32>
      %sub3A_560 = arith.subi %convert_element_type3A_559, %convert_element_type3A_557 : vector<16xi32>
      %shift_right_arithmetic3A_561 = arith.constant 31 : i32
      %shift_right_arithmetic3A_562 = vector.broadcast %shift_right_arithmetic3A_561 : i32 to vector<16xi32>
      %shift_right_arithmetic3A_563 = arith.shrsi %sub3A_560, %shift_right_arithmetic3A_562 : vector<16xi32>
      %and3A_564 = arith.constant 1 : i32
      %and3A_565 = vector.broadcast %and3A_564 : i32 to vector<16xi32>
      %and3A_566 = arith.andi %shift_right_arithmetic3A_563, %and3A_565 : vector<16xi32>
      %swap3A_567 = arith.constant 32 : index
      %swap3A_568 = tpu.vector_load %arg9[%swap3A_567] {strides = array<i32>} : memref<512xi32, #tpu.memory_space<vmem>>, vector<16xi32>,
      %swap3A_569 = vector.shape_cast %swap3A_568 : vector<16xi32> to vector<16xi32>
      %swap3A_570 = vector.shape_cast %and3A_566 : vector<16xi32> to vector<16xi32>
      tpu.vector_store %arg9[%swap3A_567], %swap3A_570 {strides = array<i32>} : memref<512xi32, #tpu.memory_space<vmem>>, vector<16xi32>,
      %convert_element_type3A_571 = arith.fptosi %scan3A_522#3 : vector<16xf32> to vector<16xi32>
      %sub3A_572 = arith.subf %scan3A_7, %scan3A_522#3 : vector<16xf32>
      %convert_element_type3A_573 = arith.fptosi %sub3A_572 : vector<16xf32> to vector<16xi32>
      %sub3A_574 = arith.subi %convert_element_type3A_573, %convert_element_type3A_571 : vector<16xi32>
      %shift_right_arithmetic3A_575 = arith.constant 31 : i32
      %shift_right_arithmetic3A_576 = vector.broadcast %shift_right_arithmetic3A_575 : i32 to vector<16xi32>
      %shift_right_arithmetic3A_577 = arith.shrsi %sub3A_574, %shift_right_arithmetic3A_576 : vector<16xi32>
      %and3A_578 = arith.constant 1 : i32
      %and3A_579 = vector.broadcast %and3A_578 : i32 to vector<16xi32>
      %and3A_580 = arith.andi %shift_right_arithmetic3A_577, %and3A_579 : vector<16xi32>
      %swap3A_581 = arith.constant 48 : index
      %swap3A_582 = tpu.vector_load %arg9[%swap3A_581] {strides = array<i32>} : memref<512xi32, #tpu.memory_space<vmem>>, vector<16xi32>,
      %swap3A_583 = vector.shape_cast %swap3A_582 : vector<16xi32> to vector<16xi32>
      %swap3A_584 = vector.shape_cast %and3A_580 : vector<16xi32> to vector<16xi32>
      tpu.vector_store %arg9[%swap3A_581], %swap3A_584 {strides = array<i32>} : memref<512xi32, #tpu.memory_space<vmem>>, vector<16xi32>,
      %convert_element_type3A_585 = arith.fptosi %scan3A_522#4 : vector<16xf32> to vector<16xi32>
      %sub3A_586 = arith.subf %scan3A_7, %scan3A_522#4 : vector<16xf32>
      %convert_element_type3A_587 = arith.fptosi %sub3A_586 : vector<16xf32> to vector<16xi32>
      %sub3A_588 = arith.subi %convert_element_type3A_587, %convert_element_type3A_585 : vector<16xi32>
      %shift_right_arithmetic3A_589 = arith.constant 31 : i32
      %shift_right_arithmetic3A_590 = vector.broadcast %shift_right_arithmetic3A_589 : i32 to vector<16xi32>
      %shift_right_arithmetic3A_591 = arith.shrsi %sub3A_588, %shift_right_arithmetic3A_590 : vector<16xi32>
      %and3A_592 = arith.constant 1 : i32
      %and3A_593 = vector.broadcast %and3A_592 : i32 to vector<16xi32>
      %and3A_594 = arith.andi %shift_right_arithmetic3A_591, %and3A_593 : vector<16xi32>
      %swap3A_595 = arith.constant 64 : index
      %swap3A_596 = tpu.vector_load %arg9[%swap3A_595] {strides = array<i32>} : memref<512xi32, #tpu.memory_space<vmem>>, vector<16xi32>,
      %swap3A_597 = vector.shape_cast %swap3A_596 : vector<16xi32> to vector<16xi32>
      %swap3A_598 = vector.shape_cast %and3A_594 : vector<16xi32> to vector<16xi32>
      tpu.vector_store %arg9[%swap3A_595], %swap3A_598 {strides = array<i32>} : memref<512xi32, #tpu.memory_space<vmem>>, vector<16xi32>,
      %convert_element_type3A_599 = arith.fptosi %scan3A_522#5 : vector<16xf32> to vector<16xi32>
      %sub3A_600 = arith.subf %scan3A_7, %scan3A_522#5 : vector<16xf32>
      %convert_element_type3A_601 = arith.fptosi %sub3A_600 : vector<16xf32> to vector<16xi32>
      %sub3A_602 = arith.subi %convert_element_type3A_601, %convert_element_type3A_599 : vector<16xi32>
      %shift_right_arithmetic3A_603 = arith.constant 31 : i32
      %shift_right_arithmetic3A_604 = vector.broadcast %shift_right_arithmetic3A_603 : i32 to vector<16xi32>
      %shift_right_arithmetic3A_605 = arith.shrsi %sub3A_602, %shift_right_arithmetic3A_604 : vector<16xi32>
      %and3A_606 = arith.constant 1 : i32
      %and3A_607 = vector.broadcast %and3A_606 : i32 to vector<16xi32>
      %and3A_608 = arith.andi %shift_right_arithmetic3A_605, %and3A_607 : vector<16xi32>
      %swap3A_609 = arith.constant 80 : index
      %swap3A_610 = tpu.vector_load %arg9[%swap3A_609] {strides = array<i32>} : memref<512xi32, #tpu.memory_space<vmem>>, vector<16xi32>,
      %swap3A_611 = vector.shape_cast %swap3A_610 : vector<16xi32> to vector<16xi32>
      %swap3A_612 = vector.shape_cast %and3A_608 : vector<16xi32> to vector<16xi32>
      tpu.vector_store %arg9[%swap3A_609], %swap3A_612 {strides = array<i32>} : memref<512xi32, #tpu.memory_space<vmem>>, vector<16xi32>,
      %convert_element_type3A_613 = arith.fptosi %scan3A_522#6 : vector<16xf32> to vector<16xi32>
      %sub3A_614 = arith.subf %scan3A_7, %scan3A_522#6 : vector<16xf32>
      %convert_element_type3A_615 = arith.fptosi %sub3A_614 : vector<16xf32> to vector<16xi32>
      %sub3A_616 = arith.subi %convert_element_type3A_615, %convert_element_type3A_613 : vector<16xi32>
      %shift_right_arithmetic3A_617 = arith.constant 31 : i32
      %shift_right_arithmetic3A_618 = vector.broadcast %shift_right_arithmetic3A_617 : i32 to vector<16xi32>
      %shift_right_arithmetic3A_619 = arith.shrsi %sub3A_616, %shift_right_arithmetic3A_618 : vector<16xi32>
      %and3A_620 = arith.constant 1 : i32
      %and3A_621 = vector.broadcast %and3A_620 : i32 to vector<16xi32>
      %and3A_622 = arith.andi %shift_right_arithmetic3A_619, %and3A_621 : vector<16xi32>
      %swap3A_623 = arith.constant 96 : index
      %swap3A_624 = tpu.vector_load %arg9[%swap3A_623] {strides = array<i32>} : memref<512xi32, #tpu.memory_space<vmem>>, vector<16xi32>,
      %swap3A_625 = vector.shape_cast %swap3A_624 : vector<16xi32> to vector<16xi32>
      %swap3A_626 = vector.shape_cast %and3A_622 : vector<16xi32> to vector<16xi32>
      tpu.vector_store %arg9[%swap3A_623], %swap3A_626 {strides = array<i32>} : memref<512xi32, #tpu.memory_space<vmem>>, vector<16xi32>,
      %convert_element_type3A_627 = arith.fptosi %scan3A_522#7 : vector<16xf32> to vector<16xi32>
      %sub3A_628 = arith.subf %scan3A_7, %scan3A_522#7 : vector<16xf32>
      %convert_element_type3A_629 = arith.fptosi %sub3A_628 : vector<16xf32> to vector<16xi32>
      %sub3A_630 = arith.subi %convert_element_type3A_629, %convert_element_type3A_627 : vector<16xi32>
      %shift_right_arithmetic3A_631 = arith.constant 31 : i32
      %shift_right_arithmetic3A_632 = vector.broadcast %shift_right_arithmetic3A_631 : i32 to vector<16xi32>
      %shift_right_arithmetic3A_633 = arith.shrsi %sub3A_630, %shift_right_arithmetic3A_632 : vector<16xi32>
      %and3A_634 = arith.constant 1 : i32
      %and3A_635 = vector.broadcast %and3A_634 : i32 to vector<16xi32>
      %and3A_636 = arith.andi %shift_right_arithmetic3A_633, %and3A_635 : vector<16xi32>
      %swap3A_637 = arith.constant 112 : index
      %swap3A_638 = tpu.vector_load %arg9[%swap3A_637] {strides = array<i32>} : memref<512xi32, #tpu.memory_space<vmem>>, vector<16xi32>,
      %swap3A_639 = vector.shape_cast %swap3A_638 : vector<16xi32> to vector<16xi32>
      %swap3A_640 = vector.shape_cast %and3A_636 : vector<16xi32> to vector<16xi32>
      tpu.vector_store %arg9[%swap3A_637], %swap3A_640 {strides = array<i32>} : memref<512xi32, #tpu.memory_space<vmem>>, vector<16xi32>,
      %convert_element_type3A_641 = arith.fptosi %scan3A_522#8 : vector<16xf32> to vector<16xi32>
      %sub3A_642 = arith.subf %scan3A_7, %scan3A_522#8 : vector<16xf32>
      %convert_element_type3A_643 = arith.fptosi %sub3A_642 : vector<16xf32> to vector<16xi32>
      %sub3A_644 = arith.subi %convert_element_type3A_643, %convert_element_type3A_641 : vector<16xi32>
      %shift_right_arithmetic3A_645 = arith.constant 31 : i32
      %shift_right_arithmetic3A_646 = vector.broadcast %shift_right_arithmetic3A_645 : i32 to vector<16xi32>
      %shift_right_arithmetic3A_647 = arith.shrsi %sub3A_644, %shift_right_arithmetic3A_646 : vector<16xi32>
      %and3A_648 = arith.constant 1 : i32
      %and3A_649 = vector.broadcast %and3A_648 : i32 to vector<16xi32>
      %and3A_650 = arith.andi %shift_right_arithmetic3A_647, %and3A_649 : vector<16xi32>
      %swap3A_651 = arith.constant 128 : index
      %swap3A_652 = tpu.vector_load %arg9[%swap3A_651] {strides = array<i32>} : memref<512xi32, #tpu.memory_space<vmem>>, vector<16xi32>,
      %swap3A_653 = vector.shape_cast %swap3A_652 : vector<16xi32> to vector<16xi32>
      %swap3A_654 = vector.shape_cast %and3A_650 : vector<16xi32> to vector<16xi32>
      tpu.vector_store %arg9[%swap3A_651], %swap3A_654 {strides = array<i32>} : memref<512xi32, #tpu.memory_space<vmem>>, vector<16xi32>,
      %convert_element_type3A_655 = arith.fptosi %scan3A_522#9 : vector<16xf32> to vector<16xi32>
      %sub3A_656 = arith.subf %scan3A_7, %scan3A_522#9 : vector<16xf32>
      %convert_element_type3A_657 = arith.fptosi %sub3A_656 : vector<16xf32> to vector<16xi32>
      %sub3A_658 = arith.subi %convert_element_type3A_657, %convert_element_type3A_655 : vector<16xi32>
      %shift_right_arithmetic3A_659 = arith.constant 31 : i32
      %shift_right_arithmetic3A_660 = vector.broadcast %shift_right_arithmetic3A_659 : i32 to vector<16xi32>
      %shift_right_arithmetic3A_661 = arith.shrsi %sub3A_658, %shift_right_arithmetic3A_660 : vector<16xi32>
      %and3A_662 = arith.constant 1 : i32
      %and3A_663 = vector.broadcast %and3A_662 : i32 to vector<16xi32>
      %and3A_664 = arith.andi %shift_right_arithmetic3A_661, %and3A_663 : vector<16xi32>
      %swap3A_665 = arith.constant 144 : index
      %swap3A_666 = tpu.vector_load %arg9[%swap3A_665] {strides = array<i32>} : memref<512xi32, #tpu.memory_space<vmem>>, vector<16xi32>,
      %swap3A_667 = vector.shape_cast %swap3A_666 : vector<16xi32> to vector<16xi32>
      %swap3A_668 = vector.shape_cast %and3A_664 : vector<16xi32> to vector<16xi32>
      tpu.vector_store %arg9[%swap3A_665], %swap3A_668 {strides = array<i32>} : memref<512xi32, #tpu.memory_space<vmem>>, vector<16xi32>,
      %convert_element_type3A_669 = arith.fptosi %scan3A_522#10 : vector<16xf32> to vector<16xi32>
      %sub3A_670 = arith.subf %scan3A_7, %scan3A_522#10 : vector<16xf32>
      %convert_element_type3A_671 = arith.fptosi %sub3A_670 : vector<16xf32> to vector<16xi32>
      %sub3A_672 = arith.subi %convert_element_type3A_671, %convert_element_type3A_669 : vector<16xi32>
      %shift_right_arithmetic3A_673 = arith.constant 31 : i32
      %shift_right_arithmetic3A_674 = vector.broadcast %shift_right_arithmetic3A_673 : i32 to vector<16xi32>
      %shift_right_arithmetic3A_675 = arith.shrsi %sub3A_672, %shift_right_arithmetic3A_674 : vector<16xi32>
      %and3A_676 = arith.constant 1 : i32
      %and3A_677 = vector.broadcast %and3A_676 : i32 to vector<16xi32>
      %and3A_678 = arith.andi %shift_right_arithmetic3A_675, %and3A_677 : vector<16xi32>
      %swap3A_679 = arith.constant 160 : index
      %swap3A_680 = tpu.vector_load %arg9[%swap3A_679] {strides = array<i32>} : memref<512xi32, #tpu.memory_space<vmem>>, vector<16xi32>,
      %swap3A_681 = vector.shape_cast %swap3A_680 : vector<16xi32> to vector<16xi32>
      %swap3A_682 = vector.shape_cast %and3A_678 : vector<16xi32> to vector<16xi32>
      tpu.vector_store %arg9[%swap3A_679], %swap3A_682 {strides = array<i32>} : memref<512xi32, #tpu.memory_space<vmem>>, vector<16xi32>,
      %convert_element_type3A_683 = arith.fptosi %scan3A_522#11 : vector<16xf32> to vector<16xi32>
      %sub3A_684 = arith.subf %scan3A_7, %scan3A_522#11 : vector<16xf32>
      %convert_element_type3A_685 = arith.fptosi %sub3A_684 : vector<16xf32> to vector<16xi32>
      %sub3A_686 = arith.subi %convert_element_type3A_685, %convert_element_type3A_683 : vector<16xi32>
      %shift_right_arithmetic3A_687 = arith.constant 31 : i32
      %shift_right_arithmetic3A_688 = vector.broadcast %shift_right_arithmetic3A_687 : i32 to vector<16xi32>
      %shift_right_arithmetic3A_689 = arith.shrsi %sub3A_686, %shift_right_arithmetic3A_688 : vector<16xi32>
      %and3A_690 = arith.constant 1 : i32
      %and3A_691 = vector.broadcast %and3A_690 : i32 to vector<16xi32>
      %and3A_692 = arith.andi %shift_right_arithmetic3A_689, %and3A_691 : vector<16xi32>
      %swap3A_693 = arith.constant 176 : index
      %swap3A_694 = tpu.vector_load %arg9[%swap3A_693] {strides = array<i32>} : memref<512xi32, #tpu.memory_space<vmem>>, vector<16xi32>,
      %swap3A_695 = vector.shape_cast %swap3A_694 : vector<16xi32> to vector<16xi32>
      %swap3A_696 = vector.shape_cast %and3A_692 : vector<16xi32> to vector<16xi32>
      tpu.vector_store %arg9[%swap3A_693], %swap3A_696 {strides = array<i32>} : memref<512xi32, #tpu.memory_space<vmem>>, vector<16xi32>,
      %convert_element_type3A_697 = arith.fptosi %scan3A_522#12 : vector<16xf32> to vector<16xi32>
      %sub3A_698 = arith.subf %scan3A_7, %scan3A_522#12 : vector<16xf32>
      %convert_element_type3A_699 = arith.fptosi %sub3A_698 : vector<16xf32> to vector<16xi32>
      %sub3A_700 = arith.subi %convert_element_type3A_699, %convert_element_type3A_697 : vector<16xi32>
      %shift_right_arithmetic3A_701 = arith.constant 31 : i32
      %shift_right_arithmetic3A_702 = vector.broadcast %shift_right_arithmetic3A_701 : i32 to vector<16xi32>
      %shift_right_arithmetic3A_703 = arith.shrsi %sub3A_700, %shift_right_arithmetic3A_702 : vector<16xi32>
      %and3A_704 = arith.constant 1 : i32
      %and3A_705 = vector.broadcast %and3A_704 : i32 to vector<16xi32>
      %and3A_706 = arith.andi %shift_right_arithmetic3A_703, %and3A_705 : vector<16xi32>
      %swap3A_707 = arith.constant 192 : index
      %swap3A_708 = tpu.vector_load %arg9[%swap3A_707] {strides = array<i32>} : memref<512xi32, #tpu.memory_space<vmem>>, vector<16xi32>,
      %swap3A_709 = vector.shape_cast %swap3A_708 : vector<16xi32> to vector<16xi32>
      %swap3A_710 = vector.shape_cast %and3A_706 : vector<16xi32> to vector<16xi32>
      tpu.vector_store %arg9[%swap3A_707], %swap3A_710 {strides = array<i32>} : memref<512xi32, #tpu.memory_space<vmem>>, vector<16xi32>,
      %convert_element_type3A_711 = arith.fptosi %scan3A_522#13 : vector<16xf32> to vector<16xi32>
      %sub3A_712 = arith.subf %scan3A_7, %scan3A_522#13 : vector<16xf32>
      %convert_element_type3A_713 = arith.fptosi %sub3A_712 : vector<16xf32> to vector<16xi32>
      %sub3A_714 = arith.subi %convert_element_type3A_713, %convert_element_type3A_711 : vector<16xi32>
      %shift_right_arithmetic3A_715 = arith.constant 31 : i32
      %shift_right_arithmetic3A_716 = vector.broadcast %shift_right_arithmetic3A_715 : i32 to vector<16xi32>
      %shift_right_arithmetic3A_717 = arith.shrsi %sub3A_714, %shift_right_arithmetic3A_716 : vector<16xi32>
      %and3A_718 = arith.constant 1 : i32
      %and3A_719 = vector.broadcast %and3A_718 : i32 to vector<16xi32>
      %and3A_720 = arith.andi %shift_right_arithmetic3A_717, %and3A_719 : vector<16xi32>
      %swap3A_721 = arith.constant 208 : index
      %swap3A_722 = tpu.vector_load %arg9[%swap3A_721] {strides = array<i32>} : memref<512xi32, #tpu.memory_space<vmem>>, vector<16xi32>,
      %swap3A_723 = vector.shape_cast %swap3A_722 : vector<16xi32> to vector<16xi32>
      %swap3A_724 = vector.shape_cast %and3A_720 : vector<16xi32> to vector<16xi32>
      tpu.vector_store %arg9[%swap3A_721], %swap3A_724 {strides = array<i32>} : memref<512xi32, #tpu.memory_space<vmem>>, vector<16xi32>,
      %convert_element_type3A_725 = arith.fptosi %scan3A_522#14 : vector<16xf32> to vector<16xi32>
      %sub3A_726 = arith.subf %scan3A_7, %scan3A_522#14 : vector<16xf32>
      %convert_element_type3A_727 = arith.fptosi %sub3A_726 : vector<16xf32> to vector<16xi32>
      %sub3A_728 = arith.subi %convert_element_type3A_727, %convert_element_type3A_725 : vector<16xi32>
      %shift_right_arithmetic3A_729 = arith.constant 31 : i32
      %shift_right_arithmetic3A_730 = vector.broadcast %shift_right_arithmetic3A_729 : i32 to vector<16xi32>
      %shift_right_arithmetic3A_731 = arith.shrsi %sub3A_728, %shift_right_arithmetic3A_730 : vector<16xi32>
      %and3A_732 = arith.constant 1 : i32
      %and3A_733 = vector.broadcast %and3A_732 : i32 to vector<16xi32>
      %and3A_734 = arith.andi %shift_right_arithmetic3A_731, %and3A_733 : vector<16xi32>
      %swap3A_735 = arith.constant 224 : index
      %swap3A_736 = tpu.vector_load %arg9[%swap3A_735] {strides = array<i32>} : memref<512xi32, #tpu.memory_space<vmem>>, vector<16xi32>,
      %swap3A_737 = vector.shape_cast %swap3A_736 : vector<16xi32> to vector<16xi32>
      %swap3A_738 = vector.shape_cast %and3A_734 : vector<16xi32> to vector<16xi32>
      tpu.vector_store %arg9[%swap3A_735], %swap3A_738 {strides = array<i32>} : memref<512xi32, #tpu.memory_space<vmem>>, vector<16xi32>,
      %convert_element_type3A_739 = arith.fptosi %scan3A_522#15 : vector<16xf32> to vector<16xi32>
      %sub3A_740 = arith.subf %scan3A_7, %scan3A_522#15 : vector<16xf32>
      %convert_element_type3A_741 = arith.fptosi %sub3A_740 : vector<16xf32> to vector<16xi32>
      %sub3A_742 = arith.subi %convert_element_type3A_741, %convert_element_type3A_739 : vector<16xi32>
      %shift_right_arithmetic3A_743 = arith.constant 31 : i32
      %shift_right_arithmetic3A_744 = vector.broadcast %shift_right_arithmetic3A_743 : i32 to vector<16xi32>
      %shift_right_arithmetic3A_745 = arith.shrsi %sub3A_742, %shift_right_arithmetic3A_744 : vector<16xi32>
      %and3A_746 = arith.constant 1 : i32
      %and3A_747 = vector.broadcast %and3A_746 : i32 to vector<16xi32>
      %and3A_748 = arith.andi %shift_right_arithmetic3A_745, %and3A_747 : vector<16xi32>
      %swap3A_749 = arith.constant 240 : index
      %swap3A_750 = tpu.vector_load %arg9[%swap3A_749] {strides = array<i32>} : memref<512xi32, #tpu.memory_space<vmem>>, vector<16xi32>,
      %swap3A_751 = vector.shape_cast %swap3A_750 : vector<16xi32> to vector<16xi32>
      %swap3A_752 = vector.shape_cast %and3A_748 : vector<16xi32> to vector<16xi32>
      tpu.vector_store %arg9[%swap3A_749], %swap3A_752 {strides = array<i32>} : memref<512xi32, #tpu.memory_space<vmem>>, vector<16xi32>,
      %convert_element_type3A_753 = arith.fptosi %scan3A_522#16 : vector<16xf32> to vector<16xi32>
      %sub3A_754 = arith.subf %scan3A_7, %scan3A_522#16 : vector<16xf32>
      %convert_element_type3A_755 = arith.fptosi %sub3A_754 : vector<16xf32> to vector<16xi32>
      %sub3A_756 = arith.subi %convert_element_type3A_755, %convert_element_type3A_753 : vector<16xi32>
      %shift_right_arithmetic3A_757 = arith.constant 31 : i32
      %shift_right_arithmetic3A_758 = vector.broadcast %shift_right_arithmetic3A_757 : i32 to vector<16xi32>
      %shift_right_arithmetic3A_759 = arith.shrsi %sub3A_756, %shift_right_arithmetic3A_758 : vector<16xi32>
      %and3A_760 = arith.constant 1 : i32
      %and3A_761 = vector.broadcast %and3A_760 : i32 to vector<16xi32>
      %and3A_762 = arith.andi %shift_right_arithmetic3A_759, %and3A_761 : vector<16xi32>
      %swap3A_763 = arith.constant 256 : index
      %swap3A_764 = tpu.vector_load %arg9[%swap3A_763] {strides = array<i32>} : memref<512xi32, #tpu.memory_space<vmem>>, vector<16xi32>,
      %swap3A_765 = vector.shape_cast %swap3A_764 : vector<16xi32> to vector<16xi32>
      %swap3A_766 = vector.shape_cast %and3A_762 : vector<16xi32> to vector<16xi32>
      tpu.vector_store %arg9[%swap3A_763], %swap3A_766 {strides = array<i32>} : memref<512xi32, #tpu.memory_space<vmem>>, vector<16xi32>,
      %convert_element_type3A_767 = arith.fptosi %scan3A_522#17 : vector<16xf32> to vector<16xi32>
      %sub3A_768 = arith.subf %scan3A_7, %scan3A_522#17 : vector<16xf32>
      %convert_element_type3A_769 = arith.fptosi %sub3A_768 : vector<16xf32> to vector<16xi32>
      %sub3A_770 = arith.subi %convert_element_type3A_769, %convert_element_type3A_767 : vector<16xi32>
      %shift_right_arithmetic3A_771 = arith.constant 31 : i32
      %shift_right_arithmetic3A_772 = vector.broadcast %shift_right_arithmetic3A_771 : i32 to vector<16xi32>
      %shift_right_arithmetic3A_773 = arith.shrsi %sub3A_770, %shift_right_arithmetic3A_772 : vector<16xi32>
      %and3A_774 = arith.constant 1 : i32
      %and3A_775 = vector.broadcast %and3A_774 : i32 to vector<16xi32>
      %and3A_776 = arith.andi %shift_right_arithmetic3A_773, %and3A_775 : vector<16xi32>
      %swap3A_777 = arith.constant 272 : index
      %swap3A_778 = tpu.vector_load %arg9[%swap3A_777] {strides = array<i32>} : memref<512xi32, #tpu.memory_space<vmem>>, vector<16xi32>,
      %swap3A_779 = vector.shape_cast %swap3A_778 : vector<16xi32> to vector<16xi32>
      %swap3A_780 = vector.shape_cast %and3A_776 : vector<16xi32> to vector<16xi32>
      tpu.vector_store %arg9[%swap3A_777], %swap3A_780 {strides = array<i32>} : memref<512xi32, #tpu.memory_space<vmem>>, vector<16xi32>,
      %convert_element_type3A_781 = arith.fptosi %scan3A_522#18 : vector<16xf32> to vector<16xi32>
      %sub3A_782 = arith.subf %scan3A_7, %scan3A_522#18 : vector<16xf32>
      %convert_element_type3A_783 = arith.fptosi %sub3A_782 : vector<16xf32> to vector<16xi32>
      %sub3A_784 = arith.subi %convert_element_type3A_783, %convert_element_type3A_781 : vector<16xi32>
      %shift_right_arithmetic3A_785 = arith.constant 31 : i32
      %shift_right_arithmetic3A_786 = vector.broadcast %shift_right_arithmetic3A_785 : i32 to vector<16xi32>
      %shift_right_arithmetic3A_787 = arith.shrsi %sub3A_784, %shift_right_arithmetic3A_786 : vector<16xi32>
      %and3A_788 = arith.constant 1 : i32
      %and3A_789 = vector.broadcast %and3A_788 : i32 to vector<16xi32>
      %and3A_790 = arith.andi %shift_right_arithmetic3A_787, %and3A_789 : vector<16xi32>
      %swap3A_791 = arith.constant 288 : index
      %swap3A_792 = tpu.vector_load %arg9[%swap3A_791] {strides = array<i32>} : memref<512xi32, #tpu.memory_space<vmem>>, vector<16xi32>,
      %swap3A_793 = vector.shape_cast %swap3A_792 : vector<16xi32> to vector<16xi32>
      %swap3A_794 = vector.shape_cast %and3A_790 : vector<16xi32> to vector<16xi32>
      tpu.vector_store %arg9[%swap3A_791], %swap3A_794 {strides = array<i32>} : memref<512xi32, #tpu.memory_space<vmem>>, vector<16xi32>,
      %convert_element_type3A_795 = arith.fptosi %scan3A_522#19 : vector<16xf32> to vector<16xi32>
      %sub3A_796 = arith.subf %scan3A_7, %scan3A_522#19 : vector<16xf32>
      %convert_element_type3A_797 = arith.fptosi %sub3A_796 : vector<16xf32> to vector<16xi32>
      %sub3A_798 = arith.subi %convert_element_type3A_797, %convert_element_type3A_795 : vector<16xi32>
      %shift_right_arithmetic3A_799 = arith.constant 31 : i32
      %shift_right_arithmetic3A_800 = vector.broadcast %shift_right_arithmetic3A_799 : i32 to vector<16xi32>
      %shift_right_arithmetic3A_801 = arith.shrsi %sub3A_798, %shift_right_arithmetic3A_800 : vector<16xi32>
      %and3A_802 = arith.constant 1 : i32
      %and3A_803 = vector.broadcast %and3A_802 : i32 to vector<16xi32>
      %and3A_804 = arith.andi %shift_right_arithmetic3A_801, %and3A_803 : vector<16xi32>
      %swap3A_805 = arith.constant 304 : index
      %swap3A_806 = tpu.vector_load %arg9[%swap3A_805] {strides = array<i32>} : memref<512xi32, #tpu.memory_space<vmem>>, vector<16xi32>,
      %swap3A_807 = vector.shape_cast %swap3A_806 : vector<16xi32> to vector<16xi32>
      %swap3A_808 = vector.shape_cast %and3A_804 : vector<16xi32> to vector<16xi32>
      tpu.vector_store %arg9[%swap3A_805], %swap3A_808 {strides = array<i32>} : memref<512xi32, #tpu.memory_space<vmem>>, vector<16xi32>,
      %convert_element_type3A_809 = arith.fptosi %scan3A_522#20 : vector<16xf32> to vector<16xi32>
      %sub3A_810 = arith.subf %scan3A_7, %scan3A_522#20 : vector<16xf32>
      %convert_element_type3A_811 = arith.fptosi %sub3A_810 : vector<16xf32> to vector<16xi32>
      %sub3A_812 = arith.subi %convert_element_type3A_811, %convert_element_type3A_809 : vector<16xi32>
      %shift_right_arithmetic3A_813 = arith.constant 31 : i32
      %shift_right_arithmetic3A_814 = vector.broadcast %shift_right_arithmetic3A_813 : i32 to vector<16xi32>
      %shift_right_arithmetic3A_815 = arith.shrsi %sub3A_812, %shift_right_arithmetic3A_814 : vector<16xi32>
      %and3A_816 = arith.constant 1 : i32
      %and3A_817 = vector.broadcast %and3A_816 : i32 to vector<16xi32>
      %and3A_818 = arith.andi %shift_right_arithmetic3A_815, %and3A_817 : vector<16xi32>
      %swap3A_819 = arith.constant 320 : index
      %swap3A_820 = tpu.vector_load %arg9[%swap3A_819] {strides = array<i32>} : memref<512xi32, #tpu.memory_space<vmem>>, vector<16xi32>,
      %swap3A_821 = vector.shape_cast %swap3A_820 : vector<16xi32> to vector<16xi32>
      %swap3A_822 = vector.shape_cast %and3A_818 : vector<16xi32> to vector<16xi32>
      tpu.vector_store %arg9[%swap3A_819], %swap3A_822 {strides = array<i32>} : memref<512xi32, #tpu.memory_space<vmem>>, vector<16xi32>,
      %convert_element_type3A_823 = arith.fptosi %scan3A_522#21 : vector<16xf32> to vector<16xi32>
      %sub3A_824 = arith.subf %scan3A_7, %scan3A_522#21 : vector<16xf32>
      %convert_element_type3A_825 = arith.fptosi %sub3A_824 : vector<16xf32> to vector<16xi32>
      %sub3A_826 = arith.subi %convert_element_type3A_825, %convert_element_type3A_823 : vector<16xi32>
      %shift_right_arithmetic3A_827 = arith.constant 31 : i32
      %shift_right_arithmetic3A_828 = vector.broadcast %shift_right_arithmetic3A_827 : i32 to vector<16xi32>
      %shift_right_arithmetic3A_829 = arith.shrsi %sub3A_826, %shift_right_arithmetic3A_828 : vector<16xi32>
      %and3A_830 = arith.constant 1 : i32
      %and3A_831 = vector.broadcast %and3A_830 : i32 to vector<16xi32>
      %and3A_832 = arith.andi %shift_right_arithmetic3A_829, %and3A_831 : vector<16xi32>
      %swap3A_833 = arith.constant 336 : index
      %swap3A_834 = tpu.vector_load %arg9[%swap3A_833] {strides = array<i32>} : memref<512xi32, #tpu.memory_space<vmem>>, vector<16xi32>,
      %swap3A_835 = vector.shape_cast %swap3A_834 : vector<16xi32> to vector<16xi32>
      %swap3A_836 = vector.shape_cast %and3A_832 : vector<16xi32> to vector<16xi32>
      tpu.vector_store %arg9[%swap3A_833], %swap3A_836 {strides = array<i32>} : memref<512xi32, #tpu.memory_space<vmem>>, vector<16xi32>,
      %convert_element_type3A_837 = arith.fptosi %scan3A_522#22 : vector<16xf32> to vector<16xi32>
      %sub3A_838 = arith.subf %scan3A_7, %scan3A_522#22 : vector<16xf32>
      %convert_element_type3A_839 = arith.fptosi %sub3A_838 : vector<16xf32> to vector<16xi32>
      %sub3A_840 = arith.subi %convert_element_type3A_839, %convert_element_type3A_837 : vector<16xi32>
      %shift_right_arithmetic3A_841 = arith.constant 31 : i32
      %shift_right_arithmetic3A_842 = vector.broadcast %shift_right_arithmetic3A_841 : i32 to vector<16xi32>
      %shift_right_arithmetic3A_843 = arith.shrsi %sub3A_840, %shift_right_arithmetic3A_842 : vector<16xi32>
      %and3A_844 = arith.constant 1 : i32
      %and3A_845 = vector.broadcast %and3A_844 : i32 to vector<16xi32>
      %and3A_846 = arith.andi %shift_right_arithmetic3A_843, %and3A_845 : vector<16xi32>
      %swap3A_847 = arith.constant 352 : index
      %swap3A_848 = tpu.vector_load %arg9[%swap3A_847] {strides = array<i32>} : memref<512xi32, #tpu.memory_space<vmem>>, vector<16xi32>,
      %swap3A_849 = vector.shape_cast %swap3A_848 : vector<16xi32> to vector<16xi32>
      %swap3A_850 = vector.shape_cast %and3A_846 : vector<16xi32> to vector<16xi32>
      tpu.vector_store %arg9[%swap3A_847], %swap3A_850 {strides = array<i32>} : memref<512xi32, #tpu.memory_space<vmem>>, vector<16xi32>,
      %convert_element_type3A_851 = arith.fptosi %scan3A_522#23 : vector<16xf32> to vector<16xi32>
      %sub3A_852 = arith.subf %scan3A_7, %scan3A_522#23 : vector<16xf32>
      %convert_element_type3A_853 = arith.fptosi %sub3A_852 : vector<16xf32> to vector<16xi32>
      %sub3A_854 = arith.subi %convert_element_type3A_853, %convert_element_type3A_851 : vector<16xi32>
      %shift_right_arithmetic3A_855 = arith.constant 31 : i32
      %shift_right_arithmetic3A_856 = vector.broadcast %shift_right_arithmetic3A_855 : i32 to vector<16xi32>
      %shift_right_arithmetic3A_857 = arith.shrsi %sub3A_854, %shift_right_arithmetic3A_856 : vector<16xi32>
      %and3A_858 = arith.constant 1 : i32
      %and3A_859 = vector.broadcast %and3A_858 : i32 to vector<16xi32>
      %and3A_860 = arith.andi %shift_right_arithmetic3A_857, %and3A_859 : vector<16xi32>
      %swap3A_861 = arith.constant 368 : index
      %swap3A_862 = tpu.vector_load %arg9[%swap3A_861] {strides = array<i32>} : memref<512xi32, #tpu.memory_space<vmem>>, vector<16xi32>,
      %swap3A_863 = vector.shape_cast %swap3A_862 : vector<16xi32> to vector<16xi32>
      %swap3A_864 = vector.shape_cast %and3A_860 : vector<16xi32> to vector<16xi32>
      tpu.vector_store %arg9[%swap3A_861], %swap3A_864 {strides = array<i32>} : memref<512xi32, #tpu.memory_space<vmem>>, vector<16xi32>,
      %convert_element_type3A_865 = arith.fptosi %scan3A_522#24 : vector<16xf32> to vector<16xi32>
      %sub3A_866 = arith.subf %scan3A_7, %scan3A_522#24 : vector<16xf32>
      %convert_element_type3A_867 = arith.fptosi %sub3A_866 : vector<16xf32> to vector<16xi32>
      %sub3A_868 = arith.subi %convert_element_type3A_867, %convert_element_type3A_865 : vector<16xi32>
      %shift_right_arithmetic3A_869 = arith.constant 31 : i32
      %shift_right_arithmetic3A_870 = vector.broadcast %shift_right_arithmetic3A_869 : i32 to vector<16xi32>
      %shift_right_arithmetic3A_871 = arith.shrsi %sub3A_868, %shift_right_arithmetic3A_870 : vector<16xi32>
      %and3A_872 = arith.constant 1 : i32
      %and3A_873 = vector.broadcast %and3A_872 : i32 to vector<16xi32>
      %and3A_874 = arith.andi %shift_right_arithmetic3A_871, %and3A_873 : vector<16xi32>
      %swap3A_875 = arith.constant 384 : index
      %swap3A_876 = tpu.vector_load %arg9[%swap3A_875] {strides = array<i32>} : memref<512xi32, #tpu.memory_space<vmem>>, vector<16xi32>,
      %swap3A_877 = vector.shape_cast %swap3A_876 : vector<16xi32> to vector<16xi32>
      %swap3A_878 = vector.shape_cast %and3A_874 : vector<16xi32> to vector<16xi32>
      tpu.vector_store %arg9[%swap3A_875], %swap3A_878 {strides = array<i32>} : memref<512xi32, #tpu.memory_space<vmem>>, vector<16xi32>,
      %convert_element_type3A_879 = arith.fptosi %scan3A_522#25 : vector<16xf32> to vector<16xi32>
      %sub3A_880 = arith.subf %scan3A_7, %scan3A_522#25 : vector<16xf32>
      %convert_element_type3A_881 = arith.fptosi %sub3A_880 : vector<16xf32> to vector<16xi32>
      %sub3A_882 = arith.subi %convert_element_type3A_881, %convert_element_type3A_879 : vector<16xi32>
      %shift_right_arithmetic3A_883 = arith.constant 31 : i32
      %shift_right_arithmetic3A_884 = vector.broadcast %shift_right_arithmetic3A_883 : i32 to vector<16xi32>
      %shift_right_arithmetic3A_885 = arith.shrsi %sub3A_882, %shift_right_arithmetic3A_884 : vector<16xi32>
      %and3A_886 = arith.constant 1 : i32
      %and3A_887 = vector.broadcast %and3A_886 : i32 to vector<16xi32>
      %and3A_888 = arith.andi %shift_right_arithmetic3A_885, %and3A_887 : vector<16xi32>
      %swap3A_889 = arith.constant 400 : index
      %swap3A_890 = tpu.vector_load %arg9[%swap3A_889] {strides = array<i32>} : memref<512xi32, #tpu.memory_space<vmem>>, vector<16xi32>,
      %swap3A_891 = vector.shape_cast %swap3A_890 : vector<16xi32> to vector<16xi32>
      %swap3A_892 = vector.shape_cast %and3A_888 : vector<16xi32> to vector<16xi32>
      tpu.vector_store %arg9[%swap3A_889], %swap3A_892 {strides = array<i32>} : memref<512xi32, #tpu.memory_space<vmem>>, vector<16xi32>,
      %convert_element_type3A_893 = arith.fptosi %scan3A_522#26 : vector<16xf32> to vector<16xi32>
      %sub3A_894 = arith.subf %scan3A_7, %scan3A_522#26 : vector<16xf32>
      %convert_element_type3A_895 = arith.fptosi %sub3A_894 : vector<16xf32> to vector<16xi32>
      %sub3A_896 = arith.subi %convert_element_type3A_895, %convert_element_type3A_893 : vector<16xi32>
      %shift_right_arithmetic3A_897 = arith.constant 31 : i32
      %shift_right_arithmetic3A_898 = vector.broadcast %shift_right_arithmetic3A_897 : i32 to vector<16xi32>
      %shift_right_arithmetic3A_899 = arith.shrsi %sub3A_896, %shift_right_arithmetic3A_898 : vector<16xi32>
      %and3A_900 = arith.constant 1 : i32
      %and3A_901 = vector.broadcast %and3A_900 : i32 to vector<16xi32>
      %and3A_902 = arith.andi %shift_right_arithmetic3A_899, %and3A_901 : vector<16xi32>
      %swap3A_903 = arith.constant 416 : index
      %swap3A_904 = tpu.vector_load %arg9[%swap3A_903] {strides = array<i32>} : memref<512xi32, #tpu.memory_space<vmem>>, vector<16xi32>,
      %swap3A_905 = vector.shape_cast %swap3A_904 : vector<16xi32> to vector<16xi32>
      %swap3A_906 = vector.shape_cast %and3A_902 : vector<16xi32> to vector<16xi32>
      tpu.vector_store %arg9[%swap3A_903], %swap3A_906 {strides = array<i32>} : memref<512xi32, #tpu.memory_space<vmem>>, vector<16xi32>,
      %convert_element_type3A_907 = arith.fptosi %scan3A_522#27 : vector<16xf32> to vector<16xi32>
      %sub3A_908 = arith.subf %scan3A_7, %scan3A_522#27 : vector<16xf32>
      %convert_element_type3A_909 = arith.fptosi %sub3A_908 : vector<16xf32> to vector<16xi32>
      %sub3A_910 = arith.subi %convert_element_type3A_909, %convert_element_type3A_907 : vector<16xi32>
      %shift_right_arithmetic3A_911 = arith.constant 31 : i32
      %shift_right_arithmetic3A_912 = vector.broadcast %shift_right_arithmetic3A_911 : i32 to vector<16xi32>
      %shift_right_arithmetic3A_913 = arith.shrsi %sub3A_910, %shift_right_arithmetic3A_912 : vector<16xi32>
      %and3A_914 = arith.constant 1 : i32
      %and3A_915 = vector.broadcast %and3A_914 : i32 to vector<16xi32>
      %and3A_916 = arith.andi %shift_right_arithmetic3A_913, %and3A_915 : vector<16xi32>
      %swap3A_917 = arith.constant 432 : index
      %swap3A_918 = tpu.vector_load %arg9[%swap3A_917] {strides = array<i32>} : memref<512xi32, #tpu.memory_space<vmem>>, vector<16xi32>,
      %swap3A_919 = vector.shape_cast %swap3A_918 : vector<16xi32> to vector<16xi32>
      %swap3A_920 = vector.shape_cast %and3A_916 : vector<16xi32> to vector<16xi32>
      tpu.vector_store %arg9[%swap3A_917], %swap3A_920 {strides = array<i32>} : memref<512xi32, #tpu.memory_space<vmem>>, vector<16xi32>,
      %convert_element_type3A_921 = arith.fptosi %scan3A_522#28 : vector<16xf32> to vector<16xi32>
      %sub3A_922 = arith.subf %scan3A_7, %scan3A_522#28 : vector<16xf32>
      %convert_element_type3A_923 = arith.fptosi %sub3A_922 : vector<16xf32> to vector<16xi32>
      %sub3A_924 = arith.subi %convert_element_type3A_923, %convert_element_type3A_921 : vector<16xi32>
      %shift_right_arithmetic3A_925 = arith.constant 31 : i32
      %shift_right_arithmetic3A_926 = vector.broadcast %shift_right_arithmetic3A_925 : i32 to vector<16xi32>
      %shift_right_arithmetic3A_927 = arith.shrsi %sub3A_924, %shift_right_arithmetic3A_926 : vector<16xi32>
      %and3A_928 = arith.constant 1 : i32
      %and3A_929 = vector.broadcast %and3A_928 : i32 to vector<16xi32>
      %and3A_930 = arith.andi %shift_right_arithmetic3A_927, %and3A_929 : vector<16xi32>
      %swap3A_931 = arith.constant 448 : index
      %swap3A_932 = tpu.vector_load %arg9[%swap3A_931] {strides = array<i32>} : memref<512xi32, #tpu.memory_space<vmem>>, vector<16xi32>,
      %swap3A_933 = vector.shape_cast %swap3A_932 : vector<16xi32> to vector<16xi32>
      %swap3A_934 = vector.shape_cast %and3A_930 : vector<16xi32> to vector<16xi32>
      tpu.vector_store %arg9[%swap3A_931], %swap3A_934 {strides = array<i32>} : memref<512xi32, #tpu.memory_space<vmem>>, vector<16xi32>,
      %convert_element_type3A_935 = arith.fptosi %scan3A_522#29 : vector<16xf32> to vector<16xi32>
      %sub3A_936 = arith.subf %scan3A_7, %scan3A_522#29 : vector<16xf32>
      %convert_element_type3A_937 = arith.fptosi %sub3A_936 : vector<16xf32> to vector<16xi32>
      %sub3A_938 = arith.subi %convert_element_type3A_937, %convert_element_type3A_935 : vector<16xi32>
      %shift_right_arithmetic3A_939 = arith.constant 31 : i32
      %shift_right_arithmetic3A_940 = vector.broadcast %shift_right_arithmetic3A_939 : i32 to vector<16xi32>
      %shift_right_arithmetic3A_941 = arith.shrsi %sub3A_938, %shift_right_arithmetic3A_940 : vector<16xi32>
      %and3A_942 = arith.constant 1 : i32
      %and3A_943 = vector.broadcast %and3A_942 : i32 to vector<16xi32>
      %and3A_944 = arith.andi %shift_right_arithmetic3A_941, %and3A_943 : vector<16xi32>
      %swap3A_945 = arith.constant 464 : index
      %swap3A_946 = tpu.vector_load %arg9[%swap3A_945] {strides = array<i32>} : memref<512xi32, #tpu.memory_space<vmem>>, vector<16xi32>,
      %swap3A_947 = vector.shape_cast %swap3A_946 : vector<16xi32> to vector<16xi32>
      %swap3A_948 = vector.shape_cast %and3A_944 : vector<16xi32> to vector<16xi32>
      tpu.vector_store %arg9[%swap3A_945], %swap3A_948 {strides = array<i32>} : memref<512xi32, #tpu.memory_space<vmem>>, vector<16xi32>,
      %convert_element_type3A_949 = arith.fptosi %scan3A_522#30 : vector<16xf32> to vector<16xi32>
      %sub3A_950 = arith.subf %scan3A_7, %scan3A_522#30 : vector<16xf32>
      %convert_element_type3A_951 = arith.fptosi %sub3A_950 : vector<16xf32> to vector<16xi32>
      %sub3A_952 = arith.subi %convert_element_type3A_951, %convert_element_type3A_949 : vector<16xi32>
      %shift_right_arithmetic3A_953 = arith.constant 31 : i32
      %shift_right_arithmetic3A_954 = vector.broadcast %shift_right_arithmetic3A_953 : i32 to vector<16xi32>
      %shift_right_arithmetic3A_955 = arith.shrsi %sub3A_952, %shift_right_arithmetic3A_954 : vector<16xi32>
      %and3A_956 = arith.constant 1 : i32
      %and3A_957 = vector.broadcast %and3A_956 : i32 to vector<16xi32>
      %and3A_958 = arith.andi %shift_right_arithmetic3A_955, %and3A_957 : vector<16xi32>
      %swap3A_959 = arith.constant 480 : index
      %swap3A_960 = tpu.vector_load %arg9[%swap3A_959] {strides = array<i32>} : memref<512xi32, #tpu.memory_space<vmem>>, vector<16xi32>,
      %swap3A_961 = vector.shape_cast %swap3A_960 : vector<16xi32> to vector<16xi32>
      %swap3A_962 = vector.shape_cast %and3A_958 : vector<16xi32> to vector<16xi32>
      tpu.vector_store %arg9[%swap3A_959], %swap3A_962 {strides = array<i32>} : memref<512xi32, #tpu.memory_space<vmem>>, vector<16xi32>,
      %convert_element_type3A_963 = arith.fptosi %scan3A_522#31 : vector<16xf32> to vector<16xi32>
      %sub3A_964 = arith.subf %scan3A_7, %scan3A_522#31 : vector<16xf32>
      %convert_element_type3A_965 = arith.fptosi %sub3A_964 : vector<16xf32> to vector<16xi32>
      %sub3A_966 = arith.subi %convert_element_type3A_965, %convert_element_type3A_963 : vector<16xi32>
      %shift_right_arithmetic3A_967 = arith.constant 31 : i32
      %shift_right_arithmetic3A_968 = vector.broadcast %shift_right_arithmetic3A_967 : i32 to vector<16xi32>
      %shift_right_arithmetic3A_969 = arith.shrsi %sub3A_966, %shift_right_arithmetic3A_968 : vector<16xi32>
      %and3A_970 = arith.constant 1 : i32
      %and3A_971 = vector.broadcast %and3A_970 : i32 to vector<16xi32>
      %and3A_972 = arith.andi %shift_right_arithmetic3A_969, %and3A_971 : vector<16xi32>
      %swap3A_973 = arith.constant 496 : index
      %swap3A_974 = tpu.vector_load %arg9[%swap3A_973] {strides = array<i32>} : memref<512xi32, #tpu.memory_space<vmem>>, vector<16xi32>,
      %swap3A_975 = vector.shape_cast %swap3A_974 : vector<16xi32> to vector<16xi32>
      %swap3A_976 = vector.shape_cast %and3A_972 : vector<16xi32> to vector<16xi32>
      tpu.vector_store %arg9[%swap3A_973], %swap3A_976 {strides = array<i32>} : memref<512xi32, #tpu.memory_space<vmem>>, vector<16xi32>,
      %mul3A_977 = arith.constant 512 : i32
      %mul3A_978 = arith.muli %add3A_504, %mul3A_977 : i32
      %add3A_979 = arith.addi %mul3A_2, %mul3A_978 : i32
      %dma_start3A_980 = tpu.memref_slice %arg4[%add3A_979] : memref<622592xi32, #tpu.memory_space<hbm>> -> memref<512xi32, #tpu.memory_space<hbm>>
      %dma_start3A_981 = tpu.memref_slice %arg4[%add3A_979] : memref<622592xi32, #tpu.memory_space<hbm>> -> memref<512xi32, #tpu.memory_space<hbm>>
      tpu.enqueue_dma source(%arg9 : memref<512xi32, #tpu.memory_space<vmem>>) target(%dma_start3A_981 : memref<512xi32, #tpu.memory_space<hbm>>) target_semaphore(%arg13 : memref<!tpu.dma_semaphore, #tpu.memory_space<semaphore_mem>>)
    }
    %scan3A_19 = arith.constant 19 : i32
    %add3A_20 = arith.constant 18432 : i32
    %add3A_21 = arith.addi %mul3A_2, %add3A_20 : i32
    %dma_wait3A = tpu.memref_slice %arg4[%add3A_21] : memref<622592xi32, #tpu.memory_space<hbm>> -> memref<512xi32, #tpu.memory_space<hbm>>
    %dma_wait3A_22 = tpu.memref_slice %arg4[%add3A_21] : memref<622592xi32, #tpu.memory_space<hbm>> -> memref<512xi32, #tpu.memory_space<hbm>>
    tpu.wait_dma2 semaphore(%arg12 : memref<!tpu.dma_semaphore, #tpu.memory_space<semaphore_mem>>) src(%arg8 : memref<512xi32, #tpu.memory_space<vmem>>) dst(%dma_wait3A_22 : memref<512xi32, #tpu.memory_space<hbm>>)
    %add3A_23 = arith.constant 18944 : i32
    %add3A_24 = arith.addi %mul3A_2, %add3A_23 : i32
    %dma_wait3A_25 = tpu.memref_slice %arg4[%add3A_24] : memref<622592xi32, #tpu.memory_space<hbm>> -> memref<512xi32, #tpu.memory_space<hbm>>
    %dma_wait3A_26 = tpu.memref_slice %arg4[%add3A_24] : memref<622592xi32, #tpu.memory_space<hbm>> -> memref<512xi32, #tpu.memory_space<hbm>>
    tpu.wait_dma2 semaphore(%arg13 : memref<!tpu.dma_semaphore, #tpu.memory_space<semaphore_mem>>) src(%arg9 : memref<512xi32, #tpu.memory_space<vmem>>) dst(%dma_wait3A_26 : memref<512xi32, #tpu.memory_space<hbm>>)
    return
  }
}

module attributes {stable_mosaic.version = 14 : i64} {
  func.func @_vote_tc_body(%arg0: i32, %arg1: memref<64x1xf32, #tpu.memory_space<vmem>>, %arg2: memref<64x8192xi32, #tpu.memory_space<vmem>>, %arg3: memref<8192xi32, #tpu.memory_space<vmem>>) attributes {dimension_semantics = [#tpu.dimension_semantics<arbitrary>], iteration_bounds = array<i64: 52>, scalar_prefetch = 0 : i64, scratch_operands = 0 : i64, tpu.core_type = #tpu.core_type<tc>, window_params = [{pipeline_mode = #tpu.pipeline_mode<synchronous>, transform_indices = @transform_0, window_bounds = array<i64: 64, 1>}, {transform_indices = @transform_1, window_bounds = array<i64: 64, 8192>}, {transform_indices = @transform_2, window_bounds = array<i64: 8192>}]} {
    %get3A = arith.constant 0 : index
    %get3A_0 = arith.constant 0 : index
    %get3A_1 = vector.load %arg2[%get3A, %get3A_0] : memref<64x8192xi32, #tpu.memory_space<vmem>>, vector<64x8192xi32>
    %convert_element_type3A = arith.sitofp %get3A_1 : vector<64x8192xi32> to vector<64x8192xf32>
    %get3A_2 = arith.constant 0 : index
    %get3A_3 = arith.constant 0 : index
    %get3A_4 = vector.load %arg1[%get3A_2, %get3A_3] : memref<64x1xf32, #tpu.memory_space<vmem>>, vector<64x1xf32>
    %mul3A = vector.broadcast %get3A_4 : vector<64x1xf32> to vector<64x8192xf32>
    %mul3A_5 = arith.mulf %convert_element_type3A, %mul3A : vector<64x8192xf32>
    %reduce_sum3A = arith.constant dense<0.000000e+00> : vector<8192xf32>
    %reduce_sum3A_6 = vector.multi_reduction <add>, %mul3A_5, %reduce_sum3A [0] : vector<64x8192xf32> to vector<8192xf32>
    %reduce_sum3A_7 = vector.shape_cast %get3A_4 : vector<64x1xf32> to vector<1x64x1xf32>
    %reduce_sum3A_8 = arith.constant dense<0.000000e+00> : vector<1xf32>
    %reduce_sum3A_9 = vector.multi_reduction <add>, %reduce_sum3A_7, %reduce_sum3A_8 [1, 2] : vector<1x64x1xf32> to vector<1xf32>
    %reduce_sum3A_10 = vector.shape_cast %reduce_sum3A_9 : vector<1xf32> to vector<1x1x1xf32>
    %reduce_sum3A_11 = vector.extract %reduce_sum3A_10[0, 0, 0] : f32 from vector<1x1x1xf32>
    %convert_element_type3A_12 = arith.fptosi %reduce_sum3A_6 : vector<8192xf32> to vector<8192xi32>
    %sub3A = vector.broadcast %reduce_sum3A_11 : f32 to vector<8192xf32>
    %sub3A_13 = arith.subf %sub3A, %reduce_sum3A_6 : vector<8192xf32>
    %convert_element_type3A_14 = arith.fptosi %sub3A_13 : vector<8192xf32> to vector<8192xi32>
    %gt3A = arith.cmpi sgt, %convert_element_type3A_12, %convert_element_type3A_14 : vector<8192xi32>
    %convert_element_type3A_15 = arith.extui %gt3A : vector<8192xi1> to vector<8192xi32>
    %swap3A = arith.constant 0 : index
    %swap3A_16 = vector.load %arg3[%swap3A] : memref<8192xi32, #tpu.memory_space<vmem>>, vector<8192xi32>
    tpu.vector_store %arg3[%swap3A], %convert_element_type3A_15 {strides = array<i32>} : memref<8192xi32, #tpu.memory_space<vmem>>, vector<8192xi32>,
    return
  }
  func.func @transform_0(%arg0: i32) -> (i32, i32) {
    %c0_i32 = arith.constant 0 : i32
    %c0_i32_0 = arith.constant 0 : i32
    %c0_i32_1 = arith.constant 0 : i32
    return %c0_i32, %c0_i32_0 : i32, i32
  }
  func.func @transform_1(%arg0: i32) -> (i32, i32) {
    %add3A = arith.constant 76 : i32
    %add3A_0 = arith.addi %arg0, %add3A : i32
    %c0_i32 = arith.constant 0 : i32
    %c0_i32_1 = arith.constant 0 : i32
    return %c0_i32, %add3A_0 : i32, i32
  }
  func.func @transform_2(%arg0: i32) -> i32 {
    %c0_i32 = arith.constant 0 : i32
    return %arg0 : i32
  }
}

</mosaic_0001>

<sc_bundles>
// kernel: kernel.4.cloned.1.call-start
scs
__scs_entry_jumppad:
0x0: {  	(pc) =	sbr.rel $0x88, $3  }
0x1: {  	(tag) =	ssettag $0x0;
	lr =	simm.s32 $0x1  }
0x2: {  	[smem:$0x3F9F] =	sst lr;
	_ =	strace $0xD0000000  }
0x3: {  	_ = 	snop  }
0x4: {  	_ = 	snop  }
0x5: {  	_ = 	snop  }
0x6: {  	_ = 	snop  }
0x7: {  	_ = 	snop  }
__scs_overlays_trampoline_lowered:
0x8: {  	[smem:$0x3FAE] =	sst s0  }
0x9: {  	[smem:$0x3FAF] =	sst s1  }
0xa: {  	[smem:$0x3FB0] =	sst s2  }
0xb: {  	[smem:$0x3FB1] =	sst s3  }
0xc: {  	[smem:$0x3FB2] =	sst s4  }
0xd: {  	[smem:$0x3FB3] =	sst s5  }
0xe: {  	[smem:$0x3FB4] =	sst s6  }
0xf: {  	[smem:$0x3FB5] =	sst s7  }
0x10: {  	[smem:$0x3FB6] =	sst s8  }
0x11: {  	[smem:$0x3FB7] =	sst s9;
	s0 =	simm.s32 @!p0 $0x0  }
0x12: {  	s1 =	sld [smem:$0x3F9D];
	s0 =	simm.s32 @p0 $0x1  }
0x13: {  	[smem:$0x3FB8] =	sst s0;
	s0 =	simm.s32 @!p1 $0x0  }
0x14: {  	s2 =	sld [smem:$0x3F9C];
	s0 =	simm.s32 @p1 $0x1  }
0x15: {  	[smem:$0x3FB9] =	sst s0;
	s0 =	simm.s32 @!p2 $0x0  }
0x16: {  	s3 =	sld [smem:$0x3FDB];
	s0 =	simm.s32 @p2 $0x1  }
0x17: {  	s4 =	simm.s32 $0x1BF5;
	[smem:$0x3FBB] =	sst s0  }
0x18: {  	s0 =	sld [smem:$0x3F9E];
	_ =	swait.ge [sflag:s4], $0x0  }
0x19: {  	s7 =	sld [smem:$0x3F9F]  }
0x1a: {  	s8 =	sadd.s32 $0xFFFFE003, lr  }
0x1b: {  	s9 =	sadd.s32 $0xFFFFFEF7, lr;
	s5 =	simm.s32 $0xFFFFFFFF;
	p2 =	slt.u32 s8, $0xFFFFF086  }
0x1c: {  	p1 =	slt.u32 s9, $0xF7A;
	s5 =	simm.s32 @!p2 $0x0  }
0x1d: {  	s5 =	simm.s32 @p1 $0x1;
	p0 =	seq.s32 s7, s2  }
0x1e: {  	s7 =	smul.u32 @!p0 $0xF7A, s2;
	p2 =	seq.s32 @!p0 s5, $0x0  }
0x1f: {  	s9 =	smul.u32 $0xF7A, s1;
	s8 =	simm.s32 @!p0 $0x1BF5;
	p2 =	por !p2, p0  }
0x20: {  	[sflag:s8] =	ssyncset.s32 @!p0 $0xFFFFF086;
	s6 =	sadd.s32 @!p0 s3, s7;
	s7 =	simm.s32 @!p0 $0x108  }
0x21: {  	s3 =	sadd.s32 s3, s9;
	s6 =	sadd.s32 @!p0 $0x88, s6;
	s7 =	simm.s32 @p2 $0x1082  }
0x22: {  	[simem:s7], [sflag:s8] =	dma.local @!p0 [hbm:s6], $0xF7A  }
0x23: {  	s9 =	sor.u32 $0xD0000000, s2;
	s6 =	simm.s32 $0x108;
	_ =	swait.ge @!p0 [sflag:s8], $0x0  }
0x24: {  	s3 =	sadd.s32 $0x88, s3;
	s6 =	simm.s32 @!p1 $0x1082;
	[sflag:s4] =	ssyncset.s32 $0xFFFFF086  }
0x25: {  	[simem:s6], [sflag:s4] =	dma.local [hbm:s3], $0xF7A  }
0x26: {  	[smem:$0x3F9F] =	sst s1;
	(tag) =	ssettag s2;
	_ =	strace s9  }
0x27: {  	s1 =	sld [smem:$0x3FAF]  }
0x28: {  	s2 =	sld [smem:$0x3FB0]  }
0x29: {  	s4 =	sld [smem:$0x3FB2]  }
0x2a: {  	p0 =	seq.s32 s5, $0x0;
	s5 =	sld [smem:$0x3FB3]  }
0x2b: {  	s6 =	sld [smem:$0x3FB4]  }
0x2c: {  	s7 =	sld [smem:$0x3FB5]  }
0x2d: {  	s3 =	simm.s32 $0x108;
	s8 =	sld [smem:$0x3FB6]  }
0x2e: {  	s3 =	simm.s32 @!p0 $0x1082;
	s9 =	sld [smem:$0x3FB7]  }
0x2f: {  	lr =	sadd.s32 s0, s3;
	s0 =	sld [smem:$0x3FAE]  }
0x30: {  	s3 =	sld [smem:$0x3FB1]  }
0x31: {  	[smem:$0x3FBA] =	sst s10  }
0x32: {  	s10 =	sld [smem:$0x3FB8];
	_ =	sdelay $0x3  }
0x33: {  	p0 =	seq.s32 s10, $0x1;
	s10 =	sld [smem:$0x3FBA];
	_ =	sdelay $0x3  }
0x34: {  	[smem:$0x3FBA] =	sst s10  }
0x35: {  	s10 =	sld [smem:$0x3FB9];
	_ =	sdelay $0x3  }
0x36: {  	p1 =	seq.s32 s10, $0x1;
	s10 =	sld [smem:$0x3FBA];
	_ =	sdelay $0x3  }
0x37: {  	[smem:$0x3FBA] =	sst s10  }
0x38: {  	s10 =	sld [smem:$0x3FBB]  }
0x39: {  	_ = 	snop;
	(pc) =	sbr.ind lr, $3  }
0x3a: {  	_ = 	snop  }
0x3b: {  	_ = 	snop  }
0x3c: {  	p2 =	seq.s32 s10, $0x1;
	s10 =	sld [smem:$0x3FBA]  }
0x3d: {  	_ =	shalt  }
0x3e: {  	_ =	shalt  }
0x3f: {  	_ =	shalt  }
0x40: {  	_ =	shalt  }
0x41: {  	_ =	shalt  }
0x42: {  	_ =	shalt  }
0x43: {  	_ =	shalt  }
0x44: {  	_ =	shalt  }
0x45: {  	_ =	shalt  }
0x46: {  	_ =	shalt  }
0x47: {  	_ =	shalt  }
0x48: {  	_ =	shalt  }
0x49: {  	_ =	shalt  }
0x4a: {  	_ =	shalt  }
0x4b: {  	_ =	shalt  }
0x4c: {  	_ =	shalt  }
0x4d: {  	_ =	shalt  }
0x4e: {  	_ =	shalt  }
0x4f: {  	_ =	shalt  }
0x50: {  	_ =	shalt  }
0x51: {  	_ =	shalt  }
0x52: {  	_ =	shalt  }
0x53: {  	_ =	shalt  }
0x54: {  	_ =	shalt  }
0x55: {  	_ =	shalt  }
0x56: {  	_ =	shalt  }
0x57: {  	_ =	shalt  }
0x58: {  	_ =	shalt  }
0x59: {  	_ =	shalt  }
0x5a: {  	_ =	shalt  }
0x5b: {  	_ =	shalt  }
0x5c: {  	_ =	shalt  }
0x5d: {  	_ =	shalt  }
0x5e: {  	_ =	shalt  }
0x5f: {  	_ =	shalt  }
0x60: {  	_ =	shalt  }
0x61: {  	_ =	shalt  }
0x62: {  	_ =	shalt  }
0x63: {  	_ =	shalt  }
0x64: {  	_ =	shalt  }
0x65: {  	_ =	shalt  }
0x66: {  	_ =	shalt  }
0x67: {  	_ =	shalt  }
0x68: {  	_ =	shalt  }
0x69: {  	_ =	shalt  }
0x6a: {  	_ =	shalt  }
0x6b: {  	_ =	shalt  }
0x6c: {  	_ =	shalt  }
0x6d: {  	_ =	shalt  }
0x6e: {  	_ =	shalt  }
0x6f: {  	_ =	shalt  }
0x70: {  	_ =	shalt  }
0x71: {  	_ =	shalt  }
0x72: {  	_ =	shalt  }
0x73: {  	_ =	shalt  }
0x74: {  	_ =	shalt  }
0x75: {  	_ =	shalt  }
0x76: {  	_ =	shalt  }
0x77: {  	_ =	shalt  }
0x78: {  	_ =	shalt  }
0x79: {  	_ =	shalt  }
0x7a: {  	_ =	shalt  }
0x7b: {  	_ =	shalt  }
0x7c: {  	_ =	shalt  }
0x7d: {  	_ =	shalt  }
0x7e: {  	_ =	shalt  }
0x7f: {  	_ =	shalt  }
0x80: {  	_ =	shalt  }
0x81: {  	_ =	shalt  }
0x82: {  	_ =	shalt  }
0x83: {  	_ =	shalt  }
0x84: {  	_ =	shalt  }
0x85: {  	_ =	shalt  }
0x86: {  	_ =	shalt  }
0x87: {  	_ =	shalt  }
.Lfunc_end0:
.L_simem_size_0:
called_computation_lowered:
.L_overlay_start_0:
0x88: {  	s2 =	sld [smem:$0x3FD9]  }
0x89: {  	s3 =	sld [smem:$0x3FFE];
	_ =	sdelay $0x1  }
0x8a: {  	s1 =	srdreg.scid  }
0x8b: {  	s0 =	sand.u32 $0x1, s1  }
0x8c: {  	s17 =	sshll.u32 s0, $0xA;
	s2 =	sadd.s32 s3, s2  }
0x8d: {  	s2 =	sadd.s32 s2, s17  }
0x8e: {  	[smem:$0x3FC6] =	sst s2  }
0x8f: {  	_ = 	snop  }
0x90: {  	s2 =	sld [smem:$0x3FC9]  }
0x91: {  	s18 =	sld [smem:$0x3FD0];
	(tm) =	ssettm $0x1  }
0x92: {  	s4 =	sld [smem:$0x3FFB];
	_ =	sdelay $0x3  }
0x93: {  	_ =	strace s4  }
0x94: {  	s4 =	sld [smem:$0x3FFC];
	_ =	sdelay $0x3  }
0x95: {  	_ =	strace s4  }
0x96: {  	s4 =	sld [smem:$0x3FFD];
	_ =	sdelay $0x3  }
0x97: {  	_ =	strace s4  }
0x98: {  	_ =	strace $0x8FFFFFFF  }
0x99: {  	s19 =	sld [smem:$0x3FDB];
	_ =	sdelay $0x1  }
0x9a: {  	s5 =	simm.s32 $_scs_section_size  }
0x9b: {  	s6 =	simm.s32 $_size__tile_overlayer_lowered;
	s7 =	simm.s32 $_tile_overlayer_lowered  }
0x9c: {  	s22 =	simm.s32 $0x1BFF;
	s21 =	sshll.u32 s7, $0x1;
	s4 =	sadd.s32 s5, s19  }
0x9d: {  	s8 =	simm.s32 $0x0;
	s20 =	sshll.u32 s6, $0x1;
	s6 =	sadd.s32 s21, s4  }
0x9e: {  	[timem:s8], [sflag:s22] =	dma.local [hbm:s6], s20  }
0x9f: {  	_ =	swait.ge [sflag:s22], s20  }
0xa0: {  	s5 =	ssub.s32 $0x0, s20;
	[sflag:s22] =	ssyncset.done $0x0  }
0xa1: {  	[sflag:s22] =	ssyncadd.s32 s5;
	_ =	sdelay $0x1  }
0xa2: {  	s23 =	simm.s32 $0x1B8B  }
0xa3: {  	_ =	swait.ge [sflag:s23], $0x1  }
0xa4: {  	[sflag:s23] =	ssyncset.done $0x0  }
0xa5: {  	s25 =	simm.s32 $0x1B8E;
	s24 =	sld [smem:$0x3FFE];
	[sflag:s23] =	ssyncadd.s32 $0xFFFFFFFF  }
0xa6: {  	s26 =	simm.s32 $execute0_lowered;
	[smem:$0x3FD2] =	sst s25  }
0xa7: {  	s6 =	sshll.u32 s26, $0x1;
	_ =	strace $0x80000046;
	[dreg:$0x1] =	wrdreg $0xFFFFFFFF  }
0xa8: {  	s28 =	simm.s32 $_size_execute0_lowered;
	s4 =	sadd.s32 s4, s6;
	[dreg:$0x0] =	wrdreg $0x0  }
0xa9: {  	s6 =	sshll.u32 s28, $0x1;
	[dreg:$0x2] =	wrdreg s4  }
0xaa: {  	[dreg:$0x3] =	wrdreg s6  }
0xab: {  	[dreg:$0x4] =	wrdreg $0xC0  }
0xac: {  	_ =	task [dreg:s8], $0x5FFFF  }
0xad: {  	[dreg:$0x1] =	wrdreg $0xFFFFFFFF  }
0xae: {  	[dreg:$0x0] =	wrdreg $0x60  }
0xaf: {  	[dreg:$0x2] =	wrdreg s2  }
0xb0: {  	[dreg:$0x3] =	wrdreg s18  }
0xb1: {  	[dreg:$0x4] =	wrdreg s24  }
0xb2: {  	[dreg:$0x5] =	wrdreg $0x9  }
0xb3: {  	_ =	task.clear_ibuf [dreg:s8], $0x6FFFF;
	_ =	strace $0x90000046  }
0xb4: {  	s29 =	simm.s32 $0x9;
	_ =	strace $0x80000048  }
0xb5: {  	_ =	swait.ge [sflag:s29], $0x1  }
0xb6: {  	[sflag:s29] =	ssyncadd.s32 $0xFFFFFFFF  }
0xb7: {  	_ =	strace $0x90000048  }
0xb8: {  	_ =	sfence  }
0xb9: {  	s30 =	sld [smem:$0x0];
	_ =	sdelay $0x2  }
0xba: {  	s31 =	sshll.u32 s1, $0xD;
	s1 =	sshrl.u32 s1, $0x2  }
0xbb: {  	s3 =	sand.u32 $0x4000, s31;
	s1 =	sadd.s32 s1, s30  }
0xbc: {  	s0 =	sor.u32 s3, s0;
	s1 =	sshll.u32 s1, $0x11  }
0xbd: {  	s0 =	sor.u32 s1, s0  }
0xbe: {  	s0 =	sadd.s32 $0x8F2B, s0  }
0xbf: {  	[sflag:s0] =	ssyncadd.remote.s32 $0x1  }
0xc0: {  	_ =	sfence.sel $0xFFFF  }
0xc1: {  	[dreg:$0x0] =	wrdreg $0xFFFFFFFF;
	(pc) =	sbr.abs _section_cstart, $3  }
0xc2: {  	[dreg:$0x1] =	wrdreg $0xFFFFFFFF  }
0xc3: {  	_ =	task.clear_ibuf [dreg:s8], $0x2FFFF;
	_ =	strace $0x9FFFFFFF  }
0xc4: {  	(tm) =	ssettm $0x7FFFFFFF  }
0xc5: {  	_ =	shalt  }
tec
execute0_lowered:
.L_overlay_start_1:
0x0: {  	(tag) =	ssettag $0x1  }
0x1: {  	s1 =	rddreg [dreg:$0x0]  }
0x2: {  	s3 =	rddreg [dreg:$0x1];
	s2 =	srdreg.scid  }
0x3: {  	s0 =	stileid.u32;
	s7 =	rddreg [dreg:$0x2]  }
0x4: {  	s11 =	simm.s32 $0x5;
	s12 =	simm.s32 $0x1000;
	s13 =	simm.s32 $0x800000  }
0x5: {  	s14 =	simm.s32 $0x2000;
	s15 =	simm.s32 $0xA000;
	s16 =	simm.s32 $0x1  }
0x6: {  	s17 =	simm.s32 $0x12000;
	s18 =	simm.s32 $0x2;
	s19 =	simm.s32 $0x12200  }
0x7: {  	s20 =	simm.s32 $0x3;
	s2 =	sand.u32 $0x1, s2;
	s4 =	sshll.u32 s0, $0x1  }
0x8: {  	s21 =	simm.s32 $0x4;
	s22 =	simm.s32 $0x0;
	s6 =	sor.u32 s2, s4  }
0x9: {  	s4 =	simm.s32 $0x0;
	s2 =	ssub.s32 $0x2, s2;
	s5 =	smul.u32 $0x4C00, s6  }
0xa: {  	[smem:$0x7FF] =	sst s4;
	s8 =	sshrl.u32 s2, $0x1;
	s6 =	smul.u32 $0x26000, s6  }
0xb: {  	s7 =	sadd.s32 $0x600, s7;
	_ =	strace $0x80000047;
	s2 =	ssub.s32 s2, s8  }
0xc: {  	s8 =	sadd.s32 s1, s5;
	s9 =	sadd.s32 $0x2000, s6;
	s10 =	smax.u32 s2, $0x1  }
.LBB2_1:
0xd: {  	[tilespmem:s4], [sflag:$0x5] =	stream.linear.gather [hbm4b:s3+s4], $0x2000, $0x38;
	[tilespmem:$0x12400] =	vst v63  }
0xe: {  	_ =	swait.ge [sflag:s11], $0x2000  }
0xf: {  	[sflag:s11] =	ssyncset.done $0x0  }
0x10: {  	s23 =	simm.s32 $0x0;
	[sflag:s11] =	ssyncadd.s32 $0xFFFFE000  }
0x11: {  	v0 =	vimm.f32 $0.0e+00;
	s2 =	simm.s32 $0x200;
	v1 =	vld [tilespmem:s23+$0x0]  }
.LBB2_2:
0x12: {  	p0 =	sne.s32 s2, $0x7E00  }
.Ltmp0:
0x13: {  	_ = 	snop;
	(pc) =	sbr.rel @p0 .LBB2_2-.Ltmp0, $3  }
0x14: {  	_ =	sdelay $0x1  }
0x15: {  	s23 =	sshra.s32 s2, $0x2;
	s2 =	sadd.s32 $0x200, s2;
	v0 =	vadd.f32 v1, v0  }
0x16: {  	v1 =	vld [tilespmem:s23+$0x0]  }
0x17: {  	_ =	sdelay $0x2  }
0x18: {  	[tilespmem:s14], [sflag:$0x1] =	stream.strided.gather [hbm4b:s8+s12], $0x8000, s13, s12, $0x38;
	[tilespmem:$0x12400] =	vst v63  }
0x19: {  	s23 =	simm.s32 $0x0;
	s24 =	simm.s32 $0x0;
	v0 =	vadd.f32 v1, v0  }
.LBB2_4:
0x1a: {  	s25 =	sshllo.u32 s24, $0x1  }
0x1b: {  	s2 =	sshll.u32 s25, $0xC  }
0x1c: {  	s2 =	sadd.s32 s6, s2  }
0x1d: {  	s2 =	sshrl.u32 s2, $0x3  }
0x1e: {  	s2 =	sadd.s32 s1, s2  }
0x1f: {  	[tilespmem:s15], [sflag:$0x2] =	stream.strided.gather [hbm4b:s2+s12], $0x8000, s13, s12, $0x38;
	[tilespmem:$0x12400] =	vst v63  }
0x20: {  	_ =	swait.ge [sflag:s16], $0x8000  }
0x21: {  	s26 =	sand.u32 $0x380, s23;
	s2 =	sand.u32 $0x7000, s23;
	[sflag:s16] =	ssyncset.done $0x0  }
0x22: {  	s26 =	sor.u32 s26, s2;
	[sflag:s16] =	ssyncadd.s32 $0xFFFF8000  }
0x23: {  	v2 =	vld [tilespmem:s26+$0x2C70]  }
0x24: {  	s2 =	simm.s32 $0x0;
	v3 =	vld [tilespmem:s26+$0x2000]  }
0x25: {  	v1 =	vld [tilespmem:s2+$0x0]  }
0x26: {  	v4 =	vld [tilespmem:s26+$0x2010]  }
0x27: {  	v5 =	vld [tilespmem:s26+$0x2020]  }
0x28: {  	v25 =	vld [tilespmem:s26+$0x2840]  }
0x29: {  	v26 =	vld [tilespmem:s26+$0x2850]  }
0x2a: {  	v27 =	vld [tilespmem:s26+$0x2860]  }
0x2b: {  	v28 =	vld [tilespmem:s26+$0x2870]  }
0x2c: {  	v24 =	vimm.f32 $0.0e+00;
	v29 =	vld [tilespmem:s26+$0x2C00]  }
0x2d: {  	v33 =	vimm.f32 $0.0e+00;
	v2 =	vcvt.s32.f32 v2;
	v3 =	vcvt.s32.f32 v3  }
0x2e: {  	v32 =	vimm.f32 $0.0e+00;
	v7 =	vld [tilespmem:s26+$0x2030];
	v4 =	vcvt.s32.f32 v4;
	v5 =	vcvt.s32.f32 v5  }
0x2f: {  	v30 =	vimm.f32 $0.0e+00;
	v8 =	vld [tilespmem:s26+$0x2040];
	v25 =	vcvt.s32.f32 v25;
	v26 =	vcvt.s32.f32 v26  }
0x30: {  	v31 =	vimm.f32 $0.0e+00;
	v9 =	vld [tilespmem:s26+$0x2050];
	v27 =	vcvt.s32.f32 v27;
	v40 =	vcvt.s32.f32 v28  }
0x31: {  	v10 =	vld [tilespmem:s26+$0x2060];
	v42 =	vcvt.s32.f32 v29;
	v29 =	vimm.f32 $0.0e+00;
	v2 =	vmul.f32 v2, v1  }
0x32: {  	v11 =	vld [tilespmem:s26+$0x2070];
	v28 =	vimm.f32 $0.0e+00;
	v3 =	vmul.f32 v3, v1;
	v25 =	vmul.f32 v25, v1  }
0x33: {  	v12 =	vld [tilespmem:s26+$0x2400];
	v6 =	vadd.f32 v2, v24;
	v2 =	vmul.f32 v4, v1;
	v4 =	vcvt.s32.f32 v7  }
0x34: {  	v13 =	vld [tilespmem:s26+$0x2410];
	v7 =	vadd.f32 v3, v24;
	v3 =	vmul.f32 v5, v1;
	v5 =	vcvt.s32.f32 v8  }
0x35: {  	v14 =	vld [tilespmem:s26+$0x2420];
	v8 =	vadd.f32 v2, v24;
	v2 =	vmul.f32 v4, v1;
	v4 =	vcvt.s32.f32 v9  }
0x36: {  	v15 =	vld [tilespmem:s26+$0x2430];
	v9 =	vadd.f32 v3, v24;
	v3 =	vmul.f32 v5, v1;
	v5 =	vcvt.s32.f32 v10  }
0x37: {  	v16 =	vld [tilespmem:s26+$0x2440];
	v10 =	vadd.f32 v2, v24;
	v2 =	vmul.f32 v4, v1;
	v4 =	vcvt.s32.f32 v11  }
0x38: {  	v17 =	vld [tilespmem:s26+$0x2450];
	v11 =	vadd.f32 v3, v24;
	v3 =	vmul.f32 v5, v1;
	v5 =	vcvt.s32.f32 v12  }
0x39: {  	v18 =	vld [tilespmem:s26+$0x2460];
	v12 =	vadd.f32 v2, v24;
	v2 =	vmul.f32 v4, v1;
	v4 =	vcvt.s32.f32 v13  }
0x3a: {  	v19 =	vld [tilespmem:s26+$0x2470];
	v13 =	vadd.f32 v3, v24;
	v3 =	vmul.f32 v5, v1;
	v5 =	vcvt.s32.f32 v14  }
0x3b: {  	v20 =	vld [tilespmem:s26+$0x2800];
	v14 =	vadd.f32 v2, v24;
	v2 =	vmul.f32 v4, v1;
	v4 =	vcvt.s32.f32 v15  }
0x3c: {  	v21 =	vld [tilespmem:s26+$0x2810];
	v15 =	vadd.f32 v3, v24;
	v3 =	vmul.f32 v5, v1;
	v5 =	vcvt.s32.f32 v16  }
0x3d: {  	v22 =	vld [tilespmem:s26+$0x2820];
	v16 =	vadd.f32 v2, v24;
	v2 =	vmul.f32 v4, v1;
	v4 =	vcvt.s32.f32 v17  }
0x3e: {  	v23 =	vld [tilespmem:s26+$0x2830];
	v17 =	vadd.f32 v3, v24;
	v3 =	vmul.f32 v5, v1;
	v5 =	vcvt.s32.f32 v18  }
0x3f: {  	v18 =	vadd.f32 v2, v24;
	v2 =	vmul.f32 v4, v1;
	v4 =	vcvt.s32.f32 v19  }
0x40: {  	v19 =	vadd.f32 v3, v24;
	v3 =	vmul.f32 v5, v1;
	v5 =	vcvt.s32.f32 v20  }
0x41: {  	v20 =	vadd.f32 v2, v24;
	v2 =	vmul.f32 v4, v1;
	v4 =	vcvt.s32.f32 v21  }
0x42: {  	v21 =	vadd.f32 v3, v24;
	v3 =	vmul.f32 v5, v1;
	v5 =	vcvt.s32.f32 v22  }
0x43: {  	v38 =	vld [tilespmem:s26+$0x2C10];
	v22 =	vadd.f32 v2, v24;
	v2 =	vmul.f32 v4, v1;
	v4 =	vcvt.s32.f32 v23  }
0x44: {  	v37 =	vld [tilespmem:s26+$0x2C20];
	v34 =	vmul.f32 v26, v1;
	v23 =	vadd.f32 v3, v24;
	v3 =	vmul.f32 v5, v1  }
0x45: {  	v35 =	vld [tilespmem:s26+$0x2C30];
	v41 =	vmul.f32 v27, v1;
	v27 =	vimm.f32 $0.0e+00;
	v4 =	vmul.f32 v4, v1  }
0x46: {  	s28 =	simm.s32 $0x200;
	s29 =	simm.s32 $0x80;
	v36 =	vld [tilespmem:s26+$0x2C40];
	v26 =	vimm.f32 $0.0e+00;
	v5 =	vadd.f32 v2, v24;
	v2 =	vadd.f32 v3, v24  }
0x47: {  	s30 =	simm.s32 $0x400;
	s31 =	sand.u32 $0x7000, s28;
	s2 =	sand.u32 $0x380, s29;
	v39 =	vld [tilespmem:s26+$0x2C50];
	v3 =	vadd.f32 v4, v24;
	v4 =	vadd.f32 v25, v24;
	v25 =	vimm.f32 $0.0e+00  }
.LBB2_5:
0x48: {  	p0 =	sne.s32 s30, $0x7E00;
	v24 =	vadd.f32 v34, v24;
	v34 =	vmul.f32 v40, v1;
	v38 =	vcvt.s32.f32 v38;
	v40 =	vld [tilespmem:s26+$0x2C60];
	s26 =	sor.u32 s2, s31  }
0x49: {  	v43 =	vld [tilespmem:s26+$0x2C70];
	v33 =	vadd.f32 v41, v33;
	v41 =	vmul.f32 v42, v1;
	v37 =	vcvt.s32.f32 v37  }
0x4a: {  	s2 =	sshra.s32 s28, $0x2;
	s28 =	smov.u32 s30;
	v42 =	vld [tilespmem:s26+$0x2000];
	v32 =	vadd.f32 v34, v32;
	v34 =	vmul.f32 v38, v1;
	v35 =	vcvt.s32.f32 v35  }
0x4b: {  	v38 =	vld [tilespmem:s2+$0x0];
	v30 =	vadd.f32 v41, v30;
	v37 =	vmul.f32 v37, v1;
	v36 =	vcvt.s32.f32 v36  }
0x4c: {  	v41 =	vld [tilespmem:s26+$0x2010];
	v31 =	vadd.f32 v34, v31;
	v34 =	vmul.f32 v35, v1;
	v35 =	vcvt.s32.f32 v39  }
0x4d: {  	v39 =	vld [tilespmem:s26+$0x2020];
	v29 =	vadd.f32 v37, v29;
	v36 =	vmul.f32 v36, v1;
	v37 =	vcvt.s32.f32 v40  }
0x4e: {  	v40 =	vld [tilespmem:s26+$0x2030];
	v43 =	vcvt.s32.f32 v43;
	v27 =	vadd.f32 v34, v27;
	v34 =	vmul.f32 v35, v1  }
0x4f: {  	v35 =	vcvt.s32.f32 v42;
	v42 =	vld [tilespmem:s26+$0x2040];
	v28 =	vadd.f32 v36, v28;
	v36 =	vmul.f32 v37, v1  }
0x50: {  	v37 =	vld [tilespmem:s26+$0x2050];
	v43 =	vmul.f32 v43, v38;
	v26 =	vadd.f32 v34, v26;
	v1 =	vmov v38  }
0x51: {  	v34 =	vmul.f32 v35, v1;
	v35 =	vcvt.s32.f32 v41;
	v38 =	vld [tilespmem:s26+$0x2060];
	v25 =	vadd.f32 v36, v25  }
0x52: {  	v36 =	vcvt.s32.f32 v39;
	v39 =	vld [tilespmem:s26+$0x2070];
	v6 =	vadd.f32 v43, v6  }
0x53: {  	v7 =	vadd.f32 v34, v7;
	v34 =	vmul.f32 v35, v1;
	v35 =	vcvt.s32.f32 v40;
	v40 =	vld [tilespmem:s26+$0x2400]  }
0x54: {  	v36 =	vmul.f32 v36, v1;
	v41 =	vcvt.s32.f32 v42;
	v42 =	vld [tilespmem:s26+$0x2410]  }
0x55: {  	v8 =	vadd.f32 v34, v8;
	v34 =	vmul.f32 v35, v1;
	v35 =	vcvt.s32.f32 v37;
	v37 =	vld [tilespmem:s26+$0x2420]  }
0x56: {  	v9 =	vadd.f32 v36, v9;
	v36 =	vmul.f32 v41, v1;
	v38 =	vcvt.s32.f32 v38;
	v41 =	vld [tilespmem:s26+$0x2430]  }
0x57: {  	v10 =	vadd.f32 v34, v10;
	v34 =	vmul.f32 v35, v1;
	v35 =	vcvt.s32.f32 v39;
	v39 =	vld [tilespmem:s26+$0x2440]  }
0x58: {  	v11 =	vadd.f32 v36, v11;
	v36 =	vmul.f32 v38, v1;
	v38 =	vcvt.s32.f32 v40;
	v40 =	vld [tilespmem:s26+$0x2450]  }
0x59: {  	v12 =	vadd.f32 v34, v12;
	v34 =	vmul.f32 v35, v1;
	v35 =	vcvt.s32.f32 v42;
	v42 =	vld [tilespmem:s26+$0x2460]  }
0x5a: {  	v13 =	vadd.f32 v36, v13;
	v36 =	vmul.f32 v38, v1;
	v37 =	vcvt.s32.f32 v37;
	v38 =	vld [tilespmem:s26+$0x2470]  }
0x5b: {  	v14 =	vadd.f32 v34, v14;
	v34 =	vmul.f32 v35, v1;
	v35 =	vcvt.s32.f32 v41;
	v41 =	vld [tilespmem:s26+$0x2800]  }
0x5c: {  	v15 =	vadd.f32 v36, v15;
	v36 =	vmul.f32 v37, v1;
	v37 =	vcvt.s32.f32 v39;
	v39 =	vld [tilespmem:s26+$0x2810]  }
0x5d: {  	v16 =	vadd.f32 v34, v16;
	v34 =	vmul.f32 v35, v1;
	v35 =	vcvt.s32.f32 v40;
	v40 =	vld [tilespmem:s26+$0x2820]  }
0x5e: {  	v17 =	vadd.f32 v36, v17;
	v36 =	vmul.f32 v37, v1;
	v37 =	vcvt.s32.f32 v42;
	v42 =	vld [tilespmem:s26+$0x2830]  }
0x5f: {  	v18 =	vadd.f32 v34, v18;
	v34 =	vmul.f32 v35, v1;
	v35 =	vcvt.s32.f32 v38;
	v38 =	vld [tilespmem:s26+$0x2840]  }
0x60: {  	v19 =	vadd.f32 v36, v19;
	v36 =	vmul.f32 v37, v1;
	v37 =	vcvt.s32.f32 v41;
	v41 =	vld [tilespmem:s26+$0x2850]  }
0x61: {  	v20 =	vadd.f32 v34, v20;
	v34 =	vmul.f32 v35, v1;
	v35 =	vcvt.s32.f32 v39;
	v39 =	vld [tilespmem:s26+$0x2860]  }
0x62: {  	v21 =	vadd.f32 v36, v21;
	v36 =	vmul.f32 v37, v1;
	v37 =	vcvt.s32.f32 v40;
	v40 =	vld [tilespmem:s26+$0x2870]  }
0x63: {  	v22 =	vadd.f32 v34, v22;
	v34 =	vmul.f32 v35, v1;
	v35 =	vcvt.s32.f32 v42;
	v42 =	vld [tilespmem:s26+$0x2C00]  }
.Ltmp1:
0x64: {  	v23 =	vadd.f32 v36, v23;
	v36 =	vmul.f32 v37, v1;
	v43 =	vcvt.s32.f32 v38;
	v38 =	vld [tilespmem:s26+$0x2C10];
	(pc) =	sbr.rel @p0 .LBB2_5-.Ltmp1, $4  }
0x65: {  	v5 =	vadd.f32 v34, v5;
	v34 =	vmul.f32 v35, v1;
	v41 =	vcvt.s32.f32 v41;
	v37 =	vld [tilespmem:s26+$0x2C20]  }
0x66: {  	v2 =	vadd.f32 v36, v2;
	v43 =	vmul.f32 v43, v1;
	v39 =	vcvt.s32.f32 v39;
	v35 =	vld [tilespmem:s26+$0x2C30]  }
0x67: {  	s29 =	sadd.s32 $0x80, s29;
	v3 =	vadd.f32 v34, v3;
	v34 =	vmul.f32 v41, v1;
	v40 =	vcvt.s32.f32 v40;
	v36 =	vld [tilespmem:s26+$0x2C40]  }
0x68: {  	s30 =	sadd.s32 $0x200, s30;
	s31 =	sand.u32 $0x7000, s28;
	s2 =	sand.u32 $0x380, s29;
	v4 =	vadd.f32 v43, v4;
	v41 =	vmul.f32 v39, v1;
	v42 =	vcvt.s32.f32 v42;
	v39 =	vld [tilespmem:s26+$0x2C50]  }
0x69: {  	s29 =	sor.u32 s2, s31;
	v43 =	vld [tilespmem:s26+$0x2C60]  }
0x6a: {  	v34 =	vadd.f32 v34, v24;
	v40 =	vmul.f32 v40, v1;
	v38 =	vcvt.s32.f32 v38;
	v44 =	vld [tilespmem:s29+$0x2C70]  }
0x6b: {  	s26 =	sshra.s32 s28, $0x2;
	v45 =	vld [tilespmem:s29+$0x2000];
	v33 =	vadd.f32 v41, v33;
	v59 =	vmul.f32 v42, v1;
	v37 =	vcvt.s32.f32 v37  }
0x6c: {  	v24 =	vld [tilespmem:s26+$0x0];
	v32 =	vadd.f32 v40, v32;
	v38 =	vmul.f32 v38, v1;
	v35 =	vcvt.s32.f32 v35  }
0x6d: {  	v60 =	vld [tilespmem:s29+$0x2010];
	v30 =	vadd.f32 v59, v30;
	v37 =	vmul.f32 v37, v1;
	v36 =	vcvt.s32.f32 v36  }
0x6e: {  	v61 =	vld [tilespmem:s29+$0x2020];
	v31 =	vadd.f32 v38, v31;
	v35 =	vmul.f32 v35, v1;
	v62 =	vcvt.s32.f32 v39  }
0x6f: {  	v63 =	vld [tilespmem:s29+$0x2030];
	v37 =	vadd.f32 v37, v29;
	v29 =	vmul.f32 v36, v1;
	v48 =	vcvt.s32.f32 v43  }
0x70: {  	v49 =	vld [tilespmem:s29+$0x2040];
	v50 =	vcvt.s32.f32 v44;
	v35 =	vadd.f32 v35, v27;
	v27 =	vmul.f32 v62, v1  }
0x71: {  	v51 =	vld [tilespmem:s29+$0x2050];
	v29 =	vadd.f32 v29, v28;
	v28 =	vcvt.s32.f32 v45;
	v1 =	vmul.f32 v48, v1  }
0x72: {  	v52 =	vld [tilespmem:s29+$0x2060];
	v43 =	vmul.f32 v50, v24;
	v53 =	vadd.f32 v27, v26;
	v26 =	vcvt.s32.f32 v60  }
0x73: {  	v27 =	vld [tilespmem:s29+$0x2070];
	v28 =	vmul.f32 v28, v24;
	v54 =	vadd.f32 v1, v25;
	v25 =	vcvt.s32.f32 v61  }
0x74: {  	v55 =	vld [tilespmem:s29+$0x2400];
	v1 =	vadd.f32 v43, v6;
	v6 =	vmul.f32 v26, v24;
	v26 =	vcvt.s32.f32 v63  }
0x75: {  	v56 =	vld [tilespmem:s29+$0x2410];
	v57 =	vadd.f32 v28, v7;
	v7 =	vmul.f32 v25, v24;
	v25 =	vcvt.s32.f32 v49  }
0x76: {  	v28 =	vld [tilespmem:s29+$0x2420];
	v58 =	vadd.f32 v6, v8;
	v6 =	vmul.f32 v26, v24;
	v8 =	vcvt.s32.f32 v51  }
0x77: {  	v26 =	vld [tilespmem:s29+$0x2430];
	v59 =	vadd.f32 v7, v9;
	v7 =	vmul.f32 v25, v24;
	v9 =	vcvt.s32.f32 v52  }
0x78: {  	v25 =	vld [tilespmem:s29+$0x2440];
	v60 =	vadd.f32 v6, v10;
	v6 =	vmul.f32 v8, v24;
	v8 =	vcvt.s32.f32 v27  }
0x79: {  	v61 =	vadd.f32 v7, v11;
	v7 =	vmul.f32 v9, v24;
	v9 =	vcvt.s32.f32 v55  }
0x7a: {  	v10 =	vld [tilespmem:s29+$0x2450];
	v62 =	vadd.f32 v6, v12;
	v6 =	vmul.f32 v8, v24;
	v8 =	vcvt.s32.f32 v56  }
0x7b: {  	v11 =	vld [tilespmem:s29+$0x2460];
	v63 =	vadd.f32 v7, v13;
	v7 =	vmul.f32 v9, v24;
	v9 =	vcvt.s32.f32 v28  }
0x7c: {  	v12 =	vld [tilespmem:s29+$0x2470];
	v46 =	vadd.f32 v6, v14;
	v6 =	vmul.f32 v8, v24;
	v8 =	vcvt.s32.f32 v26  }
0x7d: {  	v47 =	vadd.f32 v7, v15;
	v7 =	vmul.f32 v9, v24;
	v9 =	vcvt.s32.f32 v25  }
0x7e: {  	v13 =	vld [tilespmem:s29+$0x2800];
	v38 =	vtrunc.f32 v63;
	v28 =	vadd.f32 v6, v16;
	v6 =	vmul.f32 v8, v24  }
0x7f: {  	v8 =	vcvt.s32.f32 v10;
	v40 =	vtrunc.f32 v46;
	v27 =	vadd.f32 v7, v17  }
0x80: {  	v14 =	vld [tilespmem:s29+$0x2810];
	v7 =	vmul.f32 v9, v24;
	v9 =	vcvt.s32.f32 v11;
	v26 =	vadd.f32 v6, v18  }
0x81: {  	v6 =	vmul.f32 v8, v24;
	v8 =	vcvt.s32.f32 v12;
	v43 =	vsub.f32 v0, v28  }
0x82: {  	v15 =	vld [tilespmem:s29+$0x2820];
	v28 =	vtrunc.f32 v28;
	v25 =	vadd.f32 v7, v19;
	v7 =	vmul.f32 v9, v24  }
0x83: {  	v9 =	vcvt.s32.f32 v13;
	v44 =	vsub.f32 v0, v27;
	v28 =	vcvt.f32.s32 v28  }
0x84: {  	v10 =	vld [tilespmem:s29+$0x2830];
	v27 =	vtrunc.f32 v27;
	v19 =	vadd.f32 v6, v20;
	v6 =	vmul.f32 v8, v24  }
0x85: {  	v8 =	vcvt.s32.f32 v14;
	v45 =	vsub.f32 v0, v26;
	v27 =	vcvt.f32.s32 v27  }
0x86: {  	v11 =	vld [tilespmem:s29+$0x2840];
	v26 =	vtrunc.f32 v26;
	v18 =	vadd.f32 v7, v21;
	v7 =	vmul.f32 v9, v24  }
0x87: {  	v9 =	vcvt.s32.f32 v15;
	v48 =	vsub.f32 v0, v25;
	v26 =	vcvt.f32.s32 v26  }
0x88: {  	v12 =	vld [tilespmem:s29+$0x2850];
	v25 =	vtrunc.f32 v25;
	v17 =	vadd.f32 v6, v22;
	v6 =	vmul.f32 v8, v24  }
0x89: {  	v8 =	vcvt.s32.f32 v10;
	v49 =	vsub.f32 v0, v19;
	v25 =	vcvt.f32.s32 v25  }
0x8a: {  	v13 =	vld [tilespmem:s29+$0x2860];
	v19 =	vtrunc.f32 v19;
	v16 =	vadd.f32 v7, v23;
	v7 =	vmul.f32 v9, v24  }
0x8b: {  	v20 =	vld [tilespmem:s29+$0x2870];
	v9 =	vcvt.s32.f32 v11;
	v52 =	vsub.f32 v0, v18;
	v19 =	vcvt.f32.s32 v19  }
0x8c: {  	v18 =	vtrunc.f32 v18;
	v15 =	vadd.f32 v6, v5;
	v5 =	vmul.f32 v8, v24  }
0x8d: {  	v39 =	vsub.f32 v0, v46;
	v21 =	vld [tilespmem:s29+$0x2C00];
	v6 =	vcvt.s32.f32 v12;
	v51 =	vtrunc.f32 v49  }
0x8e: {  	v18 =	vcvt.f32.s32 v18;
	v14 =	vadd.f32 v7, v2;
	v2 =	vmul.f32 v9, v24  }
0x8f: {  	v10 =	vld [tilespmem:s29+$0x2C10];
	v7 =	vcvt.s32.f32 v13;
	v55 =	vsub.f32 v0, v16;
	v16 =	vtrunc.f32 v16  }
0x90: {  	v22 =	vld [tilespmem:s29+$0x2C20];
	v13 =	vadd.f32 v5, v3;
	v3 =	vmul.f32 v6, v24;
	v5 =	vcvt.s32.f32 v20  }
0x91: {  	v56 =	vsub.f32 v0, v15;
	v16 =	vcvt.f32.s32 v16;
	v15 =	vtrunc.f32 v15  }
0x92: {  	v12 =	vadd.f32 v2, v4;
	v2 =	vmul.f32 v7, v24;
	v4 =	vcvt.s32.f32 v21  }
0x93: {  	v8 =	vld [tilespmem:s29+$0x2C30];
	v15 =	vcvt.f32.s32 v15;
	v11 =	vadd.f32 v3, v34;
	v3 =	vmul.f32 v5, v24  }
0x94: {  	v23 =	vld [tilespmem:s29+$0x2C40];
	v21 =	vsub.f32 v0, v57;
	v5 =	vcvt.s32.f32 v10;
	v34 =	vtrunc.f32 v39  }
0x95: {  	v20 =	vld [tilespmem:s29+$0x2C60];
	v10 =	vadd.f32 v2, v33;
	v2 =	vmul.f32 v4, v24;
	v4 =	vcvt.s32.f32 v22  }
0x96: {  	v21 =	vtrunc.f32 v21;
	v33 =	vcvt.f32.s32 v40  }
0x97: {  	v6 =	vld [tilespmem:s29+$0x2C50];
	v34 =	vcvt.f32.s32 v34;
	v9 =	vadd.f32 v3, v32;
	v3 =	vmul.f32 v5, v24  }
0x98: {  	v22 =	vsub.f32 v0, v58;
	v5 =	vcvt.s32.f32 v8;
	v21 =	vcvt.f32.s32 v21  }
0x99: {  	v8 =	vadd.f32 v2, v30;
	v2 =	vmul.f32 v4, v24;
	v4 =	vcvt.s32.f32 v23  }
0x9a: {  	v20 =	vcvt.s32.f32 v20;
	v22 =	vtrunc.f32 v22  }
0x9b: {  	v30 =	vtrunc.f32 v59;
	v42 =	vsub.s32 v34, v33;
	v33 =	vtrunc.f32 v43  }
0x9c: {  	v34 =	vtrunc.f32 v44;
	v7 =	vadd.f32 v3, v31;
	v3 =	vcvt.s32.f32 v6  }
0x9d: {  	v5 =	vmul.f32 v5, v24;
	v22 =	vcvt.f32.s32 v22  }
0x9e: {  	v31 =	vsub.f32 v0, v62;
	v33 =	vcvt.f32.s32 v33;
	v46 =	vcvt.f32.s32 v34  }
0x9f: {  	v4 =	vmul.f32 v4, v24;
	v6 =	vadd.f32 v2, v37;
	v20 =	vmul.f32 v20, v24  }
0xa0: {  	v37 =	vsub.f32 v0, v63;
	v63 =	vsub.f32 v0, v12;
	v12 =	vtrunc.f32 v12  }
0xa1: {  	v41 =	vsub.f32 v0, v47;
	v2 =	vmul.f32 v3, v24;
	v3 =	vtrunc.f32 v57  }
0xa2: {  	v5 =	vadd.f32 v5, v35;
	v24 =	vsub.f32 v0, v59;
	v31 =	vtrunc.f32 v31  }
0xa3: {  	v35 =	vtrunc.f32 v41;
	v59 =	vsub.f32 v0, v14;
	v14 =	vtrunc.f32 v14  }
0xa4: {  	v28 =	vsub.s32 v33, v28;
	v12 =	vcvt.f32.s32 v12;
	v23 =	vcvt.f32.s32 v3  }
0xa5: {  	v27 =	vsub.s32 v46, v27;
	v3 =	vtrunc.f32 v58;
	v31 =	vcvt.f32.s32 v31  }
0xa6: {  	v4 =	vadd.f32 v4, v29;
	v32 =	vtrunc.f32 v37;
	v35 =	vcvt.f32.s32 v35  }
0xa7: {  	v28 =	vshrl.u32 v28, $0x1F;
	v58 =	vtrunc.f32 v56;
	v14 =	vcvt.f32.s32 v14  }
0xa8: {  	v29 =	vcvt.f32.s32 v3;
	v3 =	vadd.f32 v2, v53;
	v24 =	vtrunc.f32 v24  }
0xa9: {  	v2 =	vadd.f32 v20, v54;
	v20 =	vcvt.f32.s32 v30;
	v30 =	vtrunc.f32 v61  }
0xaa: {  	v32 =	vcvt.f32.s32 v32;
	v53 =	vtrunc.f32 v52;
	v54 =	vsub.f32 v0, v17  }
0xab: {  	p0 =	seq.s32 s24, $0x0;
	v17 =	vtrunc.f32 v17;
	v24 =	vcvt.f32.s32 v24;
	v21 =	vsub.s32 v21, v23  }
0xac: {  	s2 =	simm.s32 @!p0 $0x3;
	v23 =	vsub.f32 v0, v60;
	v17 =	vcvt.f32.s32 v17;
	v22 =	vsub.s32 v22, v29  }
0xad: {  	_ =	swait.ge @!p0 [sflag:s2], $0x200;
	v21 =	vshrl.u32 v21, $0x1F;
	v29 =	vsub.f32 v0, v61;
	v33 =	vtrunc.f32 v54  }
0xae: {  	[sflag:s2] =	ssyncset.done @!p0 $0x0;
	v20 =	vsub.s32 v24, v20;
	v24 =	vtrunc.f32 v60;
	v23 =	vtrunc.f32 v23  }
0xaf: {  	[sflag:s2] =	ssyncadd.s32 @!p0 $0xFFFFFE00;
	v33 =	vcvt.f32.s32 v33;
	v60 =	vsub.f32 v0, v13;
	v13 =	vtrunc.f32 v13  }
0xb0: {  	v27 =	vshrl.u32 v27, $0x1F;
	[tilespmem:$0x12000] =	vst v21;
	v21 =	vtrunc.f32 v63;
	v24 =	vcvt.f32.s32 v24  }
0xb1: {  	v22 =	vshrl.u32 v22, $0x1F;
	v23 =	vcvt.f32.s32 v23;
	v29 =	vtrunc.f32 v29  }
0xb2: {  	v20 =	vshrl.u32 v20, $0x1F;
	v13 =	vcvt.f32.s32 v13;
	v21 =	vcvt.f32.s32 v21  }
0xb3: {  	[tilespmem:$0x12010] =	vst v22;
	v22 =	vsub.f32 v0, v9;
	v9 =	vtrunc.f32 v9;
	v29 =	vcvt.f32.s32 v29  }
0xb4: {  	v17 =	vsub.s32 v33, v17;
	[tilespmem:$0x12020] =	vst v20;
	v20 =	vsub.f32 v0, v11;
	v11 =	vtrunc.f32 v11  }
0xb5: {  	v9 =	vcvt.f32.s32 v9;
	v23 =	vsub.s32 v23, v24;
	v24 =	vcvt.f32.s32 v30  }
0xb6: {  	v30 =	vtrunc.f32 v62;
	v17 =	vshrl.u32 v17, $0x1F;
	v62 =	vtrunc.f32 v60  }
0xb7: {  	v12 =	vsub.s32 v21, v12;
	v21 =	vsub.f32 v0, v10;
	v11 =	vcvt.f32.s32 v11  }
0xb8: {  	v10 =	vtrunc.f32 v10;
	v23 =	vshrl.u32 v23, $0x1F;
	v30 =	vcvt.f32.s32 v30  }
0xb9: {  	v20 =	vtrunc.f32 v20;
	v12 =	vshrl.u32 v12, $0x1F;
	v10 =	vcvt.f32.s32 v10  }
0xba: {  	v24 =	vsub.s32 v29, v24;
	v29 =	vcvt.f32.s32 v38;
	v20 =	vcvt.f32.s32 v20  }
0xbb: {  	[tilespmem:$0x12030] =	vst v23;
	v21 =	vtrunc.f32 v21;
	v23 =	vsub.f32 v0, v7;
	v7 =	vtrunc.f32 v7  }
0xbc: {  	v24 =	vshrl.u32 v24, $0x1F;
	v30 =	vsub.s32 v31, v30;
	v31 =	vtrunc.f32 v47  }
0xbd: {  	v47 =	vtrunc.f32 v45;
	v7 =	vcvt.f32.s32 v7;
	v30 =	vshrl.u32 v30, $0x1F  }
0xbe: {  	v31 =	vcvt.f32.s32 v31;
	v29 =	vsub.s32 v32, v29;
	v32 =	vshrl.u32 v42, $0x1F  }
0xbf: {  	v34 =	vcvt.f32.s32 v47;
	v11 =	vsub.s32 v20, v11;
	v20 =	vcvt.f32.s32 v21  }
0xc0: {  	v21 =	vtrunc.f32 v22;
	v22 =	vsub.f32 v0, v8;
	v8 =	vtrunc.f32 v8  }
0xc1: {  	v29 =	vshrl.u32 v29, $0x1F;
	v11 =	vshrl.u32 v11, $0x1F;
	v21 =	vcvt.f32.s32 v21  }
0xc2: {  	v8 =	vcvt.f32.s32 v8;
	v31 =	vsub.s32 v35, v31;
	v35 =	vtrunc.f32 v48  }
0xc3: {  	v26 =	vsub.s32 v34, v26;
	v34 =	vcvt.f32.s32 v53;
	v22 =	vtrunc.f32 v22  }
0xc4: {  	[tilespmem:$0x12090] =	vst v28;
	v10 =	vsub.s32 v20, v10;
	v31 =	vshrl.u32 v31, $0x1F;
	v50 =	vcvt.f32.s32 v35  }
0xc5: {  	[tilespmem:$0x120A0] =	vst v27;
	v35 =	vcvt.f32.s32 v51;
	v26 =	vshrl.u32 v26, $0x1F;
	v20 =	vcvt.f32.s32 v22  }
0xc6: {  	[tilespmem:$0x120F0] =	vst v17;
	v22 =	vtrunc.f32 v23;
	v23 =	vsub.f32 v0, v6;
	v10 =	vshrl.u32 v10, $0x1F  }
0xc7: {  	[tilespmem:$0x12140] =	vst v12;
	v9 =	vsub.s32 v21, v9;
	v6 =	vtrunc.f32 v6;
	v18 =	vsub.s32 v34, v18  }
0xc8: {  	[tilespmem:$0x12040] =	vst v24;
	v34 =	vtrunc.f32 v55;
	v9 =	vshrl.u32 v9, $0x1F;
	v6 =	vcvt.f32.s32 v6  }
0xc9: {  	[tilespmem:$0x12050] =	vst v30;
	v25 =	vsub.s32 v50, v25;
	v19 =	vsub.s32 v35, v19;
	v57 =	vcvt.f32.s32 v34  }
0xca: {  	[tilespmem:$0x12070] =	vst v32;
	v18 =	vshrl.u32 v18, $0x1F;
	v34 =	vcvt.f32.s32 v58;
	v35 =	vtrunc.f32 v59  }
0xcb: {  	[tilespmem:$0x12060] =	vst v29;
	v8 =	vsub.s32 v20, v8;
	v25 =	vshrl.u32 v25, $0x1F;
	v61 =	vcvt.f32.s32 v35  }
0xcc: {  	v19 =	vshrl.u32 v19, $0x1F;
	v35 =	vcvt.f32.s32 v62;
	[tilespmem:$0x120E0] =	vst v18;
	v18 =	vtrunc.f32 v23  }
0xcd: {  	[tilespmem:$0x12150] =	vst v11;
	v8 =	vshrl.u32 v8, $0x1F;
	v16 =	vsub.s32 v57, v16;
	v15 =	vsub.s32 v34, v15  }
0xce: {  	[tilespmem:$0x120D0] =	vst v19;
	v19 =	vcvt.f32.s32 v22;
	v17 =	vcvt.f32.s32 v18;
	v16 =	vshrl.u32 v16, $0x1F  }
0xcf: {  	[tilespmem:$0x12080] =	vst v31;
	v15 =	vshrl.u32 v15, $0x1F;
	v14 =	vsub.s32 v61, v14;
	v13 =	vsub.s32 v35, v13  }
0xd0: {  	[tilespmem:$0x120B0] =	vst v26;
	v14 =	vshrl.u32 v14, $0x1F;
	v13 =	vshrl.u32 v13, $0x1F;
	v7 =	vsub.s32 v19, v7  }
0xd1: {  	[tilespmem:$0x12100] =	vst v16;
	v16 =	vsub.f32 v0, v5;
	v6 =	vsub.s32 v17, v6;
	v5 =	vtrunc.f32 v5  }
0xd2: {  	[tilespmem:$0x12110] =	vst v15;
	v15 =	vsub.f32 v0, v4;
	v4 =	vtrunc.f32 v4;
	v5 =	vcvt.f32.s32 v5  }
0xd3: {  	v7 =	vshrl.u32 v7, $0x1F;
	[tilespmem:$0x12120] =	vst v14;
	v4 =	vcvt.f32.s32 v4;
	v14 =	vtrunc.f32 v16  }
0xd4: {  	[tilespmem:$0x12130] =	vst v13;
	v6 =	vshrl.u32 v6, $0x1F;
	v12 =	vtrunc.f32 v15;
	v13 =	vcvt.f32.s32 v14  }
0xd5: {  	[tilespmem:$0x12160] =	vst v10;
	v14 =	vsub.f32 v0, v3;
	v11 =	vcvt.f32.s32 v12;
	v3 =	vtrunc.f32 v3  }
0xd6: {  	[tilespmem:$0x12170] =	vst v9;
	v12 =	vsub.f32 v0, v2;
	v2 =	vtrunc.f32 v2;
	v3 =	vcvt.f32.s32 v3  }
0xd7: {  	[tilespmem:$0x120C0] =	vst v25;
	v2 =	vcvt.f32.s32 v2;
	v5 =	vsub.s32 v13, v5;
	v10 =	vtrunc.f32 v14  }
0xd8: {  	[tilespmem:$0x12180] =	vst v8;
	v8 =	vtrunc.f32 v12;
	v9 =	vcvt.f32.s32 v10;
	v10 =	vsub.f32 v0, v1  }
0xd9: {  	[tilespmem:$0x12190] =	vst v7;
	v4 =	vsub.s32 v11, v4;
	v5 =	vshrl.u32 v5, $0x1F;
	v7 =	vcvt.f32.s32 v8  }
0xda: {  	[tilespmem:$0x121A0] =	vst v6;
	v4 =	vshrl.u32 v4, $0x1F;
	v1 =	vtrunc.f32 v1;
	v6 =	vtrunc.f32 v10  }
0xdb: {  	[tilespmem:$0x121B0] =	vst v5;
	v1 =	vcvt.f32.s32 v1;
	v3 =	vsub.s32 v9, v3;
	v5 =	vcvt.f32.s32 v6  }
0xdc: {  	s26 =	sshll.u32 s24, $0xA;
	[tilespmem:$0x121C0] =	vst v4;
	v2 =	vsub.s32 v7, v2;
	v3 =	vshrl.u32 v3, $0x1F  }
0xdd: {  	s2 =	sadd.s32 s5, s26;
	v2 =	vshrl.u32 v2, $0x1F;
	[tilespmem:$0x121D0] =	vst v3;
	v1 =	vsub.s32 v5, v1  }
0xde: {  	s2 =	sshrl.u32 s2, $0x3;
	[tilespmem:$0x121E0] =	vst v2;
	v1 =	vshrl.u32 v1, $0x1F  }
0xdf: {  	p1 =	seq.s32 s24, $0x12;
	s2 =	sadd.s32 s7, s2;
	[tilespmem:$0x121F0] =	vst v1  }
0xe0: {  	[hbm4b:s2+s4] =	stream.linear.scatter [tilespmem:s17], [sflag:$0x3], $0x200, $0x38;
	[tilespmem:$0x12400] =	vst v63  }
0xe1: {  	s2 =	sshll.u32 @!p1 s24, $0xD  }
0xe2: {  	s2 =	sadd.s32 @!p1 s2, s9  }
0xe3: {  	s28 =	simm.s32 @!p1 $0x800000;
	s2 =	sshrl.u32 @!p1 s2, $0x3  }
0xe4: {  	s29 =	simm.s32 @!p1 $0x2000;
	s26 =	simm.s32 @!p1 $0x1000;
	s2 =	sadd.s32 @!p1 s1, s2  }
0xe5: {  	[tilespmem:s29], [sflag:$0x1] =	stream.strided.gather @!p1 [hbm4b:s2+s26], $0x8000, s28, s26, $0x38;
	[tilespmem:$0x12400] =	vst v63  }
0xe6: {  	s2 =	simm.s32 $0x0;
	_ =	swait.ge [sflag:s18], $0x8000  }
0xe7: {  	s26 =	sand.u32 $0x7000, s2;
	s2 =	sand.u32 $0x380, s2;
	[sflag:s18] =	ssyncset.done $0x0  }
0xe8: {  	s26 =	sor.u32 s2, s26;
	[sflag:s18] =	ssyncadd.s32 $0xFFFF8000  }
0xe9: {  	v2 =	vld [tilespmem:s26+$0xAC70]  }
0xea: {  	s2 =	simm.s32 $0x0;
	v3 =	vld [tilespmem:s26+$0xA000]  }
0xeb: {  	v1 =	vld [tilespmem:s2+$0x0]  }
0xec: {  	v4 =	vld [tilespmem:s26+$0xA010]  }
0xed: {  	v5 =	vld [tilespmem:s26+$0xA020]  }
0xee: {  	v25 =	vld [tilespmem:s26+$0xA840]  }
0xef: {  	v26 =	vld [tilespmem:s26+$0xA850]  }
0xf0: {  	v27 =	vld [tilespmem:s26+$0xA860]  }
0xf1: {  	v28 =	vld [tilespmem:s26+$0xA870]  }
0xf2: {  	v33 =	vimm.f32 $0.0e+00;
	v29 =	vld [tilespmem:s26+$0xAC00]  }
0xf3: {  	v24 =	vimm.f32 $0.0e+00;
	v2 =	vcvt.s32.f32 v2;
	v3 =	vcvt.s32.f32 v3  }
0xf4: {  	v32 =	vimm.f32 $0.0e+00;
	v7 =	vld [tilespmem:s26+$0xA030];
	v4 =	vcvt.s32.f32 v4;
	v5 =	vcvt.s32.f32 v5  }
0xf5: {  	v30 =	vimm.f32 $0.0e+00;
	v8 =	vld [tilespmem:s26+$0xA040];
	v25 =	vcvt.s32.f32 v25;
	v26 =	vcvt.s32.f32 v26  }
0xf6: {  	v31 =	vimm.f32 $0.0e+00;
	v9 =	vld [tilespmem:s26+$0xA050];
	v27 =	vcvt.s32.f32 v27;
	v40 =	vcvt.s32.f32 v28  }
0xf7: {  	v10 =	vld [tilespmem:s26+$0xA060];
	v42 =	vcvt.s32.f32 v29;
	v29 =	vimm.f32 $0.0e+00;
	v2 =	vmul.f32 v2, v1  }
0xf8: {  	v11 =	vld [tilespmem:s26+$0xA070];
	v28 =	vimm.f32 $0.0e+00;
	v3 =	vmul.f32 v3, v1;
	v25 =	vmul.f32 v25, v1  }
0xf9: {  	v12 =	vld [tilespmem:s26+$0xA400];
	v6 =	vadd.f32 v2, v24;
	v2 =	vmul.f32 v4, v1;
	v4 =	vcvt.s32.f32 v7  }
0xfa: {  	v13 =	vld [tilespmem:s26+$0xA410];
	v7 =	vadd.f32 v3, v24;
	v3 =	vmul.f32 v5, v1;
	v5 =	vcvt.s32.f32 v8  }
0xfb: {  	v14 =	vld [tilespmem:s26+$0xA420];
	v8 =	vadd.f32 v2, v24;
	v2 =	vmul.f32 v4, v1;
	v4 =	vcvt.s32.f32 v9  }
0xfc: {  	v15 =	vld [tilespmem:s26+$0xA430];
	v9 =	vadd.f32 v3, v24;
	v3 =	vmul.f32 v5, v1;
	v5 =	vcvt.s32.f32 v10  }
0xfd: {  	v16 =	vld [tilespmem:s26+$0xA440];
	v10 =	vadd.f32 v2, v24;
	v2 =	vmul.f32 v4, v1;
	v4 =	vcvt.s32.f32 v11  }
0xfe: {  	v17 =	vld [tilespmem:s26+$0xA450];
	v11 =	vadd.f32 v3, v24;
	v3 =	vmul.f32 v5, v1;
	v5 =	vcvt.s32.f32 v12  }
0xff: {  	v18 =	vld [tilespmem:s26+$0xA460];
	v12 =	vadd.f32 v2, v24;
	v2 =	vmul.f32 v4, v1;
	v4 =	vcvt.s32.f32 v13  }
0x100: {  	v19 =	vld [tilespmem:s26+$0xA470];
	v13 =	vadd.f32 v3, v24;
	v3 =	vmul.f32 v5, v1;
	v5 =	vcvt.s32.f32 v14  }
0x101: {  	v20 =	vld [tilespmem:s26+$0xA800];
	v14 =	vadd.f32 v2, v24;
	v2 =	vmul.f32 v4, v1;
	v4 =	vcvt.s32.f32 v15  }
0x102: {  	v21 =	vld [tilespmem:s26+$0xA810];
	v15 =	vadd.f32 v3, v24;
	v3 =	vmul.f32 v5, v1;
	v5 =	vcvt.s32.f32 v16  }
0x103: {  	v22 =	vld [tilespmem:s26+$0xA820];
	v16 =	vadd.f32 v2, v24;
	v2 =	vmul.f32 v4, v1;
	v4 =	vcvt.s32.f32 v17  }
0x104: {  	v23 =	vld [tilespmem:s26+$0xA830];
	v17 =	vadd.f32 v3, v24;
	v3 =	vmul.f32 v5, v1;
	v5 =	vcvt.s32.f32 v18  }
0x105: {  	v18 =	vadd.f32 v2, v24;
	v2 =	vmul.f32 v4, v1;
	v4 =	vcvt.s32.f32 v19  }
0x106: {  	v19 =	vadd.f32 v3, v24;
	v3 =	vmul.f32 v5, v1;
	v5 =	vcvt.s32.f32 v20  }
0x107: {  	v20 =	vadd.f32 v2, v24;
	v2 =	vmul.f32 v4, v1;
	v4 =	vcvt.s32.f32 v21  }
0x108: {  	v21 =	vadd.f32 v3, v24;
	v3 =	vmul.f32 v5, v1;
	v5 =	vcvt.s32.f32 v22  }
0x109: {  	v38 =	vld [tilespmem:s26+$0xAC10];
	v22 =	vadd.f32 v2, v24;
	v2 =	vmul.f32 v4, v1;
	v4 =	vcvt.s32.f32 v23  }
0x10a: {  	v37 =	vld [tilespmem:s26+$0xAC20];
	v34 =	vmul.f32 v26, v1;
	v23 =	vadd.f32 v3, v24;
	v3 =	vmul.f32 v5, v1  }
0x10b: {  	v35 =	vld [tilespmem:s26+$0xAC30];
	v41 =	vmul.f32 v27, v1;
	v27 =	vimm.f32 $0.0e+00;
	v4 =	vmul.f32 v4, v1  }
0x10c: {  	s28 =	simm.s32 $0x200;
	s29 =	simm.s32 $0x80;
	v36 =	vld [tilespmem:s26+$0xAC40];
	v26 =	vimm.f32 $0.0e+00;
	v5 =	vadd.f32 v2, v24;
	v2 =	vadd.f32 v3, v24  }
0x10d: {  	s30 =	simm.s32 $0x400;
	s31 =	sand.u32 $0x7000, s28;
	s2 =	sand.u32 $0x380, s29;
	v39 =	vld [tilespmem:s26+$0xAC50];
	v3 =	vadd.f32 v4, v24;
	v4 =	vadd.f32 v25, v24;
	v25 =	vimm.f32 $0.0e+00  }
.LBB2_7:
0x10e: {  	p1 =	sne.s32 s30, $0x7E00;
	v24 =	vadd.f32 v34, v24;
	v34 =	vmul.f32 v40, v1;
	v38 =	vcvt.s32.f32 v38;
	v40 =	vld [tilespmem:s26+$0xAC60];
	s26 =	sor.u32 s2, s31  }
0x10f: {  	v43 =	vld [tilespmem:s26+$0xAC70];
	v33 =	vadd.f32 v41, v33;
	v41 =	vmul.f32 v42, v1;
	v37 =	vcvt.s32.f32 v37  }
0x110: {  	s2 =	sshra.s32 s28, $0x2;
	s28 =	smov.u32 s30;
	v42 =	vld [tilespmem:s26+$0xA000];
	v32 =	vadd.f32 v34, v32;
	v34 =	vmul.f32 v38, v1;
	v35 =	vcvt.s32.f32 v35  }
0x111: {  	v38 =	vld [tilespmem:s2+$0x0];
	v30 =	vadd.f32 v41, v30;
	v37 =	vmul.f32 v37, v1;
	v36 =	vcvt.s32.f32 v36  }
0x112: {  	v41 =	vld [tilespmem:s26+$0xA010];
	v31 =	vadd.f32 v34, v31;
	v34 =	vmul.f32 v35, v1;
	v35 =	vcvt.s32.f32 v39  }
0x113: {  	v39 =	vld [tilespmem:s26+$0xA020];
	v29 =	vadd.f32 v37, v29;
	v36 =	vmul.f32 v36, v1;
	v37 =	vcvt.s32.f32 v40  }
0x114: {  	v40 =	vld [tilespmem:s26+$0xA030];
	v43 =	vcvt.s32.f32 v43;
	v27 =	vadd.f32 v34, v27;
	v34 =	vmul.f32 v35, v1  }
0x115: {  	v35 =	vcvt.s32.f32 v42;
	v42 =	vld [tilespmem:s26+$0xA040];
	v28 =	vadd.f32 v36, v28;
	v36 =	vmul.f32 v37, v1  }
0x116: {  	v37 =	vld [tilespmem:s26+$0xA050];
	v43 =	vmul.f32 v43, v38;
	v26 =	vadd.f32 v34, v26;
	v1 =	vmov v38  }
0x117: {  	v34 =	vmul.f32 v35, v1;
	v35 =	vcvt.s32.f32 v41;
	v38 =	vld [tilespmem:s26+$0xA060];
	v25 =	vadd.f32 v36, v25  }
0x118: {  	v36 =	vcvt.s32.f32 v39;
	v39 =	vld [tilespmem:s26+$0xA070];
	v6 =	vadd.f32 v43, v6  }
0x119: {  	v7 =	vadd.f32 v34, v7;
	v34 =	vmul.f32 v35, v1;
	v35 =	vcvt.s32.f32 v40;
	v40 =	vld [tilespmem:s26+$0xA400]  }
0x11a: {  	v36 =	vmul.f32 v36, v1;
	v41 =	vcvt.s32.f32 v42;
	v42 =	vld [tilespmem:s26+$0xA410]  }
0x11b: {  	v8 =	vadd.f32 v34, v8;
	v34 =	vmul.f32 v35, v1;
	v35 =	vcvt.s32.f32 v37;
	v37 =	vld [tilespmem:s26+$0xA420]  }
0x11c: {  	v9 =	vadd.f32 v36, v9;
	v36 =	vmul.f32 v41, v1;
	v38 =	vcvt.s32.f32 v38;
	v41 =	vld [tilespmem:s26+$0xA430]  }
0x11d: {  	v10 =	vadd.f32 v34, v10;
	v34 =	vmul.f32 v35, v1;
	v35 =	vcvt.s32.f32 v39;
	v39 =	vld [tilespmem:s26+$0xA440]  }
0x11e: {  	v11 =	vadd.f32 v36, v11;
	v36 =	vmul.f32 v38, v1;
	v38 =	vcvt.s32.f32 v40;
	v40 =	vld [tilespmem:s26+$0xA450]  }
0x11f: {  	v12 =	vadd.f32 v34, v12;
	v34 =	vmul.f32 v35, v1;
	v35 =	vcvt.s32.f32 v42;
	v42 =	vld [tilespmem:s26+$0xA460]  }
0x120: {  	v13 =	vadd.f32 v36, v13;
	v36 =	vmul.f32 v38, v1;
	v37 =	vcvt.s32.f32 v37;
	v38 =	vld [tilespmem:s26+$0xA470]  }
0x121: {  	v14 =	vadd.f32 v34, v14;
	v34 =	vmul.f32 v35, v1;
	v35 =	vcvt.s32.f32 v41;
	v41 =	vld [tilespmem:s26+$0xA800]  }
0x122: {  	v15 =	vadd.f32 v36, v15;
	v36 =	vmul.f32 v37, v1;
	v37 =	vcvt.s32.f32 v39;
	v39 =	vld [tilespmem:s26+$0xA810]  }
0x123: {  	v16 =	vadd.f32 v34, v16;
	v34 =	vmul.f32 v35, v1;
	v35 =	vcvt.s32.f32 v40;
	v40 =	vld [tilespmem:s26+$0xA820]  }
0x124: {  	v17 =	vadd.f32 v36, v17;
	v36 =	vmul.f32 v37, v1;
	v37 =	vcvt.s32.f32 v42;
	v42 =	vld [tilespmem:s26+$0xA830]  }
0x125: {  	v18 =	vadd.f32 v34, v18;
	v34 =	vmul.f32 v35, v1;
	v35 =	vcvt.s32.f32 v38;
	v38 =	vld [tilespmem:s26+$0xA840]  }
0x126: {  	v19 =	vadd.f32 v36, v19;
	v36 =	vmul.f32 v37, v1;
	v37 =	vcvt.s32.f32 v41;
	v41 =	vld [tilespmem:s26+$0xA850]  }
0x127: {  	v20 =	vadd.f32 v34, v20;
	v34 =	vmul.f32 v35, v1;
	v35 =	vcvt.s32.f32 v39;
	v39 =	vld [tilespmem:s26+$0xA860]  }
0x128: {  	v21 =	vadd.f32 v36, v21;
	v36 =	vmul.f32 v37, v1;
	v37 =	vcvt.s32.f32 v40;
	v40 =	vld [tilespmem:s26+$0xA870]  }
0x129: {  	v22 =	vadd.f32 v34, v22;
	v34 =	vmul.f32 v35, v1;
	v35 =	vcvt.s32.f32 v42;
	v42 =	vld [tilespmem:s26+$0xAC00]  }
.Ltmp2:
0x12a: {  	v23 =	vadd.f32 v36, v23;
	v36 =	vmul.f32 v37, v1;
	v43 =	vcvt.s32.f32 v38;
	v38 =	vld [tilespmem:s26+$0xAC10];
	(pc) =	sbr.rel @p1 .LBB2_7-.Ltmp2, $4  }
0x12b: {  	v5 =	vadd.f32 v34, v5;
	v34 =	vmul.f32 v35, v1;
	v41 =	vcvt.s32.f32 v41;
	v37 =	vld [tilespmem:s26+$0xAC20]  }
0x12c: {  	v2 =	vadd.f32 v36, v2;
	v43 =	vmul.f32 v43, v1;
	v39 =	vcvt.s32.f32 v39;
	v35 =	vld [tilespmem:s26+$0xAC30]  }
0x12d: {  	s29 =	sadd.s32 $0x80, s29;
	v3 =	vadd.f32 v34, v3;
	v34 =	vmul.f32 v41, v1;
	v40 =	vcvt.s32.f32 v40;
	v36 =	vld [tilespmem:s26+$0xAC40]  }
0x12e: {  	s30 =	sadd.s32 $0x200, s30;
	s31 =	sand.u32 $0x7000, s28;
	s2 =	sand.u32 $0x380, s29;
	v4 =	vadd.f32 v43, v4;
	v41 =	vmul.f32 v39, v1;
	v42 =	vcvt.s32.f32 v42;
	v39 =	vld [tilespmem:s26+$0xAC50]  }
0x12f: {  	s29 =	sor.u32 s2, s31;
	v43 =	vld [tilespmem:s26+$0xAC60]  }
0x130: {  	v44 =	vld [tilespmem:s29+$0xAC70]  }
0x131: {  	v40 =	vmul.f32 v40, v1;
	s30 =	sshra.s32 s28, $0x2;
	v45 =	vld [tilespmem:s29+$0xA000]  }
0x132: {  	v34 =	vadd.f32 v34, v24;
	v38 =	vcvt.s32.f32 v38;
	v51 =	vmul.f32 v42, v1;
	v24 =	vld [tilespmem:s30+$0x0]  }
0x133: {  	v37 =	vcvt.s32.f32 v37;
	v52 =	vld [tilespmem:s29+$0xA010];
	v35 =	vcvt.s32.f32 v35  }
0x134: {  	v53 =	vld [tilespmem:s29+$0xA020];
	v38 =	vmul.f32 v38, v1;
	v36 =	vcvt.s32.f32 v36  }
0x135: {  	v55 =	vld [tilespmem:s29+$0xA030];
	v37 =	vmul.f32 v37, v1;
	v35 =	vmul.f32 v35, v1  }
0x136: {  	v58 =	vld [tilespmem:s29+$0xA040];
	v54 =	vcvt.s32.f32 v39;
	v56 =	vmul.f32 v36, v1  }
0x137: {  	v61 =	vld [tilespmem:s29+$0xA050];
	v57 =	vcvt.s32.f32 v43;
	v59 =	vcvt.s32.f32 v44  }
0x138: {  	v33 =	vadd.f32 v41, v33;
	v63 =	vld [tilespmem:s29+$0xA060];
	v60 =	vmul.f32 v54, v1;
	v62 =	vcvt.s32.f32 v45  }
0x139: {  	v49 =	vld [tilespmem:s29+$0xA070];
	v30 =	vadd.f32 v51, v30;
	v48 =	vcvt.s32.f32 v52;
	v50 =	vcvt.s32.f32 v53  }
0x13a: {  	v51 =	vld [tilespmem:s29+$0xA400];
	v37 =	vadd.f32 v37, v29;
	v53 =	vcvt.s32.f32 v55;
	v1 =	vmul.f32 v57, v1  }
0x13b: {  	v29 =	vadd.f32 v56, v28;
	v56 =	vcvt.s32.f32 v58;
	v43 =	vmul.f32 v59, v24  }
0x13c: {  	v32 =	vadd.f32 v40, v32;
	v54 =	vld [tilespmem:s29+$0xA410];
	v28 =	vmul.f32 v62, v24;
	v52 =	vmul.f32 v48, v24  }
0x13d: {  	v31 =	vadd.f32 v38, v31;
	v57 =	vld [tilespmem:s29+$0xA420];
	v55 =	vmul.f32 v50, v24;
	v58 =	vmul.f32 v53, v24  }
0x13e: {  	v44 =	vadd.f32 v60, v26;
	v59 =	vcvt.s32.f32 v61;
	v60 =	vld [tilespmem:s29+$0xA430];
	v62 =	vcvt.s32.f32 v63  }
0x13f: {  	v35 =	vadd.f32 v35, v27;
	v48 =	vcvt.s32.f32 v49;
	v49 =	vld [tilespmem:s29+$0xA450];
	v51 =	vcvt.s32.f32 v51  }
0x140: {  	v40 =	vadd.f32 v1, v25;
	v61 =	vmul.f32 v56, v24;
	v25 =	vld [tilespmem:s29+$0xA440];
	v42 =	vadd.f32 v52, v8  }
0x141: {  	v38 =	vadd.f32 v55, v9;
	v63 =	vmul.f32 v59, v24;
	v50 =	vmul.f32 v62, v24;
	v52 =	vld [tilespmem:s29+$0xA460]  }
0x142: {  	v36 =	vadd.f32 v58, v10;
	v53 =	vmul.f32 v48, v24;
	v55 =	vld [tilespmem:s29+$0xA470];
	v54 =	vcvt.s32.f32 v54  }
0x143: {  	v56 =	vmul.f32 v51, v24;
	v58 =	vld [tilespmem:s29+$0xA800];
	v45 =	vadd.f32 v61, v11;
	v57 =	vcvt.s32.f32 v57  }
0x144: {  	v61 =	vld [tilespmem:s29+$0xA810];
	v41 =	vadd.f32 v63, v12;
	v59 =	vmul.f32 v54, v24;
	v60 =	vcvt.s32.f32 v60  }
0x145: {  	v47 =	vadd.f32 v56, v15;
	v15 =	vld [tilespmem:s29+$0xA820];
	v49 =	vcvt.s32.f32 v49;
	v62 =	vmul.f32 v57, v24  }
0x146: {  	v39 =	vadd.f32 v50, v13;
	v50 =	vld [tilespmem:s29+$0xA830];
	v63 =	vcvt.s32.f32 v25;
	v48 =	vmul.f32 v60, v24  }
0x147: {  	v46 =	vadd.f32 v53, v14;
	v53 =	vld [tilespmem:s29+$0xA840];
	v52 =	vcvt.s32.f32 v52;
	v54 =	vmul.f32 v49, v24  }
0x148: {  	v1 =	vadd.f32 v43, v6;
	v56 =	vld [tilespmem:s29+$0xA850];
	v55 =	vcvt.s32.f32 v55;
	v58 =	vcvt.s32.f32 v58  }
0x149: {  	v43 =	vadd.f32 v28, v7;
	v51 =	vmul.f32 v63, v24;
	v61 =	vcvt.s32.f32 v61  }
0x14a: {  	v28 =	vadd.f32 v59, v16;
	v57 =	vmul.f32 v52, v24;
	v60 =	vmul.f32 v55, v24  }
0x14b: {  	v59 =	vld [tilespmem:s29+$0xA860];
	v27 =	vadd.f32 v62, v17;
	v63 =	vmul.f32 v58, v24;
	v14 =	vcvt.s32.f32 v15  }
0x14c: {  	v26 =	vadd.f32 v48, v18;
	v50 =	vcvt.s32.f32 v50;
	v53 =	vcvt.s32.f32 v53  }
0x14d: {  	v62 =	vld [tilespmem:s29+$0xA870];
	v56 =	vcvt.s32.f32 v56;
	v25 =	vadd.f32 v51, v19;
	v49 =	vmul.f32 v61, v24  }
0x14e: {  	v48 =	vld [tilespmem:s29+$0xAC00];
	v18 =	vadd.f32 v57, v21;
	v17 =	vadd.f32 v60, v22;
	v52 =	vmul.f32 v14, v24  }
0x14f: {  	v16 =	vadd.f32 v63, v23;
	v55 =	vmul.f32 v50, v24;
	v50 =	vsub.f32 v0, v42  }
0x150: {  	v51 =	vld [tilespmem:s29+$0xAC10];
	v15 =	vadd.f32 v49, v5;
	v58 =	vcvt.s32.f32 v59;
	v14 =	vadd.f32 v52, v2  }
0x151: {  	v57 =	vld [tilespmem:s29+$0xAC30];
	v2 =	vmul.f32 v53, v24;
	v13 =	vadd.f32 v55, v3;
	v3 =	vmul.f32 v56, v24  }
0x152: {  	v63 =	vld [tilespmem:s29+$0xAC60];
	v60 =	vcvt.s32.f32 v62;
	v22 =	vtrunc.f32 v50;
	v56 =	vsub.f32 v0, v36  }
0x153: {  	v62 =	vcvt.s32.f32 v48;
	v22 =	vcvt.f32.s32 v22;
	v12 =	vadd.f32 v2, v4  }
0x154: {  	v2 =	vmul.f32 v58, v24;
	v11 =	vadd.f32 v3, v34;
	v3 =	vmul.f32 v60, v24  }
0x155: {  	v19 =	vadd.f32 v54, v20;
	v54 =	vld [tilespmem:s29+$0xAC20];
	v21 =	vcvt.s32.f32 v51;
	v23 =	vtrunc.f32 v56  }
0x156: {  	v59 =	vld [tilespmem:s29+$0xAC40];
	v56 =	vsub.f32 v0, v15;
	v15 =	vtrunc.f32 v15;
	v34 =	vcvt.s32.f32 v57  }
0x157: {  	v49 =	vsub.f32 v0, v43;
	v20 =	vcvt.s32.f32 v63;
	v57 =	vtrunc.f32 v36  }
0x158: {  	v52 =	vsub.f32 v0, v38;
	v23 =	vcvt.f32.s32 v23;
	v36 =	vtrunc.f32 v39  }
0x159: {  	v63 =	vsub.f32 v0, v39;
	v39 =	vtrunc.f32 v46;
	v15 =	vcvt.f32.s32 v15  }
0x15a: {  	v10 =	vadd.f32 v2, v33;
	v2 =	vmul.f32 v62, v24;
	v33 =	vcvt.s32.f32 v54  }
0x15b: {  	v9 =	vadd.f32 v3, v32;
	v3 =	vmul.f32 v21, v24;
	v48 =	vcvt.s32.f32 v59  }
0x15c: {  	v58 =	vsub.f32 v0, v45;
	v21 =	vtrunc.f32 v49;
	v54 =	vtrunc.f32 v38  }
0x15d: {  	v60 =	vsub.f32 v0, v41;
	v59 =	vtrunc.f32 v45;
	v62 =	vtrunc.f32 v41  }
0x15e: {  	v38 =	vcvt.f32.s32 v36;
	v41 =	vtrunc.f32 v47;
	v45 =	vsub.f32 v0, v26  }
0x15f: {  	v26 =	vtrunc.f32 v26;
	v49 =	vsub.f32 v0, v19;
	v19 =	vtrunc.f32 v19  }
0x160: {  	v36 =	vsub.f32 v0, v11;
	v11 =	vtrunc.f32 v11;
	v5 =	vmul.f32 v34, v24  }
0x161: {  	v61 =	vld [tilespmem:s29+$0xAC50];
	v20 =	vmul.f32 v20, v24;
	v21 =	vcvt.f32.s32 v21  }
0x162: {  	v55 =	vcvt.f32.s32 v54;
	v32 =	vtrunc.f32 v63  }
0x163: {  	v26 =	vcvt.f32.s32 v26;
	v19 =	vcvt.f32.s32 v19  }
0x164: {  	v54 =	vsub.f32 v0, v17;
	v17 =	vtrunc.f32 v17;
	v63 =	vsub.f32 v0, v12  }
0x165: {  	v12 =	vtrunc.f32 v12;
	v11 =	vcvt.f32.s32 v11;
	v8 =	vadd.f32 v2, v30  }
0x166: {  	v2 =	vmul.f32 v33, v24;
	v7 =	vadd.f32 v3, v31;
	v3 =	vcvt.s32.f32 v61  }
0x167: {  	v4 =	vmul.f32 v48, v24;
	v61 =	vcvt.f32.s32 v59  }
0x168: {  	v31 =	vtrunc.f32 v60;
	v30 =	vcvt.f32.s32 v62  }
0x169: {  	v32 =	vcvt.f32.s32 v32;
	v33 =	vcvt.f32.s32 v39;
	v48 =	vsub.f32 v0, v25  }
0x16a: {  	v25 =	vtrunc.f32 v25;
	v17 =	vcvt.f32.s32 v17;
	v59 =	vsub.f32 v0, v14  }
0x16b: {  	v14 =	vtrunc.f32 v14;
	v60 =	vsub.f32 v0, v13;
	v13 =	vtrunc.f32 v13  }
0x16c: {  	v12 =	vcvt.f32.s32 v12;
	v31 =	vcvt.f32.s32 v31  }
0x16d: {  	v25 =	vcvt.f32.s32 v25;
	v14 =	vcvt.f32.s32 v14  }
0x16e: {  	v13 =	vcvt.f32.s32 v13;
	v6 =	vadd.f32 v2, v37;
	v2 =	vmul.f32 v3, v24  }
0x16f: {  	v3 =	vtrunc.f32 v43;
	v4 =	vadd.f32 v4, v29;
	v24 =	vtrunc.f32 v52  }
0x170: {  	v29 =	vtrunc.f32 v58;
	v43 =	vsub.f32 v0, v28;
	v28 =	vtrunc.f32 v28  }
0x171: {  	v52 =	vsub.f32 v0, v18;
	v18 =	vtrunc.f32 v18;
	v58 =	vtrunc.f32 v56  }
0x172: {  	v62 =	vtrunc.f32 v60;
	v60 =	vsub.f32 v0, v1;
	v1 =	vtrunc.f32 v1  }
0x173: {  	v51 =	vcvt.f32.s32 v3;
	v3 =	vtrunc.f32 v42  }
0x174: {  	v37 =	vsub.f32 v0, v46;
	v24 =	vcvt.f32.s32 v24;
	v29 =	vcvt.f32.s32 v29  }
0x175: {  	v30 =	vsub.s32 v31, v30;
	v31 =	vcvt.f32.s32 v41;
	v28 =	vcvt.f32.s32 v28  }
0x176: {  	v18 =	vcvt.f32.s32 v18;
	v41 =	vsub.f32 v0, v8;
	v8 =	vtrunc.f32 v8  }
0x177: {  	v5 =	vadd.f32 v5, v35;
	v1 =	vcvt.f32.s32 v1;
	v53 =	vcvt.f32.s32 v3  }
0x178: {  	v3 =	vadd.f32 v2, v44;
	v2 =	vadd.f32 v20, v40;
	v34 =	vtrunc.f32 v37  }
0x179: {  	v40 =	vsub.f32 v0, v47;
	v30 =	vshrl.u32 v30, $0x1F;
	v44 =	vsub.f32 v0, v27  }
0x17a: {  	v27 =	vtrunc.f32 v27;
	v47 =	vtrunc.f32 v45;
	v37 =	vsub.f32 v0, v10  }
0x17b: {  	v10 =	vtrunc.f32 v10;
	v8 =	vcvt.f32.s32 v8;
	v45 =	vsub.f32 v0, v6  }
0x17c: {  	v6 =	vtrunc.f32 v6;
	v20 =	vsub.s32 v24, v55;
	v24 =	vcvt.f32.s32 v57  }
0x17d: {  	v21 =	vsub.s32 v21, v51;
	v34 =	vcvt.f32.s32 v34;
	v27 =	vcvt.f32.s32 v27  }
0x17e: {  	v51 =	vtrunc.f32 v49;
	v55 =	vsub.f32 v0, v16;
	v16 =	vtrunc.f32 v16  }
0x17f: {  	v10 =	vcvt.f32.s32 v10;
	v6 =	vcvt.f32.s32 v6;
	v49 =	vsub.f32 v0, v5  }
0x180: {  	v5 =	vtrunc.f32 v5;
	v22 =	vsub.s32 v22, v53;
	v21 =	vshrl.u32 v21, $0x1F  }
0x181: {  	s2 =	simm.s32 @!p0 $0x4;
	v20 =	vshrl.u32 v20, $0x1F;
	v35 =	vtrunc.f32 v40;
	v53 =	vtrunc.f32 v52  }
0x182: {  	_ =	swait.ge @!p0 [sflag:s2], $0x200;
	v16 =	vcvt.f32.s32 v16;
	v5 =	vcvt.f32.s32 v5;
	v22 =	vshrl.u32 v22, $0x1F  }
0x183: {  	[sflag:s2] =	ssyncset.done @!p0 $0x0;
	v23 =	vsub.s32 v23, v24;
	v24 =	vsub.s32 v29, v61;
	v35 =	vcvt.f32.s32 v35  }
0x184: {  	[sflag:s2] =	ssyncadd.s32 @!p0 $0xFFFFFE00;
	v29 =	vsub.s32 v32, v38;
	v42 =	vsub.s32 v34, v33;
	v33 =	vtrunc.f32 v43  }
0x185: {  	v34 =	vtrunc.f32 v44;
	[tilespmem:$0x12220] =	vst v20;
	v20 =	vtrunc.f32 v36;
	v38 =	vsub.f32 v0, v9  }
0x186: {  	v9 =	vtrunc.f32 v9;
	v23 =	vshrl.u32 v23, $0x1F;
	v33 =	vcvt.f32.s32 v33  }
0x187: {  	v24 =	vshrl.u32 v24, $0x1F;
	v46 =	vcvt.f32.s32 v34;
	v34 =	vcvt.f32.s32 v47  }
0x188: {  	v32 =	vshrl.u32 v42, $0x1F;
	v20 =	vcvt.f32.s32 v20;
	v9 =	vcvt.f32.s32 v9  }
0x189: {  	[tilespmem:$0x12210] =	vst v22;
	v22 =	vtrunc.f32 v41;
	v42 =	vsub.f32 v0, v7;
	v7 =	vtrunc.f32 v7  }
0x18a: {  	v47 =	vtrunc.f32 v45;
	v31 =	vsub.s32 v35, v31;
	v35 =	vtrunc.f32 v48  }
0x18b: {  	v29 =	vshrl.u32 v29, $0x1F;
	v43 =	vcvt.f32.s32 v22;
	v7 =	vcvt.f32.s32 v7  }
0x18c: {  	v48 =	vcvt.f32.s32 v47;
	v31 =	vshrl.u32 v31, $0x1F;
	v28 =	vsub.s32 v33, v28  }
0x18d: {  	[tilespmem:$0x12250] =	vst v30;
	v27 =	vsub.s32 v46, v27;
	v50 =	vcvt.f32.s32 v35;
	v35 =	vcvt.f32.s32 v51  }
0x18e: {  	[tilespmem:$0x12200] =	vst v21;
	v26 =	vsub.s32 v34, v26;
	v34 =	vcvt.f32.s32 v53;
	v33 =	vtrunc.f32 v54  }
0x18f: {  	[tilespmem:$0x12230] =	vst v23;
	v11 =	vsub.s32 v20, v11;
	v44 =	vtrunc.f32 v42;
	v51 =	vsub.f32 v0, v4  }
0x190: {  	[tilespmem:$0x12240] =	vst v24;
	v4 =	vtrunc.f32 v4;
	v54 =	vsub.f32 v0, v3;
	v3 =	vtrunc.f32 v3  }
0x191: {  	[tilespmem:$0x12260] =	vst v29;
	v28 =	vshrl.u32 v28, $0x1F;
	v27 =	vshrl.u32 v27, $0x1F;
	v26 =	vshrl.u32 v26, $0x1F  }
0x192: {  	[tilespmem:$0x12270] =	vst v32;
	v33 =	vcvt.f32.s32 v33;
	v11 =	vshrl.u32 v11, $0x1F;
	v46 =	vcvt.f32.s32 v44  }
0x193: {  	[tilespmem:$0x12280] =	vst v31;
	v8 =	vsub.s32 v43, v8;
	v6 =	vsub.s32 v48, v6;
	v4 =	vcvt.f32.s32 v4  }
0x194: {  	v3 =	vcvt.f32.s32 v3;
	v25 =	vsub.s32 v50, v25;
	v19 =	vsub.s32 v35, v19;
	[tilespmem:$0x12290] =	vst v28  }
0x195: {  	v18 =	vsub.s32 v34, v18;
	v34 =	vtrunc.f32 v55;
	v35 =	vtrunc.f32 v59;
	[tilespmem:$0x122A0] =	vst v27  }
0x196: {  	[tilespmem:$0x122B0] =	vst v26;
	v8 =	vshrl.u32 v8, $0x1F;
	v50 =	vtrunc.f32 v49;
	v6 =	vshrl.u32 v6, $0x1F  }
0x197: {  	v53 =	vtrunc.f32 v51;
	[tilespmem:$0x12350] =	vst v11;
	v56 =	vtrunc.f32 v54;
	v25 =	vshrl.u32 v25, $0x1F  }
0x198: {  	v19 =	vshrl.u32 v19, $0x1F;
	v57 =	vcvt.f32.s32 v34;
	v34 =	vcvt.f32.s32 v58;
	[tilespmem:$0x12380] =	vst v8  }
0x199: {  	v18 =	vshrl.u32 v18, $0x1F;
	v61 =	vcvt.f32.s32 v35;
	v35 =	vcvt.f32.s32 v62;
	[tilespmem:$0x123A0] =	vst v6  }
0x19a: {  	v17 =	vsub.s32 v33, v17;
	v52 =	vcvt.f32.s32 v50;
	v55 =	vcvt.f32.s32 v53;
	[tilespmem:$0x122C0] =	vst v25  }
0x19b: {  	v7 =	vsub.s32 v46, v7;
	v58 =	vcvt.f32.s32 v56;
	v62 =	vtrunc.f32 v60;
	[tilespmem:$0x122D0] =	vst v19  }
0x19c: {  	v17 =	vshrl.u32 v17, $0x1F;
	[tilespmem:$0x122E0] =	vst v18;
	v7 =	vshrl.u32 v7, $0x1F;
	v16 =	vsub.s32 v57, v16  }
0x19d: {  	v15 =	vsub.s32 v34, v15;
	v34 =	vtrunc.f32 v63;
	v14 =	vsub.s32 v61, v14;
	[tilespmem:$0x122F0] =	vst v17  }
0x19e: {  	v13 =	vsub.s32 v35, v13;
	v5 =	vsub.s32 v52, v5;
	[tilespmem:$0x12390] =	vst v7;
	v16 =	vshrl.u32 v16, $0x1F  }
0x19f: {  	v57 =	vsub.f32 v0, v2;
	v2 =	vtrunc.f32 v2;
	v15 =	vshrl.u32 v15, $0x1F;
	[tilespmem:$0x12300] =	vst v16  }
0x1a0: {  	v4 =	vsub.s32 v55, v4;
	v3 =	vsub.s32 v58, v3;
	v14 =	vshrl.u32 v14, $0x1F;
	[tilespmem:$0x12310] =	vst v15  }
0x1a1: {  	v63 =	vcvt.f32.s32 v62;
	v21 =	vcvt.f32.s32 v34;
	v13 =	vshrl.u32 v13, $0x1F;
	[tilespmem:$0x12320] =	vst v14  }
0x1a2: {  	v5 =	vshrl.u32 v5, $0x1F;
	v2 =	vcvt.f32.s32 v2;
	v4 =	vshrl.u32 v4, $0x1F;
	[tilespmem:$0x12330] =	vst v13  }
0x1a3: {  	v3 =	vshrl.u32 v3, $0x1F;
	v59 =	vtrunc.f32 v57;
	[tilespmem:$0x123B0] =	vst v5;
	v1 =	vsub.s32 v63, v1  }
0x1a4: {  	[tilespmem:$0x123C0] =	vst v4;
	v12 =	vsub.s32 v21, v12;
	v21 =	vtrunc.f32 v37;
	v61 =	vcvt.f32.s32 v59  }
0x1a5: {  	s24 =	sadd.s32 $0x1, s24;
	v40 =	vtrunc.f32 v38;
	[tilespmem:$0x123D0] =	vst v3;
	v1 =	vshrl.u32 v1, $0x1F;
	v39 =	vcvt.f32.s32 v21  }
0x1a6: {  	p0 =	sne.s32 s24, $0x13;
	v12 =	vshrl.u32 v12, $0x1F;
	v21 =	vcvt.f32.s32 v40;
	[tilespmem:$0x123F0] =	vst v1;
	v2 =	vsub.s32 v61, v2  }
.Ltmp3:
0x1a7: {  	s31 =	sshll.u32 s25, $0x9;
	[tilespmem:$0x12340] =	vst v12;
	v10 =	vsub.s32 v39, v10;
	v2 =	vshrl.u32 v2, $0x1F;
	(pc) =	sbr.rel @p0 .LBB2_4-.Ltmp3, $4  }
0x1a8: {  	s2 =	sadd.s32 s5, s31;
	v9 =	vsub.s32 v21, v9;
	v10 =	vshrl.u32 v10, $0x1F;
	[tilespmem:$0x123E0] =	vst v2  }
0x1a9: {  	s2 =	sshrl.u32 s2, $0x3;
	v9 =	vshrl.u32 v9, $0x1F;
	[tilespmem:$0x12360] =	vst v10  }
0x1aa: {  	s2 =	sadd.s32 s7, s2;
	[tilespmem:$0x12370] =	vst v9  }
0x1ab: {  	[hbm4b:s2+s4] =	stream.linear.scatter [tilespmem:s19], [sflag:$0x4], $0x200, $0x38;
	[tilespmem:$0x12400] =	vst v63  }
0x1ac: {  	s22 =	sadd.s32 $0x1, s22  }
0x1ad: {  	_ =	swait.ge [sflag:s20], $0x200;
	p0 =	sne.s32 s22, s10  }
.Ltmp4:
0x1ae: {  	[sflag:s20] =	ssyncset.done $0x0;
	(pc) =	sbr.rel @p0 .LBB2_1-.Ltmp4, $4  }
0x1af: {  	[sflag:s20] =	ssyncadd.s32 $0xFFFFFE00  }
0x1b0: {  	_ =	swait.ge [sflag:s21], $0x200  }
0x1b1: {  	[sflag:s21] =	ssyncset.done $0x0  }
0x1b2: {  	[sflag:s21] =	ssyncadd.s32 $0xFFFFFE00  }
0x1b3: {  	_ =	sfence.sel $0x180000  }
0x1b4: {  	[bflag:$0x0] =	sbarrier.arrive $0xFFFF  }
0x1b5: {  	_ =	strace $0x90000047  }
0x1b6: {  	[bflag:$0x2] =	sbarrier.arrive $0xFFFF  }
0x1b7: {  	p0 =	sne.s32 s0, $0x0;
	s0 =	rddreg [dreg:$0x3]  }
0x1b8: {  	s0 =	sadd.s32 @!p0 $0x100000, s0  }
0x1b9: {  	[sflag:s0] =	ssyncadd.tile.s32 @!p0 $0x1;
	_ =	shalt  }
.Lfunc_end2:
_tile_overlayer_lowered:
.L_overlay_start_2:
0x1ba: {  	(tag) =	ssettag $0x2  }
0x1bb: {  	s0 =	rddreg [dreg:$0x0];
	s2 =	stileid.u32  }
0x1bc: {  	s1 =	rddreg [dreg:$0x1];
	p0 =	sne.s32 s2, $0x0  }
0x1bd: {  	s3 =	rddreg [dreg:$0x2];
	[bflag:$0x3] =	sbarrier.arrive $0xFFFF;
	s2 =	simm.s32 @!p0 $0x1C05  }
0x1be: {  	[timem:s3], [sflag:s2] =	dma.local @!p0 [hbm:s0], s1  }
0x1bf: {  	s0 =	simm.s32 @!p0 $0x5  }
0x1c0: {  	_ =	swait.ge @!p0 [sflag:s0], s1  }
0x1c1: {  	s1 =	ssub.s32 @!p0 $0x0, s1;
	[sflag:s0] =	ssyncset.done @!p0 $0x0  }
0x1c2: {  	[sflag:s0] =	ssyncadd.s32 @!p0 s1  }
0x1c3: {  	[bflag:$0x3] =	sbarrier.arrive $0xFFFF  }
0x1c4: {  	_ =	shalt  }

</sc_bundles>
